<compile_context>
chip_gen: v7x
topology: tpu7x:2x2x1
jax: 0.10.2.dev20260603
libtpu: 0.0.44.dev20260713+nightly
codegen_flags: <defaults>
</compile_context>

<pallas_src>
import functools

import jax
import jax.numpy as jnp
from jax import lax
from jax.experimental import pallas as pl
from jax.experimental.pallas import tpu as pltpu
from jax.experimental.pallas import tpu_sc as plsc

N_ITEMS = 100000
AUDIO_DIM = 128
D_MODEL = 128
BATCH = 4096
HIST = 200


_BLK = 14336


def _project_body(x_ref, w_ref, b_ref, o_ref):
    x = x_ref[...]
    w = w_ref[...]
    y = lax.dot_general(x, w, (((1,), (1,)), ((), ())),
                        preferred_element_type=jnp.float32)
    y = y + b_ref[...]
    ss = jnp.sum(y * y, axis=1, keepdims=True)
    o_ref[...] = y * lax.rsqrt(jnp.maximum(ss, 1e-24))


def _project_table(padded_table, W, b):
    n_rows = padded_table.shape[0]
    grid = pl.cdiv(n_rows, _BLK)
    return pl.pallas_call(
        _project_body,
        grid=(grid,),
        in_specs=[
            pl.BlockSpec((_BLK, AUDIO_DIM), lambda i: (i, 0)),
            pl.BlockSpec((D_MODEL, AUDIO_DIM), lambda i: (0, 0)),
            pl.BlockSpec((1, D_MODEL), lambda i: (0, 0)),
        ],
        out_specs=pl.BlockSpec((_BLK, D_MODEL), lambda i: (i, 0)),
        out_shape=jax.ShapeDtypeStruct((n_rows, D_MODEL), jnp.float32),
    )(padded_table, W, b.reshape(1, D_MODEL))



_NC, _NS = 2, 16
_NW = _NC * _NS
_BL = BATCH * HIST
_G = 128
_CH = _BL // (_NW * _G)
_GPB = 2
_CC = _CH // _GPB
_ROWS = _G * _GPB
_NBUF = 3
_LA = 2


def _gather_body(ids_hbm, table_hbm, out_hbm, idx_v, bufs, gs, ws):
    wid = lax.axis_index("s") * _NC + lax.axis_index("c")
    base = wid * (_CH * _G)

    pltpu.sync_copy(ids_hbm.at[wid], idx_v)

    def cstart(c, b):
        for t in range(_GPB):
            k = c * _GPB + t
            for h in range(_G // 16):
                sl = pl.ds(h * 16, 16)
                idx_v[k, sl] = idx_v[k, sl] + 1
            pltpu.async_copy(table_hbm.at[idx_v.at[k]],
                             bufs[b].at[pl.ds(t * _G, _G)], gs[b])

    def cwait(c, b):
        for t in range(_GPB):
            k = c * _GPB + t
            pltpu.make_async_copy(table_hbm.at[idx_v.at[k]],
                                  bufs[b].at[pl.ds(t * _G, _G)],
                                  gs[b]).wait()

    def wstart(c, b):
        pltpu.async_copy(bufs[b],
                         out_hbm.at[pl.ds(base + c * _ROWS, _ROWS)], ws[b])

    def wwait(c, b):
        pltpu.make_async_copy(bufs[b],
                              out_hbm.at[pl.ds(base + c * _ROWS, _ROWS)],
                              ws[b]).wait()

    for c in range(_LA):
        cstart(c, c % _NBUF)

    def step(j, b):
        k = j + _LA
        wwait(k - _NBUF, (b + _LA) % _NBUF)
        cstart(k, (b + _LA) % _NBUF)
        cwait(j, b)
        wstart(j, b)

    for j in range(_NBUF):
        k = j + _LA
        if k >= _NBUF:
            wwait(k - _NBUF, k % _NBUF)
        cstart(k, k % _NBUF)
        cwait(j, j % _NBUF)
        wstart(j, j % _NBUF)

    steady_end = _CC - ((_CC - _NBUF) % _NBUF) - _NBUF
    n_blocks = (steady_end - _NBUF) // _NBUF

    def outer(i, carry):
        j0 = _NBUF + i * _NBUF
        for b in range(_NBUF):
            step(j0 + b, b)
        return carry

    lax.fori_loop(0, n_blocks, outer, 0)

    for j in range(steady_end, _CC):
        k = j + _LA
        if k < _CC:
            wwait(k - _NBUF, k % _NBUF)
            cstart(k, k % _NBUF)
        cwait(j, j % _NBUF)
        wstart(j, j % _NBUF)

    for j in range(_CC - _NBUF, _CC):
        wwait(j, j % _NBUF)


@functools.cache
def _gather_rows_fn():
    @functools.partial(
        pl.kernel,
        out_type=jax.ShapeDtypeStruct((_BL, D_MODEL), jnp.float32),
        mesh=plsc.VectorSubcoreMesh(core_axis_name="c", subcore_axis_name="s"),
        scratch_types=(
            [pltpu.VMEM((_CH, _G), jnp.int32)]
            + [pltpu.VMEM((_ROWS, D_MODEL), jnp.float32)] * _NBUF
            + [pltpu.SemaphoreType.DMA] * (2 * _NBUF)
        ),
    )
    def _gather_rows(ids_hbm, table_hbm, out_hbm, idx_v, *scratch):
        bufs = scratch[:_NBUF]
        gs = scratch[_NBUF:2 * _NBUF]
        ws = scratch[2 * _NBUF:]
        _gather_body(ids_hbm, table_hbm, out_hbm, idx_v, bufs, gs, ws)

    return _gather_rows



def kernel(dense_ids, padded_table, W, b):
    proj = _project_table(padded_table, W, b)
    ids = dense_ids.astype(jnp.int32).reshape(_NW, _CH, _G)
    rows = _gather_rows_fn()(ids, proj)
    return rows.reshape(BATCH, HIST, D_MODEL)

# --- scband reference (transcript-rebuilt; emitter-appended) ---
"""Pipeline reference for scband-pretrained-item-encoder-7112465842661 (READ-ONLY COPY).

The authoritative reference and input builder live on the scoring server;
editing this copy changes nothing except your own understanding.
"""

import jax, jax.numpy as jnp
import numpy as np

N_ITEMS = 100000
AUDIO_DIM = 128
D_MODEL = 128
BATCH = 4096
HIST = 200


def setup_inputs(seed: int = 0) -> dict:
    key = jax.random.key(seed)
    k1, k2, k3 = jax.random.split(key, 3)
    audio = jax.random.normal(k1, (N_ITEMS, AUDIO_DIM), dtype=jnp.float32)
    # padded table: row 0 is frozen zero vector (padding_idx=0)
    padded_table = jnp.zeros((N_ITEMS + 1, AUDIO_DIM), dtype=jnp.float32).at[1:].set(audio)
    # trainable linear projection, trunc-normal init std=0.02, clipped to [-0.04, 0.04]
    W = jax.random.truncated_normal(k2, -2.0, 2.0, (D_MODEL, AUDIO_DIM), dtype=jnp.float32) * 0.02
    b = jnp.zeros((D_MODEL,), dtype=jnp.float32)
    dense_ids = jax.random.randint(k3, (BATCH, HIST), 0, N_ITEMS, dtype=jnp.int64 if jax.config.jax_enable_x64 else jnp.int32)
    return {"dense_ids": dense_ids, "padded_table": padded_table, "W": W, "b": b}


def reference(dense_ids, padded_table, W, b):
    # embedding lookup with internal +1 shift (row 0 never indexed)
    emb = jnp.take(padded_table, dense_ids + 1, axis=0)          # [B, L, audio_dim]
    y = emb @ W.T + b                                             # [B, L, d_model]
    # F.normalize(dim=-1): x / clamp_min(||x||_2, 1e-12)
    norm = jnp.maximum(jnp.linalg.norm(y, axis=-1, keepdims=True), 1e-12)
    return y / norm

if __name__ == "__main__":
    import jax
    _d = setup_inputs()
    print(jax.jit(kernel)(*tuple(_d.values())))

</pallas_src>

<mosaic_0001>
#map = affine_map<(d0, d1) -> (0, 0, 0)>
#map1 = affine_map<(d0, d1) -> (0, 0)>
module attributes {stable_mosaic.version = 14 : i64} {
  func.func @_gather_rows(%arg0: i32, %arg1: i32, %arg2: memref<32x200x128xi32, #tpu.memory_space<hbm>>, %arg3: memref<100001x128xf32, #tpu.memory_space<hbm>>, %arg4: memref<819200x128xf32, #tpu.memory_space<hbm>>, %arg5: memref<200x128xi32, #tpu.memory_space<vmem>>, %arg6: memref<256x128xf32, #tpu.memory_space<vmem>>, %arg7: memref<256x128xf32, #tpu.memory_space<vmem>>, %arg8: memref<256x128xf32, #tpu.memory_space<vmem>>, %arg9: memref<!tpu.dma_semaphore, #tpu.memory_space<semaphore_mem>>, %arg10: memref<!tpu.dma_semaphore, #tpu.memory_space<semaphore_mem>>, %arg11: memref<!tpu.dma_semaphore, #tpu.memory_space<semaphore_mem>>, %arg12: memref<!tpu.dma_semaphore, #tpu.memory_space<semaphore_mem>>, %arg13: memref<!tpu.dma_semaphore, #tpu.memory_space<semaphore_mem>>, %arg14: memref<!tpu.dma_semaphore, #tpu.memory_space<semaphore_mem>>) attributes {dimension_semantics = [#tpu.dimension_semantics<core_parallel>, #tpu.dimension_semantics<subcore_parallel>], iteration_bounds = array<i64: 2, 16>, scalar_prefetch = 0 : i64, scratch_operands = 10 : i64, tpu.core_type = #tpu.core_type<sc_vector_subcore>, window_params = [{transform_indices = #map}, {transform_indices = #map1}, {transform_indices = #map1}]} {
    %mul3A = arith.constant 2 : i32
    %mul3A_0 = arith.muli %arg1, %mul3A : i32
    %add3A = arith.addi %mul3A_0, %arg0 : i32
    %mul3A_1 = arith.constant 25600 : i32
    %mul3A_2 = arith.muli %add3A, %mul3A_1 : i32
    "tpu.region"() ({
      %run_scoped3A = tpu.sem_alloc : memref<!tpu.dma_semaphore, #tpu.memory_space<semaphore_mem>>
      %dma_start3A_1936 = arith.constant 0 : i32
      %dma_start3A_1937 = arith.constant 0 : i32
      %dma_start3A_1938 = tpu.memref_slice %arg2[%add3A, %dma_start3A_1936, %dma_start3A_1937] : memref<32x200x128xi32, #tpu.memory_space<hbm>> -> memref<1x200x128xi32, #tpu.memory_space<hbm>>
      %dma_start3A_1939 = tpu.memref_squeeze %dma_start3A_1938 : memref<1x200x128xi32, #tpu.memory_space<hbm>> -> memref<200x128xi32, #tpu.memory_space<hbm>>
      %dma_start3A_1940 = arith.constant 0 : i32
      %dma_start3A_1941 = arith.constant 0 : i32
      %dma_start3A_1942 = tpu.memref_slice %arg2[%add3A, %dma_start3A_1940, %dma_start3A_1941] : memref<32x200x128xi32, #tpu.memory_space<hbm>> -> memref<1x200x128xi32, #tpu.memory_space<hbm>>
      %dma_start3A_1943 = tpu.memref_squeeze %dma_start3A_1942 : memref<1x200x128xi32, #tpu.memory_space<hbm>> -> memref<200x128xi32, #tpu.memory_space<hbm>>
      tpu.enqueue_dma source(%dma_start3A_1943 : memref<200x128xi32, #tpu.memory_space<hbm>>) target(%arg5 : memref<200x128xi32, #tpu.memory_space<vmem>>) target_semaphore(%run_scoped3A : memref<!tpu.dma_semaphore, #tpu.memory_space<semaphore_mem>>)
      %dma_wait3A_1944 = arith.constant 0 : i32
      %dma_wait3A_1945 = arith.constant 0 : i32
      %dma_wait3A_1946 = tpu.memref_slice %arg2[%add3A, %dma_wait3A_1944, %dma_wait3A_1945] : memref<32x200x128xi32, #tpu.memory_space<hbm>> -> memref<1x200x128xi32, #tpu.memory_space<hbm>>
      %dma_wait3A_1947 = tpu.memref_squeeze %dma_wait3A_1946 : memref<1x200x128xi32, #tpu.memory_space<hbm>> -> memref<200x128xi32, #tpu.memory_space<hbm>>
      %dma_wait3A_1948 = arith.constant 0 : i32
      %dma_wait3A_1949 = arith.constant 0 : i32
      %dma_wait3A_1950 = tpu.memref_slice %arg2[%add3A, %dma_wait3A_1948, %dma_wait3A_1949] : memref<32x200x128xi32, #tpu.memory_space<hbm>> -> memref<1x200x128xi32, #tpu.memory_space<hbm>>
      %dma_wait3A_1951 = tpu.memref_squeeze %dma_wait3A_1950 : memref<1x200x128xi32, #tpu.memory_space<hbm>> -> memref<200x128xi32, #tpu.memory_space<hbm>>
      tpu.wait_dma2 semaphore(%run_scoped3A : memref<!tpu.dma_semaphore, #tpu.memory_space<semaphore_mem>>) src(%dma_wait3A_1951 : memref<200x128xi32, #tpu.memory_space<hbm>>) dst(%arg5 : memref<200x128xi32, #tpu.memory_space<vmem>>)
      tpu.yield
    }) : () -> ()
    %get3A = arith.constant 0 : i32
    %get3A_3 = arith.index_cast %get3A : i32 to index
    %get3A_4 = arith.constant 0 : index
    %get3A_5 = tpu.vector_load %arg5[%get3A_3, %get3A_4] {strides = array<i32>} : memref<200x128xi32, #tpu.memory_space<vmem>>, vector<1x16xi32>,
    %get3A_6 = vector.shape_cast %get3A_5 : vector<1x16xi32> to vector<16xi32>
    %add3A_7 = arith.constant 1 : i32
    %add3A_8 = vector.broadcast %add3A_7 : i32 to vector<16xi32>
    %add3A_9 = arith.addi %get3A_6, %add3A_8 : vector<16xi32>
    %swap3A = arith.constant 0 : i32
    %swap3A_10 = arith.index_cast %swap3A : i32 to index
    %swap3A_11 = arith.constant 0 : index
    %swap3A_12 = tpu.vector_load %arg5[%swap3A_10, %swap3A_11] {strides = array<i32>} : memref<200x128xi32, #tpu.memory_space<vmem>>, vector<1x16xi32>,
    %swap3A_13 = vector.shape_cast %swap3A_12 : vector<1x16xi32> to vector<16xi32>
    %swap3A_14 = vector.shape_cast %add3A_9 : vector<16xi32> to vector<1x16xi32>
    tpu.vector_store %arg5[%swap3A_10, %swap3A_11], %swap3A_14 {strides = array<i32>} : memref<200x128xi32, #tpu.memory_space<vmem>>, vector<1x16xi32>,
    %get3A_15 = arith.constant 0 : i32
    %get3A_16 = arith.index_cast %get3A_15 : i32 to index
    %get3A_17 = arith.constant 16 : index
    %get3A_18 = tpu.vector_load %arg5[%get3A_16, %get3A_17] {strides = array<i32>} : memref<200x128xi32, #tpu.memory_space<vmem>>, vector<1x16xi32>,
    %get3A_19 = vector.shape_cast %get3A_18 : vector<1x16xi32> to vector<16xi32>
    %add3A_20 = arith.constant 1 : i32
    %add3A_21 = vector.broadcast %add3A_20 : i32 to vector<16xi32>
    %add3A_22 = arith.addi %get3A_19, %add3A_21 : vector<16xi32>
    %swap3A_23 = arith.constant 0 : i32
    %swap3A_24 = arith.index_cast %swap3A_23 : i32 to index
    %swap3A_25 = arith.constant 16 : index
    %swap3A_26 = tpu.vector_load %arg5[%swap3A_24, %swap3A_25] {strides = array<i32>} : memref<200x128xi32, #tpu.memory_space<vmem>>, vector<1x16xi32>,
    %swap3A_27 = vector.shape_cast %swap3A_26 : vector<1x16xi32> to vector<16xi32>
    %swap3A_28 = vector.shape_cast %add3A_22 : vector<16xi32> to vector<1x16xi32>
    tpu.vector_store %arg5[%swap3A_24, %swap3A_25], %swap3A_28 {strides = array<i32>} : memref<200x128xi32, #tpu.memory_space<vmem>>, vector<1x16xi32>,
    %get3A_29 = arith.constant 0 : i32
    %get3A_30 = arith.index_cast %get3A_29 : i32 to index
    %get3A_31 = arith.constant 32 : index
    %get3A_32 = tpu.vector_load %arg5[%get3A_30, %get3A_31] {strides = array<i32>} : memref<200x128xi32, #tpu.memory_space<vmem>>, vector<1x16xi32>,
    %get3A_33 = vector.shape_cast %get3A_32 : vector<1x16xi32> to vector<16xi32>
    %add3A_34 = arith.constant 1 : i32
    %add3A_35 = vector.broadcast %add3A_34 : i32 to vector<16xi32>
    %add3A_36 = arith.addi %get3A_33, %add3A_35 : vector<16xi32>
    %swap3A_37 = arith.constant 0 : i32
    %swap3A_38 = arith.index_cast %swap3A_37 : i32 to index
    %swap3A_39 = arith.constant 32 : index
    %swap3A_40 = tpu.vector_load %arg5[%swap3A_38, %swap3A_39] {strides = array<i32>} : memref<200x128xi32, #tpu.memory_space<vmem>>, vector<1x16xi32>,
    %swap3A_41 = vector.shape_cast %swap3A_40 : vector<1x16xi32> to vector<16xi32>
    %swap3A_42 = vector.shape_cast %add3A_36 : vector<16xi32> to vector<1x16xi32>
    tpu.vector_store %arg5[%swap3A_38, %swap3A_39], %swap3A_42 {strides = array<i32>} : memref<200x128xi32, #tpu.memory_space<vmem>>, vector<1x16xi32>,
    %get3A_43 = arith.constant 0 : i32
    %get3A_44 = arith.index_cast %get3A_43 : i32 to index
    %get3A_45 = arith.constant 48 : index
    %get3A_46 = tpu.vector_load %arg5[%get3A_44, %get3A_45] {strides = array<i32>} : memref<200x128xi32, #tpu.memory_space<vmem>>, vector<1x16xi32>,
    %get3A_47 = vector.shape_cast %get3A_46 : vector<1x16xi32> to vector<16xi32>
    %add3A_48 = arith.constant 1 : i32
    %add3A_49 = vector.broadcast %add3A_48 : i32 to vector<16xi32>
    %add3A_50 = arith.addi %get3A_47, %add3A_49 : vector<16xi32>
    %swap3A_51 = arith.constant 0 : i32
    %swap3A_52 = arith.index_cast %swap3A_51 : i32 to index
    %swap3A_53 = arith.constant 48 : index
    %swap3A_54 = tpu.vector_load %arg5[%swap3A_52, %swap3A_53] {strides = array<i32>} : memref<200x128xi32, #tpu.memory_space<vmem>>, vector<1x16xi32>,
    %swap3A_55 = vector.shape_cast %swap3A_54 : vector<1x16xi32> to vector<16xi32>
    %swap3A_56 = vector.shape_cast %add3A_50 : vector<16xi32> to vector<1x16xi32>
    tpu.vector_store %arg5[%swap3A_52, %swap3A_53], %swap3A_56 {strides = array<i32>} : memref<200x128xi32, #tpu.memory_space<vmem>>, vector<1x16xi32>,
    %get3A_57 = arith.constant 0 : i32
    %get3A_58 = arith.index_cast %get3A_57 : i32 to index
    %get3A_59 = arith.constant 64 : index
    %get3A_60 = tpu.vector_load %arg5[%get3A_58, %get3A_59] {strides = array<i32>} : memref<200x128xi32, #tpu.memory_space<vmem>>, vector<1x16xi32>,
    %get3A_61 = vector.shape_cast %get3A_60 : vector<1x16xi32> to vector<16xi32>
    %add3A_62 = arith.constant 1 : i32
    %add3A_63 = vector.broadcast %add3A_62 : i32 to vector<16xi32>
    %add3A_64 = arith.addi %get3A_61, %add3A_63 : vector<16xi32>
    %swap3A_65 = arith.constant 0 : i32
    %swap3A_66 = arith.index_cast %swap3A_65 : i32 to index
    %swap3A_67 = arith.constant 64 : index
    %swap3A_68 = tpu.vector_load %arg5[%swap3A_66, %swap3A_67] {strides = array<i32>} : memref<200x128xi32, #tpu.memory_space<vmem>>, vector<1x16xi32>,
    %swap3A_69 = vector.shape_cast %swap3A_68 : vector<1x16xi32> to vector<16xi32>
    %swap3A_70 = vector.shape_cast %add3A_64 : vector<16xi32> to vector<1x16xi32>
    tpu.vector_store %arg5[%swap3A_66, %swap3A_67], %swap3A_70 {strides = array<i32>} : memref<200x128xi32, #tpu.memory_space<vmem>>, vector<1x16xi32>,
    %get3A_71 = arith.constant 0 : i32
    %get3A_72 = arith.index_cast %get3A_71 : i32 to index
    %get3A_73 = arith.constant 80 : index
    %get3A_74 = tpu.vector_load %arg5[%get3A_72, %get3A_73] {strides = array<i32>} : memref<200x128xi32, #tpu.memory_space<vmem>>, vector<1x16xi32>,
    %get3A_75 = vector.shape_cast %get3A_74 : vector<1x16xi32> to vector<16xi32>
    %add3A_76 = arith.constant 1 : i32
    %add3A_77 = vector.broadcast %add3A_76 : i32 to vector<16xi32>
    %add3A_78 = arith.addi %get3A_75, %add3A_77 : vector<16xi32>
    %swap3A_79 = arith.constant 0 : i32
    %swap3A_80 = arith.index_cast %swap3A_79 : i32 to index
    %swap3A_81 = arith.constant 80 : index
    %swap3A_82 = tpu.vector_load %arg5[%swap3A_80, %swap3A_81] {strides = array<i32>} : memref<200x128xi32, #tpu.memory_space<vmem>>, vector<1x16xi32>,
    %swap3A_83 = vector.shape_cast %swap3A_82 : vector<1x16xi32> to vector<16xi32>
    %swap3A_84 = vector.shape_cast %add3A_78 : vector<16xi32> to vector<1x16xi32>
    tpu.vector_store %arg5[%swap3A_80, %swap3A_81], %swap3A_84 {strides = array<i32>} : memref<200x128xi32, #tpu.memory_space<vmem>>, vector<1x16xi32>,
    %get3A_85 = arith.constant 0 : i32
    %get3A_86 = arith.index_cast %get3A_85 : i32 to index
    %get3A_87 = arith.constant 96 : index
    %get3A_88 = tpu.vector_load %arg5[%get3A_86, %get3A_87] {strides = array<i32>} : memref<200x128xi32, #tpu.memory_space<vmem>>, vector<1x16xi32>,
    %get3A_89 = vector.shape_cast %get3A_88 : vector<1x16xi32> to vector<16xi32>
    %add3A_90 = arith.constant 1 : i32
    %add3A_91 = vector.broadcast %add3A_90 : i32 to vector<16xi32>
    %add3A_92 = arith.addi %get3A_89, %add3A_91 : vector<16xi32>
    %swap3A_93 = arith.constant 0 : i32
    %swap3A_94 = arith.index_cast %swap3A_93 : i32 to index
    %swap3A_95 = arith.constant 96 : index
    %swap3A_96 = tpu.vector_load %arg5[%swap3A_94, %swap3A_95] {strides = array<i32>} : memref<200x128xi32, #tpu.memory_space<vmem>>, vector<1x16xi32>,
    %swap3A_97 = vector.shape_cast %swap3A_96 : vector<1x16xi32> to vector<16xi32>
    %swap3A_98 = vector.shape_cast %add3A_92 : vector<16xi32> to vector<1x16xi32>
    tpu.vector_store %arg5[%swap3A_94, %swap3A_95], %swap3A_98 {strides = array<i32>} : memref<200x128xi32, #tpu.memory_space<vmem>>, vector<1x16xi32>,
    %get3A_99 = arith.constant 0 : i32
    %get3A_100 = arith.index_cast %get3A_99 : i32 to index
    %get3A_101 = arith.constant 112 : index
    %get3A_102 = tpu.vector_load %arg5[%get3A_100, %get3A_101] {strides = array<i32>} : memref<200x128xi32, #tpu.memory_space<vmem>>, vector<1x16xi32>,
    %get3A_103 = vector.shape_cast %get3A_102 : vector<1x16xi32> to vector<16xi32>
    %add3A_104 = arith.constant 1 : i32
    %add3A_105 = vector.broadcast %add3A_104 : i32 to vector<16xi32>
    %add3A_106 = arith.addi %get3A_103, %add3A_105 : vector<16xi32>
    %swap3A_107 = arith.constant 0 : i32
    %swap3A_108 = arith.index_cast %swap3A_107 : i32 to index
    %swap3A_109 = arith.constant 112 : index
    %swap3A_110 = tpu.vector_load %arg5[%swap3A_108, %swap3A_109] {strides = array<i32>} : memref<200x128xi32, #tpu.memory_space<vmem>>, vector<1x16xi32>,
    %swap3A_111 = vector.shape_cast %swap3A_110 : vector<1x16xi32> to vector<16xi32>
    %swap3A_112 = vector.shape_cast %add3A_106 : vector<16xi32> to vector<1x16xi32>
    tpu.vector_store %arg5[%swap3A_108, %swap3A_109], %swap3A_112 {strides = array<i32>} : memref<200x128xi32, #tpu.memory_space<vmem>>, vector<1x16xi32>,
    %dma_start3A = arith.constant 0 : i32
    %dma_start3A_113 = arith.constant 0 : i32
    %dma_start3A_114 = arith.constant 0 : i32
    %dma_start3A_115 = tpu.memref_slice %arg6[%dma_start3A_113, %dma_start3A_114] : memref<256x128xf32, #tpu.memory_space<vmem>> -> memref<128x128xf32, #tpu.memory_space<vmem>>
    %dma_start3A_116 = arith.constant 0 : i32
    %dma_start3A_117 = tpu.memref_slice %arg5[%dma_start3A, %dma_start3A_116] : memref<200x128xi32, #tpu.memory_space<vmem>> -> memref<1x128xi32, #tpu.memory_space<vmem>>
    %dma_start3A_118 = tpu.memref_squeeze %dma_start3A_117 : memref<1x128xi32, #tpu.memory_space<vmem>> -> memref<128xi32, #tpu.memory_space<vmem>>
    %dma_start3A_119 = arith.constant 0 : i32
    %dma_start3A_120 = arith.constant 0 : i32
    %dma_start3A_121 = tpu.memref_slice %arg3[%dma_start3A_119, %dma_start3A_120] : memref<100001x128xf32, #tpu.memory_space<hbm>> -> memref<100001x128xf32, #tpu.memory_space<hbm>>
    tpu.enqueue_indirect_dma source(%dma_start3A_121 : memref<100001x128xf32, #tpu.memory_space<hbm>>) target(%dma_start3A_115 : memref<128x128xf32, #tpu.memory_space<vmem>>) offsets(%dma_start3A_118 : memref<128xi32, #tpu.memory_space<vmem>>) semaphore(%arg9 : memref<!tpu.dma_semaphore, #tpu.memory_space<semaphore_mem>>)
    %get3A_122 = arith.constant 1 : i32
    %get3A_123 = arith.index_cast %get3A_122 : i32 to index
    %get3A_124 = arith.constant 0 : index
    %get3A_125 = tpu.vector_load %arg5[%get3A_123, %get3A_124] {strides = array<i32>} : memref<200x128xi32, #tpu.memory_space<vmem>>, vector<1x16xi32>,
    %get3A_126 = vector.shape_cast %get3A_125 : vector<1x16xi32> to vector<16xi32>
    %add3A_127 = arith.constant 1 : i32
    %add3A_128 = vector.broadcast %add3A_127 : i32 to vector<16xi32>
    %add3A_129 = arith.addi %get3A_126, %add3A_128 : vector<16xi32>
    %swap3A_130 = arith.constant 1 : i32
    %swap3A_131 = arith.index_cast %swap3A_130 : i32 to index
    %swap3A_132 = arith.constant 0 : index
    %swap3A_133 = tpu.vector_load %arg5[%swap3A_131, %swap3A_132] {strides = array<i32>} : memref<200x128xi32, #tpu.memory_space<vmem>>, vector<1x16xi32>,
    %swap3A_134 = vector.shape_cast %swap3A_133 : vector<1x16xi32> to vector<16xi32>
    %swap3A_135 = vector.shape_cast %add3A_129 : vector<16xi32> to vector<1x16xi32>
    tpu.vector_store %arg5[%swap3A_131, %swap3A_132], %swap3A_135 {strides = array<i32>} : memref<200x128xi32, #tpu.memory_space<vmem>>, vector<1x16xi32>,
    %get3A_136 = arith.constant 1 : i32
    %get3A_137 = arith.index_cast %get3A_136 : i32 to index
    %get3A_138 = arith.constant 16 : index
    %get3A_139 = tpu.vector_load %arg5[%get3A_137, %get3A_138] {strides = array<i32>} : memref<200x128xi32, #tpu.memory_space<vmem>>, vector<1x16xi32>,
    %get3A_140 = vector.shape_cast %get3A_139 : vector<1x16xi32> to vector<16xi32>
    %add3A_141 = arith.constant 1 : i32
    %add3A_142 = vector.broadcast %add3A_141 : i32 to vector<16xi32>
    %add3A_143 = arith.addi %get3A_140, %add3A_142 : vector<16xi32>
    %swap3A_144 = arith.constant 1 : i32
    %swap3A_145 = arith.index_cast %swap3A_144 : i32 to index
    %swap3A_146 = arith.constant 16 : index
    %swap3A_147 = tpu.vector_load %arg5[%swap3A_145, %swap3A_146] {strides = array<i32>} : memref<200x128xi32, #tpu.memory_space<vmem>>, vector<1x16xi32>,
    %swap3A_148 = vector.shape_cast %swap3A_147 : vector<1x16xi32> to vector<16xi32>
    %swap3A_149 = vector.shape_cast %add3A_143 : vector<16xi32> to vector<1x16xi32>
    tpu.vector_store %arg5[%swap3A_145, %swap3A_146], %swap3A_149 {strides = array<i32>} : memref<200x128xi32, #tpu.memory_space<vmem>>, vector<1x16xi32>,
    %get3A_150 = arith.constant 1 : i32
    %get3A_151 = arith.index_cast %get3A_150 : i32 to index
    %get3A_152 = arith.constant 32 : index
    %get3A_153 = tpu.vector_load %arg5[%get3A_151, %get3A_152] {strides = array<i32>} : memref<200x128xi32, #tpu.memory_space<vmem>>, vector<1x16xi32>,
    %get3A_154 = vector.shape_cast %get3A_153 : vector<1x16xi32> to vector<16xi32>
    %add3A_155 = arith.constant 1 : i32
    %add3A_156 = vector.broadcast %add3A_155 : i32 to vector<16xi32>
    %add3A_157 = arith.addi %get3A_154, %add3A_156 : vector<16xi32>
    %swap3A_158 = arith.constant 1 : i32
    %swap3A_159 = arith.index_cast %swap3A_158 : i32 to index
    %swap3A_160 = arith.constant 32 : index
    %swap3A_161 = tpu.vector_load %arg5[%swap3A_159, %swap3A_160] {strides = array<i32>} : memref<200x128xi32, #tpu.memory_space<vmem>>, vector<1x16xi32>,
    %swap3A_162 = vector.shape_cast %swap3A_161 : vector<1x16xi32> to vector<16xi32>
    %swap3A_163 = vector.shape_cast %add3A_157 : vector<16xi32> to vector<1x16xi32>
    tpu.vector_store %arg5[%swap3A_159, %swap3A_160], %swap3A_163 {strides = array<i32>} : memref<200x128xi32, #tpu.memory_space<vmem>>, vector<1x16xi32>,
    %get3A_164 = arith.constant 1 : i32
    %get3A_165 = arith.index_cast %get3A_164 : i32 to index
    %get3A_166 = arith.constant 48 : index
    %get3A_167 = tpu.vector_load %arg5[%get3A_165, %get3A_166] {strides = array<i32>} : memref<200x128xi32, #tpu.memory_space<vmem>>, vector<1x16xi32>,
    %get3A_168 = vector.shape_cast %get3A_167 : vector<1x16xi32> to vector<16xi32>
    %add3A_169 = arith.constant 1 : i32
    %add3A_170 = vector.broadcast %add3A_169 : i32 to vector<16xi32>
    %add3A_171 = arith.addi %get3A_168, %add3A_170 : vector<16xi32>
    %swap3A_172 = arith.constant 1 : i32
    %swap3A_173 = arith.index_cast %swap3A_172 : i32 to index
    %swap3A_174 = arith.constant 48 : index
    %swap3A_175 = tpu.vector_load %arg5[%swap3A_173, %swap3A_174] {strides = array<i32>} : memref<200x128xi32, #tpu.memory_space<vmem>>, vector<1x16xi32>,
    %swap3A_176 = vector.shape_cast %swap3A_175 : vector<1x16xi32> to vector<16xi32>
    %swap3A_177 = vector.shape_cast %add3A_171 : vector<16xi32> to vector<1x16xi32>
    tpu.vector_store %arg5[%swap3A_173, %swap3A_174], %swap3A_177 {strides = array<i32>} : memref<200x128xi32, #tpu.memory_space<vmem>>, vector<1x16xi32>,
    %get3A_178 = arith.constant 1 : i32
    %get3A_179 = arith.index_cast %get3A_178 : i32 to index
    %get3A_180 = arith.constant 64 : index
    %get3A_181 = tpu.vector_load %arg5[%get3A_179, %get3A_180] {strides = array<i32>} : memref<200x128xi32, #tpu.memory_space<vmem>>, vector<1x16xi32>,
    %get3A_182 = vector.shape_cast %get3A_181 : vector<1x16xi32> to vector<16xi32>
    %add3A_183 = arith.constant 1 : i32
    %add3A_184 = vector.broadcast %add3A_183 : i32 to vector<16xi32>
    %add3A_185 = arith.addi %get3A_182, %add3A_184 : vector<16xi32>
    %swap3A_186 = arith.constant 1 : i32
    %swap3A_187 = arith.index_cast %swap3A_186 : i32 to index
    %swap3A_188 = arith.constant 64 : index
    %swap3A_189 = tpu.vector_load %arg5[%swap3A_187, %swap3A_188] {strides = array<i32>} : memref<200x128xi32, #tpu.memory_space<vmem>>, vector<1x16xi32>,
    %swap3A_190 = vector.shape_cast %swap3A_189 : vector<1x16xi32> to vector<16xi32>
    %swap3A_191 = vector.shape_cast %add3A_185 : vector<16xi32> to vector<1x16xi32>
    tpu.vector_store %arg5[%swap3A_187, %swap3A_188], %swap3A_191 {strides = array<i32>} : memref<200x128xi32, #tpu.memory_space<vmem>>, vector<1x16xi32>,
    %get3A_192 = arith.constant 1 : i32
    %get3A_193 = arith.index_cast %get3A_192 : i32 to index
    %get3A_194 = arith.constant 80 : index
    %get3A_195 = tpu.vector_load %arg5[%get3A_193, %get3A_194] {strides = array<i32>} : memref<200x128xi32, #tpu.memory_space<vmem>>, vector<1x16xi32>,
    %get3A_196 = vector.shape_cast %get3A_195 : vector<1x16xi32> to vector<16xi32>
    %add3A_197 = arith.constant 1 : i32
    %add3A_198 = vector.broadcast %add3A_197 : i32 to vector<16xi32>
    %add3A_199 = arith.addi %get3A_196, %add3A_198 : vector<16xi32>
    %swap3A_200 = arith.constant 1 : i32
    %swap3A_201 = arith.index_cast %swap3A_200 : i32 to index
    %swap3A_202 = arith.constant 80 : index
    %swap3A_203 = tpu.vector_load %arg5[%swap3A_201, %swap3A_202] {strides = array<i32>} : memref<200x128xi32, #tpu.memory_space<vmem>>, vector<1x16xi32>,
    %swap3A_204 = vector.shape_cast %swap3A_203 : vector<1x16xi32> to vector<16xi32>
    %swap3A_205 = vector.shape_cast %add3A_199 : vector<16xi32> to vector<1x16xi32>
    tpu.vector_store %arg5[%swap3A_201, %swap3A_202], %swap3A_205 {strides = array<i32>} : memref<200x128xi32, #tpu.memory_space<vmem>>, vector<1x16xi32>,
    %get3A_206 = arith.constant 1 : i32
    %get3A_207 = arith.index_cast %get3A_206 : i32 to index
    %get3A_208 = arith.constant 96 : index
    %get3A_209 = tpu.vector_load %arg5[%get3A_207, %get3A_208] {strides = array<i32>} : memref<200x128xi32, #tpu.memory_space<vmem>>, vector<1x16xi32>,
    %get3A_210 = vector.shape_cast %get3A_209 : vector<1x16xi32> to vector<16xi32>
    %add3A_211 = arith.constant 1 : i32
    %add3A_212 = vector.broadcast %add3A_211 : i32 to vector<16xi32>
    %add3A_213 = arith.addi %get3A_210, %add3A_212 : vector<16xi32>
    %swap3A_214 = arith.constant 1 : i32
    %swap3A_215 = arith.index_cast %swap3A_214 : i32 to index
    %swap3A_216 = arith.constant 96 : index
    %swap3A_217 = tpu.vector_load %arg5[%swap3A_215, %swap3A_216] {strides = array<i32>} : memref<200x128xi32, #tpu.memory_space<vmem>>, vector<1x16xi32>,
    %swap3A_218 = vector.shape_cast %swap3A_217 : vector<1x16xi32> to vector<16xi32>
    %swap3A_219 = vector.shape_cast %add3A_213 : vector<16xi32> to vector<1x16xi32>
    tpu.vector_store %arg5[%swap3A_215, %swap3A_216], %swap3A_219 {strides = array<i32>} : memref<200x128xi32, #tpu.memory_space<vmem>>, vector<1x16xi32>,
    %get3A_220 = arith.constant 1 : i32
    %get3A_221 = arith.index_cast %get3A_220 : i32 to index
    %get3A_222 = arith.constant 112 : index
    %get3A_223 = tpu.vector_load %arg5[%get3A_221, %get3A_222] {strides = array<i32>} : memref<200x128xi32, #tpu.memory_space<vmem>>, vector<1x16xi32>,
    %get3A_224 = vector.shape_cast %get3A_223 : vector<1x16xi32> to vector<16xi32>
    %add3A_225 = arith.constant 1 : i32
    %add3A_226 = vector.broadcast %add3A_225 : i32 to vector<16xi32>
    %add3A_227 = arith.addi %get3A_224, %add3A_226 : vector<16xi32>
    %swap3A_228 = arith.constant 1 : i32
    %swap3A_229 = arith.index_cast %swap3A_228 : i32 to index
    %swap3A_230 = arith.constant 112 : index
    %swap3A_231 = tpu.vector_load %arg5[%swap3A_229, %swap3A_230] {strides = array<i32>} : memref<200x128xi32, #tpu.memory_space<vmem>>, vector<1x16xi32>,
    %swap3A_232 = vector.shape_cast %swap3A_231 : vector<1x16xi32> to vector<16xi32>
    %swap3A_233 = vector.shape_cast %add3A_227 : vector<16xi32> to vector<1x16xi32>
    tpu.vector_store %arg5[%swap3A_229, %swap3A_230], %swap3A_233 {strides = array<i32>} : memref<200x128xi32, #tpu.memory_space<vmem>>, vector<1x16xi32>,
    %dma_start3A_234 = arith.constant 1 : i32
    %dma_start3A_235 = arith.constant 128 : i32
    %dma_start3A_236 = arith.constant 0 : i32
    %dma_start3A_237 = tpu.memref_slice %arg6[%dma_start3A_235, %dma_start3A_236] : memref<256x128xf32, #tpu.memory_space<vmem>> -> memref<128x128xf32, #tpu.memory_space<vmem>>
    %dma_start3A_238 = arith.constant 0 : i32
    %dma_start3A_239 = tpu.memref_slice %arg5[%dma_start3A_234, %dma_start3A_238] : memref<200x128xi32, #tpu.memory_space<vmem>> -> memref<1x128xi32, #tpu.memory_space<vmem>>
    %dma_start3A_240 = tpu.memref_squeeze %dma_start3A_239 : memref<1x128xi32, #tpu.memory_space<vmem>> -> memref<128xi32, #tpu.memory_space<vmem>>
    %dma_start3A_241 = arith.constant 0 : i32
    %dma_start3A_242 = arith.constant 0 : i32
    %dma_start3A_243 = tpu.memref_slice %arg3[%dma_start3A_241, %dma_start3A_242] : memref<100001x128xf32, #tpu.memory_space<hbm>> -> memref<100001x128xf32, #tpu.memory_space<hbm>>
    tpu.enqueue_indirect_dma source(%dma_start3A_243 : memref<100001x128xf32, #tpu.memory_space<hbm>>) target(%dma_start3A_237 : memref<128x128xf32, #tpu.memory_space<vmem>>) offsets(%dma_start3A_240 : memref<128xi32, #tpu.memory_space<vmem>>) semaphore(%arg9 : memref<!tpu.dma_semaphore, #tpu.memory_space<semaphore_mem>>)
    %get3A_244 = arith.constant 2 : i32
    %get3A_245 = arith.index_cast %get3A_244 : i32 to index
    %get3A_246 = arith.constant 0 : index
    %get3A_247 = tpu.vector_load %arg5[%get3A_245, %get3A_246] {strides = array<i32>} : memref<200x128xi32, #tpu.memory_space<vmem>>, vector<1x16xi32>,
    %get3A_248 = vector.shape_cast %get3A_247 : vector<1x16xi32> to vector<16xi32>
    %add3A_249 = arith.constant 1 : i32
    %add3A_250 = vector.broadcast %add3A_249 : i32 to vector<16xi32>
    %add3A_251 = arith.addi %get3A_248, %add3A_250 : vector<16xi32>
    %swap3A_252 = arith.constant 2 : i32
    %swap3A_253 = arith.index_cast %swap3A_252 : i32 to index
    %swap3A_254 = arith.constant 0 : index
    %swap3A_255 = tpu.vector_load %arg5[%swap3A_253, %swap3A_254] {strides = array<i32>} : memref<200x128xi32, #tpu.memory_space<vmem>>, vector<1x16xi32>,
    %swap3A_256 = vector.shape_cast %swap3A_255 : vector<1x16xi32> to vector<16xi32>
    %swap3A_257 = vector.shape_cast %add3A_251 : vector<16xi32> to vector<1x16xi32>
    tpu.vector_store %arg5[%swap3A_253, %swap3A_254], %swap3A_257 {strides = array<i32>} : memref<200x128xi32, #tpu.memory_space<vmem>>, vector<1x16xi32>,
    %get3A_258 = arith.constant 2 : i32
    %get3A_259 = arith.index_cast %get3A_258 : i32 to index
    %get3A_260 = arith.constant 16 : index
    %get3A_261 = tpu.vector_load %arg5[%get3A_259, %get3A_260] {strides = array<i32>} : memref<200x128xi32, #tpu.memory_space<vmem>>, vector<1x16xi32>,
    %get3A_262 = vector.shape_cast %get3A_261 : vector<1x16xi32> to vector<16xi32>
    %add3A_263 = arith.constant 1 : i32
    %add3A_264 = vector.broadcast %add3A_263 : i32 to vector<16xi32>
    %add3A_265 = arith.addi %get3A_262, %add3A_264 : vector<16xi32>
    %swap3A_266 = arith.constant 2 : i32
    %swap3A_267 = arith.index_cast %swap3A_266 : i32 to index
    %swap3A_268 = arith.constant 16 : index
    %swap3A_269 = tpu.vector_load %arg5[%swap3A_267, %swap3A_268] {strides = array<i32>} : memref<200x128xi32, #tpu.memory_space<vmem>>, vector<1x16xi32>,
    %swap3A_270 = vector.shape_cast %swap3A_269 : vector<1x16xi32> to vector<16xi32>
    %swap3A_271 = vector.shape_cast %add3A_265 : vector<16xi32> to vector<1x16xi32>
    tpu.vector_store %arg5[%swap3A_267, %swap3A_268], %swap3A_271 {strides = array<i32>} : memref<200x128xi32, #tpu.memory_space<vmem>>, vector<1x16xi32>,
    %get3A_272 = arith.constant 2 : i32
    %get3A_273 = arith.index_cast %get3A_272 : i32 to index
    %get3A_274 = arith.constant 32 : index
    %get3A_275 = tpu.vector_load %arg5[%get3A_273, %get3A_274] {strides = array<i32>} : memref<200x128xi32, #tpu.memory_space<vmem>>, vector<1x16xi32>,
    %get3A_276 = vector.shape_cast %get3A_275 : vector<1x16xi32> to vector<16xi32>
    %add3A_277 = arith.constant 1 : i32
    %add3A_278 = vector.broadcast %add3A_277 : i32 to vector<16xi32>
    %add3A_279 = arith.addi %get3A_276, %add3A_278 : vector<16xi32>
    %swap3A_280 = arith.constant 2 : i32
    %swap3A_281 = arith.index_cast %swap3A_280 : i32 to index
    %swap3A_282 = arith.constant 32 : index
    %swap3A_283 = tpu.vector_load %arg5[%swap3A_281, %swap3A_282] {strides = array<i32>} : memref<200x128xi32, #tpu.memory_space<vmem>>, vector<1x16xi32>,
    %swap3A_284 = vector.shape_cast %swap3A_283 : vector<1x16xi32> to vector<16xi32>
    %swap3A_285 = vector.shape_cast %add3A_279 : vector<16xi32> to vector<1x16xi32>
    tpu.vector_store %arg5[%swap3A_281, %swap3A_282], %swap3A_285 {strides = array<i32>} : memref<200x128xi32, #tpu.memory_space<vmem>>, vector<1x16xi32>,
    %get3A_286 = arith.constant 2 : i32
    %get3A_287 = arith.index_cast %get3A_286 : i32 to index
    %get3A_288 = arith.constant 48 : index
    %get3A_289 = tpu.vector_load %arg5[%get3A_287, %get3A_288] {strides = array<i32>} : memref<200x128xi32, #tpu.memory_space<vmem>>, vector<1x16xi32>,
    %get3A_290 = vector.shape_cast %get3A_289 : vector<1x16xi32> to vector<16xi32>
    %add3A_291 = arith.constant 1 : i32
    %add3A_292 = vector.broadcast %add3A_291 : i32 to vector<16xi32>
    %add3A_293 = arith.addi %get3A_290, %add3A_292 : vector<16xi32>
    %swap3A_294 = arith.constant 2 : i32
    %swap3A_295 = arith.index_cast %swap3A_294 : i32 to index
    %swap3A_296 = arith.constant 48 : index
    %swap3A_297 = tpu.vector_load %arg5[%swap3A_295, %swap3A_296] {strides = array<i32>} : memref<200x128xi32, #tpu.memory_space<vmem>>, vector<1x16xi32>,
    %swap3A_298 = vector.shape_cast %swap3A_297 : vector<1x16xi32> to vector<16xi32>
    %swap3A_299 = vector.shape_cast %add3A_293 : vector<16xi32> to vector<1x16xi32>
    tpu.vector_store %arg5[%swap3A_295, %swap3A_296], %swap3A_299 {strides = array<i32>} : memref<200x128xi32, #tpu.memory_space<vmem>>, vector<1x16xi32>,
    %get3A_300 = arith.constant 2 : i32
    %get3A_301 = arith.index_cast %get3A_300 : i32 to index
    %get3A_302 = arith.constant 64 : index
    %get3A_303 = tpu.vector_load %arg5[%get3A_301, %get3A_302] {strides = array<i32>} : memref<200x128xi32, #tpu.memory_space<vmem>>, vector<1x16xi32>,
    %get3A_304 = vector.shape_cast %get3A_303 : vector<1x16xi32> to vector<16xi32>
    %add3A_305 = arith.constant 1 : i32
    %add3A_306 = vector.broadcast %add3A_305 : i32 to vector<16xi32>
    %add3A_307 = arith.addi %get3A_304, %add3A_306 : vector<16xi32>
    %swap3A_308 = arith.constant 2 : i32
    %swap3A_309 = arith.index_cast %swap3A_308 : i32 to index
    %swap3A_310 = arith.constant 64 : index
    %swap3A_311 = tpu.vector_load %arg5[%swap3A_309, %swap3A_310] {strides = array<i32>} : memref<200x128xi32, #tpu.memory_space<vmem>>, vector<1x16xi32>,
    %swap3A_312 = vector.shape_cast %swap3A_311 : vector<1x16xi32> to vector<16xi32>
    %swap3A_313 = vector.shape_cast %add3A_307 : vector<16xi32> to vector<1x16xi32>
    tpu.vector_store %arg5[%swap3A_309, %swap3A_310], %swap3A_313 {strides = array<i32>} : memref<200x128xi32, #tpu.memory_space<vmem>>, vector<1x16xi32>,
    %get3A_314 = arith.constant 2 : i32
    %get3A_315 = arith.index_cast %get3A_314 : i32 to index
    %get3A_316 = arith.constant 80 : index
    %get3A_317 = tpu.vector_load %arg5[%get3A_315, %get3A_316] {strides = array<i32>} : memref<200x128xi32, #tpu.memory_space<vmem>>, vector<1x16xi32>,
    %get3A_318 = vector.shape_cast %get3A_317 : vector<1x16xi32> to vector<16xi32>
    %add3A_319 = arith.constant 1 : i32
    %add3A_320 = vector.broadcast %add3A_319 : i32 to vector<16xi32>
    %add3A_321 = arith.addi %get3A_318, %add3A_320 : vector<16xi32>
    %swap3A_322 = arith.constant 2 : i32
    %swap3A_323 = arith.index_cast %swap3A_322 : i32 to index
    %swap3A_324 = arith.constant 80 : index
    %swap3A_325 = tpu.vector_load %arg5[%swap3A_323, %swap3A_324] {strides = array<i32>} : memref<200x128xi32, #tpu.memory_space<vmem>>, vector<1x16xi32>,
    %swap3A_326 = vector.shape_cast %swap3A_325 : vector<1x16xi32> to vector<16xi32>
    %swap3A_327 = vector.shape_cast %add3A_321 : vector<16xi32> to vector<1x16xi32>
    tpu.vector_store %arg5[%swap3A_323, %swap3A_324], %swap3A_327 {strides = array<i32>} : memref<200x128xi32, #tpu.memory_space<vmem>>, vector<1x16xi32>,
    %get3A_328 = arith.constant 2 : i32
    %get3A_329 = arith.index_cast %get3A_328 : i32 to index
    %get3A_330 = arith.constant 96 : index
    %get3A_331 = tpu.vector_load %arg5[%get3A_329, %get3A_330] {strides = array<i32>} : memref<200x128xi32, #tpu.memory_space<vmem>>, vector<1x16xi32>,
    %get3A_332 = vector.shape_cast %get3A_331 : vector<1x16xi32> to vector<16xi32>
    %add3A_333 = arith.constant 1 : i32
    %add3A_334 = vector.broadcast %add3A_333 : i32 to vector<16xi32>
    %add3A_335 = arith.addi %get3A_332, %add3A_334 : vector<16xi32>
    %swap3A_336 = arith.constant 2 : i32
    %swap3A_337 = arith.index_cast %swap3A_336 : i32 to index
    %swap3A_338 = arith.constant 96 : index
    %swap3A_339 = tpu.vector_load %arg5[%swap3A_337, %swap3A_338] {strides = array<i32>} : memref<200x128xi32, #tpu.memory_space<vmem>>, vector<1x16xi32>,
    %swap3A_340 = vector.shape_cast %swap3A_339 : vector<1x16xi32> to vector<16xi32>
    %swap3A_341 = vector.shape_cast %add3A_335 : vector<16xi32> to vector<1x16xi32>
    tpu.vector_store %arg5[%swap3A_337, %swap3A_338], %swap3A_341 {strides = array<i32>} : memref<200x128xi32, #tpu.memory_space<vmem>>, vector<1x16xi32>,
    %get3A_342 = arith.constant 2 : i32
    %get3A_343 = arith.index_cast %get3A_342 : i32 to index
    %get3A_344 = arith.constant 112 : index
    %get3A_345 = tpu.vector_load %arg5[%get3A_343, %get3A_344] {strides = array<i32>} : memref<200x128xi32, #tpu.memory_space<vmem>>, vector<1x16xi32>,
    %get3A_346 = vector.shape_cast %get3A_345 : vector<1x16xi32> to vector<16xi32>
    %add3A_347 = arith.constant 1 : i32
    %add3A_348 = vector.broadcast %add3A_347 : i32 to vector<16xi32>
    %add3A_349 = arith.addi %get3A_346, %add3A_348 : vector<16xi32>
    %swap3A_350 = arith.constant 2 : i32
    %swap3A_351 = arith.index_cast %swap3A_350 : i32 to index
    %swap3A_352 = arith.constant 112 : index
    %swap3A_353 = tpu.vector_load %arg5[%swap3A_351, %swap3A_352] {strides = array<i32>} : memref<200x128xi32, #tpu.memory_space<vmem>>, vector<1x16xi32>,
    %swap3A_354 = vector.shape_cast %swap3A_353 : vector<1x16xi32> to vector<16xi32>
    %swap3A_355 = vector.shape_cast %add3A_349 : vector<16xi32> to vector<1x16xi32>
    tpu.vector_store %arg5[%swap3A_351, %swap3A_352], %swap3A_355 {strides = array<i32>} : memref<200x128xi32, #tpu.memory_space<vmem>>, vector<1x16xi32>,
    %dma_start3A_356 = arith.constant 2 : i32
    %dma_start3A_357 = arith.constant 0 : i32
    %dma_start3A_358 = arith.constant 0 : i32
    %dma_start3A_359 = tpu.memref_slice %arg7[%dma_start3A_357, %dma_start3A_358] : memref<256x128xf32, #tpu.memory_space<vmem>> -> memref<128x128xf32, #tpu.memory_space<vmem>>
    %dma_start3A_360 = arith.constant 0 : i32
    %dma_start3A_361 = tpu.memref_slice %arg5[%dma_start3A_356, %dma_start3A_360] : memref<200x128xi32, #tpu.memory_space<vmem>> -> memref<1x128xi32, #tpu.memory_space<vmem>>
    %dma_start3A_362 = tpu.memref_squeeze %dma_start3A_361 : memref<1x128xi32, #tpu.memory_space<vmem>> -> memref<128xi32, #tpu.memory_space<vmem>>
    %dma_start3A_363 = arith.constant 0 : i32
    %dma_start3A_364 = arith.constant 0 : i32
    %dma_start3A_365 = tpu.memref_slice %arg3[%dma_start3A_363, %dma_start3A_364] : memref<100001x128xf32, #tpu.memory_space<hbm>> -> memref<100001x128xf32, #tpu.memory_space<hbm>>
    tpu.enqueue_indirect_dma source(%dma_start3A_365 : memref<100001x128xf32, #tpu.memory_space<hbm>>) target(%dma_start3A_359 : memref<128x128xf32, #tpu.memory_space<vmem>>) offsets(%dma_start3A_362 : memref<128xi32, #tpu.memory_space<vmem>>) semaphore(%arg10 : memref<!tpu.dma_semaphore, #tpu.memory_space<semaphore_mem>>)
    %get3A_366 = arith.constant 3 : i32
    %get3A_367 = arith.index_cast %get3A_366 : i32 to index
    %get3A_368 = arith.constant 0 : index
    %get3A_369 = tpu.vector_load %arg5[%get3A_367, %get3A_368] {strides = array<i32>} : memref<200x128xi32, #tpu.memory_space<vmem>>, vector<1x16xi32>,
    %get3A_370 = vector.shape_cast %get3A_369 : vector<1x16xi32> to vector<16xi32>
    %add3A_371 = arith.constant 1 : i32
    %add3A_372 = vector.broadcast %add3A_371 : i32 to vector<16xi32>
    %add3A_373 = arith.addi %get3A_370, %add3A_372 : vector<16xi32>
    %swap3A_374 = arith.constant 3 : i32
    %swap3A_375 = arith.index_cast %swap3A_374 : i32 to index
    %swap3A_376 = arith.constant 0 : index
    %swap3A_377 = tpu.vector_load %arg5[%swap3A_375, %swap3A_376] {strides = array<i32>} : memref<200x128xi32, #tpu.memory_space<vmem>>, vector<1x16xi32>,
    %swap3A_378 = vector.shape_cast %swap3A_377 : vector<1x16xi32> to vector<16xi32>
    %swap3A_379 = vector.shape_cast %add3A_373 : vector<16xi32> to vector<1x16xi32>
    tpu.vector_store %arg5[%swap3A_375, %swap3A_376], %swap3A_379 {strides = array<i32>} : memref<200x128xi32, #tpu.memory_space<vmem>>, vector<1x16xi32>,
    %get3A_380 = arith.constant 3 : i32
    %get3A_381 = arith.index_cast %get3A_380 : i32 to index
    %get3A_382 = arith.constant 16 : index
    %get3A_383 = tpu.vector_load %arg5[%get3A_381, %get3A_382] {strides = array<i32>} : memref<200x128xi32, #tpu.memory_space<vmem>>, vector<1x16xi32>,
    %get3A_384 = vector.shape_cast %get3A_383 : vector<1x16xi32> to vector<16xi32>
    %add3A_385 = arith.constant 1 : i32
    %add3A_386 = vector.broadcast %add3A_385 : i32 to vector<16xi32>
    %add3A_387 = arith.addi %get3A_384, %add3A_386 : vector<16xi32>
    %swap3A_388 = arith.constant 3 : i32
    %swap3A_389 = arith.index_cast %swap3A_388 : i32 to index
    %swap3A_390 = arith.constant 16 : index
    %swap3A_391 = tpu.vector_load %arg5[%swap3A_389, %swap3A_390] {strides = array<i32>} : memref<200x128xi32, #tpu.memory_space<vmem>>, vector<1x16xi32>,
    %swap3A_392 = vector.shape_cast %swap3A_391 : vector<1x16xi32> to vector<16xi32>
    %swap3A_393 = vector.shape_cast %add3A_387 : vector<16xi32> to vector<1x16xi32>
    tpu.vector_store %arg5[%swap3A_389, %swap3A_390], %swap3A_393 {strides = array<i32>} : memref<200x128xi32, #tpu.memory_space<vmem>>, vector<1x16xi32>,
    %get3A_394 = arith.constant 3 : i32
    %get3A_395 = arith.index_cast %get3A_394 : i32 to index
    %get3A_396 = arith.constant 32 : index
    %get3A_397 = tpu.vector_load %arg5[%get3A_395, %get3A_396] {strides = array<i32>} : memref<200x128xi32, #tpu.memory_space<vmem>>, vector<1x16xi32>,
    %get3A_398 = vector.shape_cast %get3A_397 : vector<1x16xi32> to vector<16xi32>
    %add3A_399 = arith.constant 1 : i32
    %add3A_400 = vector.broadcast %add3A_399 : i32 to vector<16xi32>
    %add3A_401 = arith.addi %get3A_398, %add3A_400 : vector<16xi32>
    %swap3A_402 = arith.constant 3 : i32
    %swap3A_403 = arith.index_cast %swap3A_402 : i32 to index
    %swap3A_404 = arith.constant 32 : index
    %swap3A_405 = tpu.vector_load %arg5[%swap3A_403, %swap3A_404] {strides = array<i32>} : memref<200x128xi32, #tpu.memory_space<vmem>>, vector<1x16xi32>,
    %swap3A_406 = vector.shape_cast %swap3A_405 : vector<1x16xi32> to vector<16xi32>
    %swap3A_407 = vector.shape_cast %add3A_401 : vector<16xi32> to vector<1x16xi32>
    tpu.vector_store %arg5[%swap3A_403, %swap3A_404], %swap3A_407 {strides = array<i32>} : memref<200x128xi32, #tpu.memory_space<vmem>>, vector<1x16xi32>,
    %get3A_408 = arith.constant 3 : i32
    %get3A_409 = arith.index_cast %get3A_408 : i32 to index
    %get3A_410 = arith.constant 48 : index
    %get3A_411 = tpu.vector_load %arg5[%get3A_409, %get3A_410] {strides = array<i32>} : memref<200x128xi32, #tpu.memory_space<vmem>>, vector<1x16xi32>,
    %get3A_412 = vector.shape_cast %get3A_411 : vector<1x16xi32> to vector<16xi32>
    %add3A_413 = arith.constant 1 : i32
    %add3A_414 = vector.broadcast %add3A_413 : i32 to vector<16xi32>
    %add3A_415 = arith.addi %get3A_412, %add3A_414 : vector<16xi32>
    %swap3A_416 = arith.constant 3 : i32
    %swap3A_417 = arith.index_cast %swap3A_416 : i32 to index
    %swap3A_418 = arith.constant 48 : index
    %swap3A_419 = tpu.vector_load %arg5[%swap3A_417, %swap3A_418] {strides = array<i32>} : memref<200x128xi32, #tpu.memory_space<vmem>>, vector<1x16xi32>,
    %swap3A_420 = vector.shape_cast %swap3A_419 : vector<1x16xi32> to vector<16xi32>
    %swap3A_421 = vector.shape_cast %add3A_415 : vector<16xi32> to vector<1x16xi32>
    tpu.vector_store %arg5[%swap3A_417, %swap3A_418], %swap3A_421 {strides = array<i32>} : memref<200x128xi32, #tpu.memory_space<vmem>>, vector<1x16xi32>,
    %get3A_422 = arith.constant 3 : i32
    %get3A_423 = arith.index_cast %get3A_422 : i32 to index
    %get3A_424 = arith.constant 64 : index
    %get3A_425 = tpu.vector_load %arg5[%get3A_423, %get3A_424] {strides = array<i32>} : memref<200x128xi32, #tpu.memory_space<vmem>>, vector<1x16xi32>,
    %get3A_426 = vector.shape_cast %get3A_425 : vector<1x16xi32> to vector<16xi32>
    %add3A_427 = arith.constant 1 : i32
    %add3A_428 = vector.broadcast %add3A_427 : i32 to vector<16xi32>
    %add3A_429 = arith.addi %get3A_426, %add3A_428 : vector<16xi32>
    %swap3A_430 = arith.constant 3 : i32
    %swap3A_431 = arith.index_cast %swap3A_430 : i32 to index
    %swap3A_432 = arith.constant 64 : index
    %swap3A_433 = tpu.vector_load %arg5[%swap3A_431, %swap3A_432] {strides = array<i32>} : memref<200x128xi32, #tpu.memory_space<vmem>>, vector<1x16xi32>,
    %swap3A_434 = vector.shape_cast %swap3A_433 : vector<1x16xi32> to vector<16xi32>
    %swap3A_435 = vector.shape_cast %add3A_429 : vector<16xi32> to vector<1x16xi32>
    tpu.vector_store %arg5[%swap3A_431, %swap3A_432], %swap3A_435 {strides = array<i32>} : memref<200x128xi32, #tpu.memory_space<vmem>>, vector<1x16xi32>,
    %get3A_436 = arith.constant 3 : i32
    %get3A_437 = arith.index_cast %get3A_436 : i32 to index
    %get3A_438 = arith.constant 80 : index
    %get3A_439 = tpu.vector_load %arg5[%get3A_437, %get3A_438] {strides = array<i32>} : memref<200x128xi32, #tpu.memory_space<vmem>>, vector<1x16xi32>,
    %get3A_440 = vector.shape_cast %get3A_439 : vector<1x16xi32> to vector<16xi32>
    %add3A_441 = arith.constant 1 : i32
    %add3A_442 = vector.broadcast %add3A_441 : i32 to vector<16xi32>
    %add3A_443 = arith.addi %get3A_440, %add3A_442 : vector<16xi32>
    %swap3A_444 = arith.constant 3 : i32
    %swap3A_445 = arith.index_cast %swap3A_444 : i32 to index
    %swap3A_446 = arith.constant 80 : index
    %swap3A_447 = tpu.vector_load %arg5[%swap3A_445, %swap3A_446] {strides = array<i32>} : memref<200x128xi32, #tpu.memory_space<vmem>>, vector<1x16xi32>,
    %swap3A_448 = vector.shape_cast %swap3A_447 : vector<1x16xi32> to vector<16xi32>
    %swap3A_449 = vector.shape_cast %add3A_443 : vector<16xi32> to vector<1x16xi32>
    tpu.vector_store %arg5[%swap3A_445, %swap3A_446], %swap3A_449 {strides = array<i32>} : memref<200x128xi32, #tpu.memory_space<vmem>>, vector<1x16xi32>,
    %get3A_450 = arith.constant 3 : i32
    %get3A_451 = arith.index_cast %get3A_450 : i32 to index
    %get3A_452 = arith.constant 96 : index
    %get3A_453 = tpu.vector_load %arg5[%get3A_451, %get3A_452] {strides = array<i32>} : memref<200x128xi32, #tpu.memory_space<vmem>>, vector<1x16xi32>,
    %get3A_454 = vector.shape_cast %get3A_453 : vector<1x16xi32> to vector<16xi32>
    %add3A_455 = arith.constant 1 : i32
    %add3A_456 = vector.broadcast %add3A_455 : i32 to vector<16xi32>
    %add3A_457 = arith.addi %get3A_454, %add3A_456 : vector<16xi32>
    %swap3A_458 = arith.constant 3 : i32
    %swap3A_459 = arith.index_cast %swap3A_458 : i32 to index
    %swap3A_460 = arith.constant 96 : index
    %swap3A_461 = tpu.vector_load %arg5[%swap3A_459, %swap3A_460] {strides = array<i32>} : memref<200x128xi32, #tpu.memory_space<vmem>>, vector<1x16xi32>,
    %swap3A_462 = vector.shape_cast %swap3A_461 : vector<1x16xi32> to vector<16xi32>
    %swap3A_463 = vector.shape_cast %add3A_457 : vector<16xi32> to vector<1x16xi32>
    tpu.vector_store %arg5[%swap3A_459, %swap3A_460], %swap3A_463 {strides = array<i32>} : memref<200x128xi32, #tpu.memory_space<vmem>>, vector<1x16xi32>,
    %get3A_464 = arith.constant 3 : i32
    %get3A_465 = arith.index_cast %get3A_464 : i32 to index
    %get3A_466 = arith.constant 112 : index
    %get3A_467 = tpu.vector_load %arg5[%get3A_465, %get3A_466] {strides = array<i32>} : memref<200x128xi32, #tpu.memory_space<vmem>>, vector<1x16xi32>,
    %get3A_468 = vector.shape_cast %get3A_467 : vector<1x16xi32> to vector<16xi32>
    %add3A_469 = arith.constant 1 : i32
    %add3A_470 = vector.broadcast %add3A_469 : i32 to vector<16xi32>
    %add3A_471 = arith.addi %get3A_468, %add3A_470 : vector<16xi32>
    %swap3A_472 = arith.constant 3 : i32
    %swap3A_473 = arith.index_cast %swap3A_472 : i32 to index
    %swap3A_474 = arith.constant 112 : index
    %swap3A_475 = tpu.vector_load %arg5[%swap3A_473, %swap3A_474] {strides = array<i32>} : memref<200x128xi32, #tpu.memory_space<vmem>>, vector<1x16xi32>,
    %swap3A_476 = vector.shape_cast %swap3A_475 : vector<1x16xi32> to vector<16xi32>
    %swap3A_477 = vector.shape_cast %add3A_471 : vector<16xi32> to vector<1x16xi32>
    tpu.vector_store %arg5[%swap3A_473, %swap3A_474], %swap3A_477 {strides = array<i32>} : memref<200x128xi32, #tpu.memory_space<vmem>>, vector<1x16xi32>,
    %dma_start3A_478 = arith.constant 3 : i32
    %dma_start3A_479 = arith.constant 128 : i32
    %dma_start3A_480 = arith.constant 0 : i32
    %dma_start3A_481 = tpu.memref_slice %arg7[%dma_start3A_479, %dma_start3A_480] : memref<256x128xf32, #tpu.memory_space<vmem>> -> memref<128x128xf32, #tpu.memory_space<vmem>>
    %dma_start3A_482 = arith.constant 0 : i32
    %dma_start3A_483 = tpu.memref_slice %arg5[%dma_start3A_478, %dma_start3A_482] : memref<200x128xi32, #tpu.memory_space<vmem>> -> memref<1x128xi32, #tpu.memory_space<vmem>>
    %dma_start3A_484 = tpu.memref_squeeze %dma_start3A_483 : memref<1x128xi32, #tpu.memory_space<vmem>> -> memref<128xi32, #tpu.memory_space<vmem>>
    %dma_start3A_485 = arith.constant 0 : i32
    %dma_start3A_486 = arith.constant 0 : i32
    %dma_start3A_487 = tpu.memref_slice %arg3[%dma_start3A_485, %dma_start3A_486] : memref<100001x128xf32, #tpu.memory_space<hbm>> -> memref<100001x128xf32, #tpu.memory_space<hbm>>
    tpu.enqueue_indirect_dma source(%dma_start3A_487 : memref<100001x128xf32, #tpu.memory_space<hbm>>) target(%dma_start3A_481 : memref<128x128xf32, #tpu.memory_space<vmem>>) offsets(%dma_start3A_484 : memref<128xi32, #tpu.memory_space<vmem>>) semaphore(%arg10 : memref<!tpu.dma_semaphore, #tpu.memory_space<semaphore_mem>>)
    %get3A_488 = arith.constant 4 : i32
    %get3A_489 = arith.index_cast %get3A_488 : i32 to index
    %get3A_490 = arith.constant 0 : index
    %get3A_491 = tpu.vector_load %arg5[%get3A_489, %get3A_490] {strides = array<i32>} : memref<200x128xi32, #tpu.memory_space<vmem>>, vector<1x16xi32>,
    %get3A_492 = vector.shape_cast %get3A_491 : vector<1x16xi32> to vector<16xi32>
    %add3A_493 = arith.constant 1 : i32
    %add3A_494 = vector.broadcast %add3A_493 : i32 to vector<16xi32>
    %add3A_495 = arith.addi %get3A_492, %add3A_494 : vector<16xi32>
    %swap3A_496 = arith.constant 4 : i32
    %swap3A_497 = arith.index_cast %swap3A_496 : i32 to index
    %swap3A_498 = arith.constant 0 : index
    %swap3A_499 = tpu.vector_load %arg5[%swap3A_497, %swap3A_498] {strides = array<i32>} : memref<200x128xi32, #tpu.memory_space<vmem>>, vector<1x16xi32>,
    %swap3A_500 = vector.shape_cast %swap3A_499 : vector<1x16xi32> to vector<16xi32>
    %swap3A_501 = vector.shape_cast %add3A_495 : vector<16xi32> to vector<1x16xi32>
    tpu.vector_store %arg5[%swap3A_497, %swap3A_498], %swap3A_501 {strides = array<i32>} : memref<200x128xi32, #tpu.memory_space<vmem>>, vector<1x16xi32>,
    %get3A_502 = arith.constant 4 : i32
    %get3A_503 = arith.index_cast %get3A_502 : i32 to index
    %get3A_504 = arith.constant 16 : index
    %get3A_505 = tpu.vector_load %arg5[%get3A_503, %get3A_504] {strides = array<i32>} : memref<200x128xi32, #tpu.memory_space<vmem>>, vector<1x16xi32>,
    %get3A_506 = vector.shape_cast %get3A_505 : vector<1x16xi32> to vector<16xi32>
    %add3A_507 = arith.constant 1 : i32
    %add3A_508 = vector.broadcast %add3A_507 : i32 to vector<16xi32>
    %add3A_509 = arith.addi %get3A_506, %add3A_508 : vector<16xi32>
    %swap3A_510 = arith.constant 4 : i32
    %swap3A_511 = arith.index_cast %swap3A_510 : i32 to index
    %swap3A_512 = arith.constant 16 : index
    %swap3A_513 = tpu.vector_load %arg5[%swap3A_511, %swap3A_512] {strides = array<i32>} : memref<200x128xi32, #tpu.memory_space<vmem>>, vector<1x16xi32>,
    %swap3A_514 = vector.shape_cast %swap3A_513 : vector<1x16xi32> to vector<16xi32>
    %swap3A_515 = vector.shape_cast %add3A_509 : vector<16xi32> to vector<1x16xi32>
    tpu.vector_store %arg5[%swap3A_511, %swap3A_512], %swap3A_515 {strides = array<i32>} : memref<200x128xi32, #tpu.memory_space<vmem>>, vector<1x16xi32>,
    %get3A_516 = arith.constant 4 : i32
    %get3A_517 = arith.index_cast %get3A_516 : i32 to index
    %get3A_518 = arith.constant 32 : index
    %get3A_519 = tpu.vector_load %arg5[%get3A_517, %get3A_518] {strides = array<i32>} : memref<200x128xi32, #tpu.memory_space<vmem>>, vector<1x16xi32>,
    %get3A_520 = vector.shape_cast %get3A_519 : vector<1x16xi32> to vector<16xi32>
    %add3A_521 = arith.constant 1 : i32
    %add3A_522 = vector.broadcast %add3A_521 : i32 to vector<16xi32>
    %add3A_523 = arith.addi %get3A_520, %add3A_522 : vector<16xi32>
    %swap3A_524 = arith.constant 4 : i32
    %swap3A_525 = arith.index_cast %swap3A_524 : i32 to index
    %swap3A_526 = arith.constant 32 : index
    %swap3A_527 = tpu.vector_load %arg5[%swap3A_525, %swap3A_526] {strides = array<i32>} : memref<200x128xi32, #tpu.memory_space<vmem>>, vector<1x16xi32>,
    %swap3A_528 = vector.shape_cast %swap3A_527 : vector<1x16xi32> to vector<16xi32>
    %swap3A_529 = vector.shape_cast %add3A_523 : vector<16xi32> to vector<1x16xi32>
    tpu.vector_store %arg5[%swap3A_525, %swap3A_526], %swap3A_529 {strides = array<i32>} : memref<200x128xi32, #tpu.memory_space<vmem>>, vector<1x16xi32>,
    %get3A_530 = arith.constant 4 : i32
    %get3A_531 = arith.index_cast %get3A_530 : i32 to index
    %get3A_532 = arith.constant 48 : index
    %get3A_533 = tpu.vector_load %arg5[%get3A_531, %get3A_532] {strides = array<i32>} : memref<200x128xi32, #tpu.memory_space<vmem>>, vector<1x16xi32>,
    %get3A_534 = vector.shape_cast %get3A_533 : vector<1x16xi32> to vector<16xi32>
    %add3A_535 = arith.constant 1 : i32
    %add3A_536 = vector.broadcast %add3A_535 : i32 to vector<16xi32>
    %add3A_537 = arith.addi %get3A_534, %add3A_536 : vector<16xi32>
    %swap3A_538 = arith.constant 4 : i32
    %swap3A_539 = arith.index_cast %swap3A_538 : i32 to index
    %swap3A_540 = arith.constant 48 : index
    %swap3A_541 = tpu.vector_load %arg5[%swap3A_539, %swap3A_540] {strides = array<i32>} : memref<200x128xi32, #tpu.memory_space<vmem>>, vector<1x16xi32>,
    %swap3A_542 = vector.shape_cast %swap3A_541 : vector<1x16xi32> to vector<16xi32>
    %swap3A_543 = vector.shape_cast %add3A_537 : vector<16xi32> to vector<1x16xi32>
    tpu.vector_store %arg5[%swap3A_539, %swap3A_540], %swap3A_543 {strides = array<i32>} : memref<200x128xi32, #tpu.memory_space<vmem>>, vector<1x16xi32>,
    %get3A_544 = arith.constant 4 : i32
    %get3A_545 = arith.index_cast %get3A_544 : i32 to index
    %get3A_546 = arith.constant 64 : index
    %get3A_547 = tpu.vector_load %arg5[%get3A_545, %get3A_546] {strides = array<i32>} : memref<200x128xi32, #tpu.memory_space<vmem>>, vector<1x16xi32>,
    %get3A_548 = vector.shape_cast %get3A_547 : vector<1x16xi32> to vector<16xi32>
    %add3A_549 = arith.constant 1 : i32
    %add3A_550 = vector.broadcast %add3A_549 : i32 to vector<16xi32>
    %add3A_551 = arith.addi %get3A_548, %add3A_550 : vector<16xi32>
    %swap3A_552 = arith.constant 4 : i32
    %swap3A_553 = arith.index_cast %swap3A_552 : i32 to index
    %swap3A_554 = arith.constant 64 : index
    %swap3A_555 = tpu.vector_load %arg5[%swap3A_553, %swap3A_554] {strides = array<i32>} : memref<200x128xi32, #tpu.memory_space<vmem>>, vector<1x16xi32>,
    %swap3A_556 = vector.shape_cast %swap3A_555 : vector<1x16xi32> to vector<16xi32>
    %swap3A_557 = vector.shape_cast %add3A_551 : vector<16xi32> to vector<1x16xi32>
    tpu.vector_store %arg5[%swap3A_553, %swap3A_554], %swap3A_557 {strides = array<i32>} : memref<200x128xi32, #tpu.memory_space<vmem>>, vector<1x16xi32>,
    %get3A_558 = arith.constant 4 : i32
    %get3A_559 = arith.index_cast %get3A_558 : i32 to index
    %get3A_560 = arith.constant 80 : index
    %get3A_561 = tpu.vector_load %arg5[%get3A_559, %get3A_560] {strides = array<i32>} : memref<200x128xi32, #tpu.memory_space<vmem>>, vector<1x16xi32>,
    %get3A_562 = vector.shape_cast %get3A_561 : vector<1x16xi32> to vector<16xi32>
    %add3A_563 = arith.constant 1 : i32
    %add3A_564 = vector.broadcast %add3A_563 : i32 to vector<16xi32>
    %add3A_565 = arith.addi %get3A_562, %add3A_564 : vector<16xi32>
    %swap3A_566 = arith.constant 4 : i32
    %swap3A_567 = arith.index_cast %swap3A_566 : i32 to index
    %swap3A_568 = arith.constant 80 : index
    %swap3A_569 = tpu.vector_load %arg5[%swap3A_567, %swap3A_568] {strides = array<i32>} : memref<200x128xi32, #tpu.memory_space<vmem>>, vector<1x16xi32>,
    %swap3A_570 = vector.shape_cast %swap3A_569 : vector<1x16xi32> to vector<16xi32>
    %swap3A_571 = vector.shape_cast %add3A_565 : vector<16xi32> to vector<1x16xi32>
    tpu.vector_store %arg5[%swap3A_567, %swap3A_568], %swap3A_571 {strides = array<i32>} : memref<200x128xi32, #tpu.memory_space<vmem>>, vector<1x16xi32>,
    %get3A_572 = arith.constant 4 : i32
    %get3A_573 = arith.index_cast %get3A_572 : i32 to index
    %get3A_574 = arith.constant 96 : index
    %get3A_575 = tpu.vector_load %arg5[%get3A_573, %get3A_574] {strides = array<i32>} : memref<200x128xi32, #tpu.memory_space<vmem>>, vector<1x16xi32>,
    %get3A_576 = vector.shape_cast %get3A_575 : vector<1x16xi32> to vector<16xi32>
    %add3A_577 = arith.constant 1 : i32
    %add3A_578 = vector.broadcast %add3A_577 : i32 to vector<16xi32>
    %add3A_579 = arith.addi %get3A_576, %add3A_578 : vector<16xi32>
    %swap3A_580 = arith.constant 4 : i32
    %swap3A_581 = arith.index_cast %swap3A_580 : i32 to index
    %swap3A_582 = arith.constant 96 : index
    %swap3A_583 = tpu.vector_load %arg5[%swap3A_581, %swap3A_582] {strides = array<i32>} : memref<200x128xi32, #tpu.memory_space<vmem>>, vector<1x16xi32>,
    %swap3A_584 = vector.shape_cast %swap3A_583 : vector<1x16xi32> to vector<16xi32>
    %swap3A_585 = vector.shape_cast %add3A_579 : vector<16xi32> to vector<1x16xi32>
    tpu.vector_store %arg5[%swap3A_581, %swap3A_582], %swap3A_585 {strides = array<i32>} : memref<200x128xi32, #tpu.memory_space<vmem>>, vector<1x16xi32>,
    %get3A_586 = arith.constant 4 : i32
    %get3A_587 = arith.index_cast %get3A_586 : i32 to index
    %get3A_588 = arith.constant 112 : index
    %get3A_589 = tpu.vector_load %arg5[%get3A_587, %get3A_588] {strides = array<i32>} : memref<200x128xi32, #tpu.memory_space<vmem>>, vector<1x16xi32>,
    %get3A_590 = vector.shape_cast %get3A_589 : vector<1x16xi32> to vector<16xi32>
    %add3A_591 = arith.constant 1 : i32
    %add3A_592 = vector.broadcast %add3A_591 : i32 to vector<16xi32>
    %add3A_593 = arith.addi %get3A_590, %add3A_592 : vector<16xi32>
    %swap3A_594 = arith.constant 4 : i32
    %swap3A_595 = arith.index_cast %swap3A_594 : i32 to index
    %swap3A_596 = arith.constant 112 : index
    %swap3A_597 = tpu.vector_load %arg5[%swap3A_595, %swap3A_596] {strides = array<i32>} : memref<200x128xi32, #tpu.memory_space<vmem>>, vector<1x16xi32>,
    %swap3A_598 = vector.shape_cast %swap3A_597 : vector<1x16xi32> to vector<16xi32>
    %swap3A_599 = vector.shape_cast %add3A_593 : vector<16xi32> to vector<1x16xi32>
    tpu.vector_store %arg5[%swap3A_595, %swap3A_596], %swap3A_599 {strides = array<i32>} : memref<200x128xi32, #tpu.memory_space<vmem>>, vector<1x16xi32>,
    %dma_start3A_600 = arith.constant 4 : i32
    %dma_start3A_601 = arith.constant 0 : i32
    %dma_start3A_602 = arith.constant 0 : i32
    %dma_start3A_603 = tpu.memref_slice %arg8[%dma_start3A_601, %dma_start3A_602] : memref<256x128xf32, #tpu.memory_space<vmem>> -> memref<128x128xf32, #tpu.memory_space<vmem>>
    %dma_start3A_604 = arith.constant 0 : i32
    %dma_start3A_605 = tpu.memref_slice %arg5[%dma_start3A_600, %dma_start3A_604] : memref<200x128xi32, #tpu.memory_space<vmem>> -> memref<1x128xi32, #tpu.memory_space<vmem>>
    %dma_start3A_606 = tpu.memref_squeeze %dma_start3A_605 : memref<1x128xi32, #tpu.memory_space<vmem>> -> memref<128xi32, #tpu.memory_space<vmem>>
    %dma_start3A_607 = arith.constant 0 : i32
    %dma_start3A_608 = arith.constant 0 : i32
    %dma_start3A_609 = tpu.memref_slice %arg3[%dma_start3A_607, %dma_start3A_608] : memref<100001x128xf32, #tpu.memory_space<hbm>> -> memref<100001x128xf32, #tpu.memory_space<hbm>>
    tpu.enqueue_indirect_dma source(%dma_start3A_609 : memref<100001x128xf32, #tpu.memory_space<hbm>>) target(%dma_start3A_603 : memref<128x128xf32, #tpu.memory_space<vmem>>) offsets(%dma_start3A_606 : memref<128xi32, #tpu.memory_space<vmem>>) semaphore(%arg11 : memref<!tpu.dma_semaphore, #tpu.memory_space<semaphore_mem>>)
    %get3A_610 = arith.constant 5 : i32
    %get3A_611 = arith.index_cast %get3A_610 : i32 to index
    %get3A_612 = arith.constant 0 : index
    %get3A_613 = tpu.vector_load %arg5[%get3A_611, %get3A_612] {strides = array<i32>} : memref<200x128xi32, #tpu.memory_space<vmem>>, vector<1x16xi32>,
    %get3A_614 = vector.shape_cast %get3A_613 : vector<1x16xi32> to vector<16xi32>
    %add3A_615 = arith.constant 1 : i32
    %add3A_616 = vector.broadcast %add3A_615 : i32 to vector<16xi32>
    %add3A_617 = arith.addi %get3A_614, %add3A_616 : vector<16xi32>
    %swap3A_618 = arith.constant 5 : i32
    %swap3A_619 = arith.index_cast %swap3A_618 : i32 to index
    %swap3A_620 = arith.constant 0 : index
    %swap3A_621 = tpu.vector_load %arg5[%swap3A_619, %swap3A_620] {strides = array<i32>} : memref<200x128xi32, #tpu.memory_space<vmem>>, vector<1x16xi32>,
    %swap3A_622 = vector.shape_cast %swap3A_621 : vector<1x16xi32> to vector<16xi32>
    %swap3A_623 = vector.shape_cast %add3A_617 : vector<16xi32> to vector<1x16xi32>
    tpu.vector_store %arg5[%swap3A_619, %swap3A_620], %swap3A_623 {strides = array<i32>} : memref<200x128xi32, #tpu.memory_space<vmem>>, vector<1x16xi32>,
    %get3A_624 = arith.constant 5 : i32
    %get3A_625 = arith.index_cast %get3A_624 : i32 to index
    %get3A_626 = arith.constant 16 : index
    %get3A_627 = tpu.vector_load %arg5[%get3A_625, %get3A_626] {strides = array<i32>} : memref<200x128xi32, #tpu.memory_space<vmem>>, vector<1x16xi32>,
    %get3A_628 = vector.shape_cast %get3A_627 : vector<1x16xi32> to vector<16xi32>
    %add3A_629 = arith.constant 1 : i32
    %add3A_630 = vector.broadcast %add3A_629 : i32 to vector<16xi32>
    %add3A_631 = arith.addi %get3A_628, %add3A_630 : vector<16xi32>
    %swap3A_632 = arith.constant 5 : i32
    %swap3A_633 = arith.index_cast %swap3A_632 : i32 to index
    %swap3A_634 = arith.constant 16 : index
    %swap3A_635 = tpu.vector_load %arg5[%swap3A_633, %swap3A_634] {strides = array<i32>} : memref<200x128xi32, #tpu.memory_space<vmem>>, vector<1x16xi32>,
    %swap3A_636 = vector.shape_cast %swap3A_635 : vector<1x16xi32> to vector<16xi32>
    %swap3A_637 = vector.shape_cast %add3A_631 : vector<16xi32> to vector<1x16xi32>
    tpu.vector_store %arg5[%swap3A_633, %swap3A_634], %swap3A_637 {strides = array<i32>} : memref<200x128xi32, #tpu.memory_space<vmem>>, vector<1x16xi32>,
    %get3A_638 = arith.constant 5 : i32
    %get3A_639 = arith.index_cast %get3A_638 : i32 to index
    %get3A_640 = arith.constant 32 : index
    %get3A_641 = tpu.vector_load %arg5[%get3A_639, %get3A_640] {strides = array<i32>} : memref<200x128xi32, #tpu.memory_space<vmem>>, vector<1x16xi32>,
    %get3A_642 = vector.shape_cast %get3A_641 : vector<1x16xi32> to vector<16xi32>
    %add3A_643 = arith.constant 1 : i32
    %add3A_644 = vector.broadcast %add3A_643 : i32 to vector<16xi32>
    %add3A_645 = arith.addi %get3A_642, %add3A_644 : vector<16xi32>
    %swap3A_646 = arith.constant 5 : i32
    %swap3A_647 = arith.index_cast %swap3A_646 : i32 to index
    %swap3A_648 = arith.constant 32 : index
    %swap3A_649 = tpu.vector_load %arg5[%swap3A_647, %swap3A_648] {strides = array<i32>} : memref<200x128xi32, #tpu.memory_space<vmem>>, vector<1x16xi32>,
    %swap3A_650 = vector.shape_cast %swap3A_649 : vector<1x16xi32> to vector<16xi32>
    %swap3A_651 = vector.shape_cast %add3A_645 : vector<16xi32> to vector<1x16xi32>
    tpu.vector_store %arg5[%swap3A_647, %swap3A_648], %swap3A_651 {strides = array<i32>} : memref<200x128xi32, #tpu.memory_space<vmem>>, vector<1x16xi32>,
    %get3A_652 = arith.constant 5 : i32
    %get3A_653 = arith.index_cast %get3A_652 : i32 to index
    %get3A_654 = arith.constant 48 : index
    %get3A_655 = tpu.vector_load %arg5[%get3A_653, %get3A_654] {strides = array<i32>} : memref<200x128xi32, #tpu.memory_space<vmem>>, vector<1x16xi32>,
    %get3A_656 = vector.shape_cast %get3A_655 : vector<1x16xi32> to vector<16xi32>
    %add3A_657 = arith.constant 1 : i32
    %add3A_658 = vector.broadcast %add3A_657 : i32 to vector<16xi32>
    %add3A_659 = arith.addi %get3A_656, %add3A_658 : vector<16xi32>
    %swap3A_660 = arith.constant 5 : i32
    %swap3A_661 = arith.index_cast %swap3A_660 : i32 to index
    %swap3A_662 = arith.constant 48 : index
    %swap3A_663 = tpu.vector_load %arg5[%swap3A_661, %swap3A_662] {strides = array<i32>} : memref<200x128xi32, #tpu.memory_space<vmem>>, vector<1x16xi32>,
    %swap3A_664 = vector.shape_cast %swap3A_663 : vector<1x16xi32> to vector<16xi32>
    %swap3A_665 = vector.shape_cast %add3A_659 : vector<16xi32> to vector<1x16xi32>
    tpu.vector_store %arg5[%swap3A_661, %swap3A_662], %swap3A_665 {strides = array<i32>} : memref<200x128xi32, #tpu.memory_space<vmem>>, vector<1x16xi32>,
    %get3A_666 = arith.constant 5 : i32
    %get3A_667 = arith.index_cast %get3A_666 : i32 to index
    %get3A_668 = arith.constant 64 : index
    %get3A_669 = tpu.vector_load %arg5[%get3A_667, %get3A_668] {strides = array<i32>} : memref<200x128xi32, #tpu.memory_space<vmem>>, vector<1x16xi32>,
    %get3A_670 = vector.shape_cast %get3A_669 : vector<1x16xi32> to vector<16xi32>
    %add3A_671 = arith.constant 1 : i32
    %add3A_672 = vector.broadcast %add3A_671 : i32 to vector<16xi32>
    %add3A_673 = arith.addi %get3A_670, %add3A_672 : vector<16xi32>
    %swap3A_674 = arith.constant 5 : i32
    %swap3A_675 = arith.index_cast %swap3A_674 : i32 to index
    %swap3A_676 = arith.constant 64 : index
    %swap3A_677 = tpu.vector_load %arg5[%swap3A_675, %swap3A_676] {strides = array<i32>} : memref<200x128xi32, #tpu.memory_space<vmem>>, vector<1x16xi32>,
    %swap3A_678 = vector.shape_cast %swap3A_677 : vector<1x16xi32> to vector<16xi32>
    %swap3A_679 = vector.shape_cast %add3A_673 : vector<16xi32> to vector<1x16xi32>
    tpu.vector_store %arg5[%swap3A_675, %swap3A_676], %swap3A_679 {strides = array<i32>} : memref<200x128xi32, #tpu.memory_space<vmem>>, vector<1x16xi32>,
    %get3A_680 = arith.constant 5 : i32
    %get3A_681 = arith.index_cast %get3A_680 : i32 to index
    %get3A_682 = arith.constant 80 : index
    %get3A_683 = tpu.vector_load %arg5[%get3A_681, %get3A_682] {strides = array<i32>} : memref<200x128xi32, #tpu.memory_space<vmem>>, vector<1x16xi32>,
    %get3A_684 = vector.shape_cast %get3A_683 : vector<1x16xi32> to vector<16xi32>
    %add3A_685 = arith.constant 1 : i32
    %add3A_686 = vector.broadcast %add3A_685 : i32 to vector<16xi32>
    %add3A_687 = arith.addi %get3A_684, %add3A_686 : vector<16xi32>
    %swap3A_688 = arith.constant 5 : i32
    %swap3A_689 = arith.index_cast %swap3A_688 : i32 to index
    %swap3A_690 = arith.constant 80 : index
    %swap3A_691 = tpu.vector_load %arg5[%swap3A_689, %swap3A_690] {strides = array<i32>} : memref<200x128xi32, #tpu.memory_space<vmem>>, vector<1x16xi32>,
    %swap3A_692 = vector.shape_cast %swap3A_691 : vector<1x16xi32> to vector<16xi32>
    %swap3A_693 = vector.shape_cast %add3A_687 : vector<16xi32> to vector<1x16xi32>
    tpu.vector_store %arg5[%swap3A_689, %swap3A_690], %swap3A_693 {strides = array<i32>} : memref<200x128xi32, #tpu.memory_space<vmem>>, vector<1x16xi32>,
    %get3A_694 = arith.constant 5 : i32
    %get3A_695 = arith.index_cast %get3A_694 : i32 to index
    %get3A_696 = arith.constant 96 : index
    %get3A_697 = tpu.vector_load %arg5[%get3A_695, %get3A_696] {strides = array<i32>} : memref<200x128xi32, #tpu.memory_space<vmem>>, vector<1x16xi32>,
    %get3A_698 = vector.shape_cast %get3A_697 : vector<1x16xi32> to vector<16xi32>
    %add3A_699 = arith.constant 1 : i32
    %add3A_700 = vector.broadcast %add3A_699 : i32 to vector<16xi32>
    %add3A_701 = arith.addi %get3A_698, %add3A_700 : vector<16xi32>
    %swap3A_702 = arith.constant 5 : i32
    %swap3A_703 = arith.index_cast %swap3A_702 : i32 to index
    %swap3A_704 = arith.constant 96 : index
    %swap3A_705 = tpu.vector_load %arg5[%swap3A_703, %swap3A_704] {strides = array<i32>} : memref<200x128xi32, #tpu.memory_space<vmem>>, vector<1x16xi32>,
    %swap3A_706 = vector.shape_cast %swap3A_705 : vector<1x16xi32> to vector<16xi32>
    %swap3A_707 = vector.shape_cast %add3A_701 : vector<16xi32> to vector<1x16xi32>
    tpu.vector_store %arg5[%swap3A_703, %swap3A_704], %swap3A_707 {strides = array<i32>} : memref<200x128xi32, #tpu.memory_space<vmem>>, vector<1x16xi32>,
    %get3A_708 = arith.constant 5 : i32
    %get3A_709 = arith.index_cast %get3A_708 : i32 to index
    %get3A_710 = arith.constant 112 : index
    %get3A_711 = tpu.vector_load %arg5[%get3A_709, %get3A_710] {strides = array<i32>} : memref<200x128xi32, #tpu.memory_space<vmem>>, vector<1x16xi32>,
    %get3A_712 = vector.shape_cast %get3A_711 : vector<1x16xi32> to vector<16xi32>
    %add3A_713 = arith.constant 1 : i32
    %add3A_714 = vector.broadcast %add3A_713 : i32 to vector<16xi32>
    %add3A_715 = arith.addi %get3A_712, %add3A_714 : vector<16xi32>
    %swap3A_716 = arith.constant 5 : i32
    %swap3A_717 = arith.index_cast %swap3A_716 : i32 to index
    %swap3A_718 = arith.constant 112 : index
    %swap3A_719 = tpu.vector_load %arg5[%swap3A_717, %swap3A_718] {strides = array<i32>} : memref<200x128xi32, #tpu.memory_space<vmem>>, vector<1x16xi32>,
    %swap3A_720 = vector.shape_cast %swap3A_719 : vector<1x16xi32> to vector<16xi32>
    %swap3A_721 = vector.shape_cast %add3A_715 : vector<16xi32> to vector<1x16xi32>
    tpu.vector_store %arg5[%swap3A_717, %swap3A_718], %swap3A_721 {strides = array<i32>} : memref<200x128xi32, #tpu.memory_space<vmem>>, vector<1x16xi32>,
    %dma_start3A_722 = arith.constant 5 : i32
    %dma_start3A_723 = arith.constant 128 : i32
    %dma_start3A_724 = arith.constant 0 : i32
    %dma_start3A_725 = tpu.memref_slice %arg8[%dma_start3A_723, %dma_start3A_724] : memref<256x128xf32, #tpu.memory_space<vmem>> -> memref<128x128xf32, #tpu.memory_space<vmem>>
    %dma_start3A_726 = arith.constant 0 : i32
    %dma_start3A_727 = tpu.memref_slice %arg5[%dma_start3A_722, %dma_start3A_726] : memref<200x128xi32, #tpu.memory_space<vmem>> -> memref<1x128xi32, #tpu.memory_space<vmem>>
    %dma_start3A_728 = tpu.memref_squeeze %dma_start3A_727 : memref<1x128xi32, #tpu.memory_space<vmem>> -> memref<128xi32, #tpu.memory_space<vmem>>
    %dma_start3A_729 = arith.constant 0 : i32
    %dma_start3A_730 = arith.constant 0 : i32
    %dma_start3A_731 = tpu.memref_slice %arg3[%dma_start3A_729, %dma_start3A_730] : memref<100001x128xf32, #tpu.memory_space<hbm>> -> memref<100001x128xf32, #tpu.memory_space<hbm>>
    tpu.enqueue_indirect_dma source(%dma_start3A_731 : memref<100001x128xf32, #tpu.memory_space<hbm>>) target(%dma_start3A_725 : memref<128x128xf32, #tpu.memory_space<vmem>>) offsets(%dma_start3A_728 : memref<128xi32, #tpu.memory_space<vmem>>) semaphore(%arg11 : memref<!tpu.dma_semaphore, #tpu.memory_space<semaphore_mem>>)
    %dma_wait3A = arith.constant 0 : i32
    %dma_wait3A_732 = arith.constant 0 : i32
    %dma_wait3A_733 = arith.constant 0 : i32
    %dma_wait3A_734 = tpu.memref_slice %arg6[%dma_wait3A_732, %dma_wait3A_733] : memref<256x128xf32, #tpu.memory_space<vmem>> -> memref<128x128xf32, #tpu.memory_space<vmem>>
    %dma_wait3A_735 = arith.constant 0 : i32
    %dma_wait3A_736 = tpu.memref_slice %arg5[%dma_wait3A, %dma_wait3A_735] : memref<200x128xi32, #tpu.memory_space<vmem>> -> memref<1x128xi32, #tpu.memory_space<vmem>>
    %dma_wait3A_737 = tpu.memref_squeeze %dma_wait3A_736 : memref<1x128xi32, #tpu.memory_space<vmem>> -> memref<128xi32, #tpu.memory_space<vmem>>
    %dma_wait3A_738 = arith.constant 0 : i32
    %dma_wait3A_739 = arith.constant 0 : i32
    %dma_wait3A_740 = tpu.memref_slice %arg3[%dma_wait3A_738, %dma_wait3A_739] : memref<100001x128xf32, #tpu.memory_space<hbm>> -> memref<100001x128xf32, #tpu.memory_space<hbm>>
    tpu.wait_indirect_dma semaphore(%arg9 : memref<!tpu.dma_semaphore, #tpu.memory_space<semaphore_mem>>) src(%dma_wait3A_740 : memref<100001x128xf32, #tpu.memory_space<hbm>>) dst(%dma_wait3A_734 : memref<128x128xf32, #tpu.memory_space<vmem>>)
    %dma_wait3A_741 = arith.constant 1 : i32
    %dma_wait3A_742 = arith.constant 128 : i32
    %dma_wait3A_743 = arith.constant 0 : i32
    %dma_wait3A_744 = tpu.memref_slice %arg6[%dma_wait3A_742, %dma_wait3A_743] : memref<256x128xf32, #tpu.memory_space<vmem>> -> memref<128x128xf32, #tpu.memory_space<vmem>>
    %dma_wait3A_745 = arith.constant 0 : i32
    %dma_wait3A_746 = tpu.memref_slice %arg5[%dma_wait3A_741, %dma_wait3A_745] : memref<200x128xi32, #tpu.memory_space<vmem>> -> memref<1x128xi32, #tpu.memory_space<vmem>>
    %dma_wait3A_747 = tpu.memref_squeeze %dma_wait3A_746 : memref<1x128xi32, #tpu.memory_space<vmem>> -> memref<128xi32, #tpu.memory_space<vmem>>
    %dma_wait3A_748 = arith.constant 0 : i32
    %dma_wait3A_749 = arith.constant 0 : i32
    %dma_wait3A_750 = tpu.memref_slice %arg3[%dma_wait3A_748, %dma_wait3A_749] : memref<100001x128xf32, #tpu.memory_space<hbm>> -> memref<100001x128xf32, #tpu.memory_space<hbm>>
    tpu.wait_indirect_dma semaphore(%arg9 : memref<!tpu.dma_semaphore, #tpu.memory_space<semaphore_mem>>) src(%dma_wait3A_750 : memref<100001x128xf32, #tpu.memory_space<hbm>>) dst(%dma_wait3A_744 : memref<128x128xf32, #tpu.memory_space<vmem>>)
    %add3A_751 = arith.constant 0 : i32
    %add3A_752 = arith.addi %mul3A_2, %add3A_751 : i32
    %dma_start3A_753 = arith.constant 0 : i32
    %dma_start3A_754 = tpu.memref_slice %arg4[%add3A_752, %dma_start3A_753] : memref<819200x128xf32, #tpu.memory_space<hbm>> -> memref<256x128xf32, #tpu.memory_space<hbm>>
    %dma_start3A_755 = arith.constant 0 : i32
    %dma_start3A_756 = tpu.memref_slice %arg4[%add3A_752, %dma_start3A_755] : memref<819200x128xf32, #tpu.memory_space<hbm>> -> memref<256x128xf32, #tpu.memory_space<hbm>>
    tpu.enqueue_dma source(%arg6 : memref<256x128xf32, #tpu.memory_space<vmem>>) target(%dma_start3A_756 : memref<256x128xf32, #tpu.memory_space<hbm>>) target_semaphore(%arg12 : memref<!tpu.dma_semaphore, #tpu.memory_space<semaphore_mem>>)
    %add3A_757 = arith.constant 0 : i32
    %add3A_758 = arith.addi %mul3A_2, %add3A_757 : i32
    %dma_wait3A_759 = arith.constant 0 : i32
    %dma_wait3A_760 = tpu.memref_slice %arg4[%add3A_758, %dma_wait3A_759] : memref<819200x128xf32, #tpu.memory_space<hbm>> -> memref<256x128xf32, #tpu.memory_space<hbm>>
    %dma_wait3A_761 = arith.constant 0 : i32
    %dma_wait3A_762 = tpu.memref_slice %arg4[%add3A_758, %dma_wait3A_761] : memref<819200x128xf32, #tpu.memory_space<hbm>> -> memref<256x128xf32, #tpu.memory_space<hbm>>
    tpu.wait_dma2 semaphore(%arg12 : memref<!tpu.dma_semaphore, #tpu.memory_space<semaphore_mem>>) src(%arg6 : memref<256x128xf32, #tpu.memory_space<vmem>>) dst(%dma_wait3A_762 : memref<256x128xf32, #tpu.memory_space<hbm>>)
    %get3A_763 = arith.constant 6 : i32
    %get3A_764 = arith.index_cast %get3A_763 : i32 to index
    %get3A_765 = arith.constant 0 : index
    %get3A_766 = tpu.vector_load %arg5[%get3A_764, %get3A_765] {strides = array<i32>} : memref<200x128xi32, #tpu.memory_space<vmem>>, vector<1x16xi32>,
    %get3A_767 = vector.shape_cast %get3A_766 : vector<1x16xi32> to vector<16xi32>
    %add3A_768 = arith.constant 1 : i32
    %add3A_769 = vector.broadcast %add3A_768 : i32 to vector<16xi32>
    %add3A_770 = arith.addi %get3A_767, %add3A_769 : vector<16xi32>
    %swap3A_771 = arith.constant 6 : i32
    %swap3A_772 = arith.index_cast %swap3A_771 : i32 to index
    %swap3A_773 = arith.constant 0 : index
    %swap3A_774 = tpu.vector_load %arg5[%swap3A_772, %swap3A_773] {strides = array<i32>} : memref<200x128xi32, #tpu.memory_space<vmem>>, vector<1x16xi32>,
    %swap3A_775 = vector.shape_cast %swap3A_774 : vector<1x16xi32> to vector<16xi32>
    %swap3A_776 = vector.shape_cast %add3A_770 : vector<16xi32> to vector<1x16xi32>
    tpu.vector_store %arg5[%swap3A_772, %swap3A_773], %swap3A_776 {strides = array<i32>} : memref<200x128xi32, #tpu.memory_space<vmem>>, vector<1x16xi32>,
    %get3A_777 = arith.constant 6 : i32
    %get3A_778 = arith.index_cast %get3A_777 : i32 to index
    %get3A_779 = arith.constant 16 : index
    %get3A_780 = tpu.vector_load %arg5[%get3A_778, %get3A_779] {strides = array<i32>} : memref<200x128xi32, #tpu.memory_space<vmem>>, vector<1x16xi32>,
    %get3A_781 = vector.shape_cast %get3A_780 : vector<1x16xi32> to vector<16xi32>
    %add3A_782 = arith.constant 1 : i32
    %add3A_783 = vector.broadcast %add3A_782 : i32 to vector<16xi32>
    %add3A_784 = arith.addi %get3A_781, %add3A_783 : vector<16xi32>
    %swap3A_785 = arith.constant 6 : i32
    %swap3A_786 = arith.index_cast %swap3A_785 : i32 to index
    %swap3A_787 = arith.constant 16 : index
    %swap3A_788 = tpu.vector_load %arg5[%swap3A_786, %swap3A_787] {strides = array<i32>} : memref<200x128xi32, #tpu.memory_space<vmem>>, vector<1x16xi32>,
    %swap3A_789 = vector.shape_cast %swap3A_788 : vector<1x16xi32> to vector<16xi32>
    %swap3A_790 = vector.shape_cast %add3A_784 : vector<16xi32> to vector<1x16xi32>
    tpu.vector_store %arg5[%swap3A_786, %swap3A_787], %swap3A_790 {strides = array<i32>} : memref<200x128xi32, #tpu.memory_space<vmem>>, vector<1x16xi32>,
    %get3A_791 = arith.constant 6 : i32
    %get3A_792 = arith.index_cast %get3A_791 : i32 to index
    %get3A_793 = arith.constant 32 : index
    %get3A_794 = tpu.vector_load %arg5[%get3A_792, %get3A_793] {strides = array<i32>} : memref<200x128xi32, #tpu.memory_space<vmem>>, vector<1x16xi32>,
    %get3A_795 = vector.shape_cast %get3A_794 : vector<1x16xi32> to vector<16xi32>
    %add3A_796 = arith.constant 1 : i32
    %add3A_797 = vector.broadcast %add3A_796 : i32 to vector<16xi32>
    %add3A_798 = arith.addi %get3A_795, %add3A_797 : vector<16xi32>
    %swap3A_799 = arith.constant 6 : i32
    %swap3A_800 = arith.index_cast %swap3A_799 : i32 to index
    %swap3A_801 = arith.constant 32 : index
    %swap3A_802 = tpu.vector_load %arg5[%swap3A_800, %swap3A_801] {strides = array<i32>} : memref<200x128xi32, #tpu.memory_space<vmem>>, vector<1x16xi32>,
    %swap3A_803 = vector.shape_cast %swap3A_802 : vector<1x16xi32> to vector<16xi32>
    %swap3A_804 = vector.shape_cast %add3A_798 : vector<16xi32> to vector<1x16xi32>
    tpu.vector_store %arg5[%swap3A_800, %swap3A_801], %swap3A_804 {strides = array<i32>} : memref<200x128xi32, #tpu.memory_space<vmem>>, vector<1x16xi32>,
    %get3A_805 = arith.constant 6 : i32
    %get3A_806 = arith.index_cast %get3A_805 : i32 to index
    %get3A_807 = arith.constant 48 : index
    %get3A_808 = tpu.vector_load %arg5[%get3A_806, %get3A_807] {strides = array<i32>} : memref<200x128xi32, #tpu.memory_space<vmem>>, vector<1x16xi32>,
    %get3A_809 = vector.shape_cast %get3A_808 : vector<1x16xi32> to vector<16xi32>
    %add3A_810 = arith.constant 1 : i32
    %add3A_811 = vector.broadcast %add3A_810 : i32 to vector<16xi32>
    %add3A_812 = arith.addi %get3A_809, %add3A_811 : vector<16xi32>
    %swap3A_813 = arith.constant 6 : i32
    %swap3A_814 = arith.index_cast %swap3A_813 : i32 to index
    %swap3A_815 = arith.constant 48 : index
    %swap3A_816 = tpu.vector_load %arg5[%swap3A_814, %swap3A_815] {strides = array<i32>} : memref<200x128xi32, #tpu.memory_space<vmem>>, vector<1x16xi32>,
    %swap3A_817 = vector.shape_cast %swap3A_816 : vector<1x16xi32> to vector<16xi32>
    %swap3A_818 = vector.shape_cast %add3A_812 : vector<16xi32> to vector<1x16xi32>
    tpu.vector_store %arg5[%swap3A_814, %swap3A_815], %swap3A_818 {strides = array<i32>} : memref<200x128xi32, #tpu.memory_space<vmem>>, vector<1x16xi32>,
    %get3A_819 = arith.constant 6 : i32
    %get3A_820 = arith.index_cast %get3A_819 : i32 to index
    %get3A_821 = arith.constant 64 : index
    %get3A_822 = tpu.vector_load %arg5[%get3A_820, %get3A_821] {strides = array<i32>} : memref<200x128xi32, #tpu.memory_space<vmem>>, vector<1x16xi32>,
    %get3A_823 = vector.shape_cast %get3A_822 : vector<1x16xi32> to vector<16xi32>
    %add3A_824 = arith.constant 1 : i32
    %add3A_825 = vector.broadcast %add3A_824 : i32 to vector<16xi32>
    %add3A_826 = arith.addi %get3A_823, %add3A_825 : vector<16xi32>
    %swap3A_827 = arith.constant 6 : i32
    %swap3A_828 = arith.index_cast %swap3A_827 : i32 to index
    %swap3A_829 = arith.constant 64 : index
    %swap3A_830 = tpu.vector_load %arg5[%swap3A_828, %swap3A_829] {strides = array<i32>} : memref<200x128xi32, #tpu.memory_space<vmem>>, vector<1x16xi32>,
    %swap3A_831 = vector.shape_cast %swap3A_830 : vector<1x16xi32> to vector<16xi32>
    %swap3A_832 = vector.shape_cast %add3A_826 : vector<16xi32> to vector<1x16xi32>
    tpu.vector_store %arg5[%swap3A_828, %swap3A_829], %swap3A_832 {strides = array<i32>} : memref<200x128xi32, #tpu.memory_space<vmem>>, vector<1x16xi32>,
    %get3A_833 = arith.constant 6 : i32
    %get3A_834 = arith.index_cast %get3A_833 : i32 to index
    %get3A_835 = arith.constant 80 : index
    %get3A_836 = tpu.vector_load %arg5[%get3A_834, %get3A_835] {strides = array<i32>} : memref<200x128xi32, #tpu.memory_space<vmem>>, vector<1x16xi32>,
    %get3A_837 = vector.shape_cast %get3A_836 : vector<1x16xi32> to vector<16xi32>
    %add3A_838 = arith.constant 1 : i32
    %add3A_839 = vector.broadcast %add3A_838 : i32 to vector<16xi32>
    %add3A_840 = arith.addi %get3A_837, %add3A_839 : vector<16xi32>
    %swap3A_841 = arith.constant 6 : i32
    %swap3A_842 = arith.index_cast %swap3A_841 : i32 to index
    %swap3A_843 = arith.constant 80 : index
    %swap3A_844 = tpu.vector_load %arg5[%swap3A_842, %swap3A_843] {strides = array<i32>} : memref<200x128xi32, #tpu.memory_space<vmem>>, vector<1x16xi32>,
    %swap3A_845 = vector.shape_cast %swap3A_844 : vector<1x16xi32> to vector<16xi32>
    %swap3A_846 = vector.shape_cast %add3A_840 : vector<16xi32> to vector<1x16xi32>
    tpu.vector_store %arg5[%swap3A_842, %swap3A_843], %swap3A_846 {strides = array<i32>} : memref<200x128xi32, #tpu.memory_space<vmem>>, vector<1x16xi32>,
    %get3A_847 = arith.constant 6 : i32
    %get3A_848 = arith.index_cast %get3A_847 : i32 to index
    %get3A_849 = arith.constant 96 : index
    %get3A_850 = tpu.vector_load %arg5[%get3A_848, %get3A_849] {strides = array<i32>} : memref<200x128xi32, #tpu.memory_space<vmem>>, vector<1x16xi32>,
    %get3A_851 = vector.shape_cast %get3A_850 : vector<1x16xi32> to vector<16xi32>
    %add3A_852 = arith.constant 1 : i32
    %add3A_853 = vector.broadcast %add3A_852 : i32 to vector<16xi32>
    %add3A_854 = arith.addi %get3A_851, %add3A_853 : vector<16xi32>
    %swap3A_855 = arith.constant 6 : i32
    %swap3A_856 = arith.index_cast %swap3A_855 : i32 to index
    %swap3A_857 = arith.constant 96 : index
    %swap3A_858 = tpu.vector_load %arg5[%swap3A_856, %swap3A_857] {strides = array<i32>} : memref<200x128xi32, #tpu.memory_space<vmem>>, vector<1x16xi32>,
    %swap3A_859 = vector.shape_cast %swap3A_858 : vector<1x16xi32> to vector<16xi32>
    %swap3A_860 = vector.shape_cast %add3A_854 : vector<16xi32> to vector<1x16xi32>
    tpu.vector_store %arg5[%swap3A_856, %swap3A_857], %swap3A_860 {strides = array<i32>} : memref<200x128xi32, #tpu.memory_space<vmem>>, vector<1x16xi32>,
    %get3A_861 = arith.constant 6 : i32
    %get3A_862 = arith.index_cast %get3A_861 : i32 to index
    %get3A_863 = arith.constant 112 : index
    %get3A_864 = tpu.vector_load %arg5[%get3A_862, %get3A_863] {strides = array<i32>} : memref<200x128xi32, #tpu.memory_space<vmem>>, vector<1x16xi32>,
    %get3A_865 = vector.shape_cast %get3A_864 : vector<1x16xi32> to vector<16xi32>
    %add3A_866 = arith.constant 1 : i32
    %add3A_867 = vector.broadcast %add3A_866 : i32 to vector<16xi32>
    %add3A_868 = arith.addi %get3A_865, %add3A_867 : vector<16xi32>
    %swap3A_869 = arith.constant 6 : i32
    %swap3A_870 = arith.index_cast %swap3A_869 : i32 to index
    %swap3A_871 = arith.constant 112 : index
    %swap3A_872 = tpu.vector_load %arg5[%swap3A_870, %swap3A_871] {strides = array<i32>} : memref<200x128xi32, #tpu.memory_space<vmem>>, vector<1x16xi32>,
    %swap3A_873 = vector.shape_cast %swap3A_872 : vector<1x16xi32> to vector<16xi32>
    %swap3A_874 = vector.shape_cast %add3A_868 : vector<16xi32> to vector<1x16xi32>
    tpu.vector_store %arg5[%swap3A_870, %swap3A_871], %swap3A_874 {strides = array<i32>} : memref<200x128xi32, #tpu.memory_space<vmem>>, vector<1x16xi32>,
    %dma_start3A_875 = arith.constant 6 : i32
    %dma_start3A_876 = arith.constant 0 : i32
    %dma_start3A_877 = arith.constant 0 : i32
    %dma_start3A_878 = tpu.memref_slice %arg6[%dma_start3A_876, %dma_start3A_877] : memref<256x128xf32, #tpu.memory_space<vmem>> -> memref<128x128xf32, #tpu.memory_space<vmem>>
    %dma_start3A_879 = arith.constant 0 : i32
    %dma_start3A_880 = tpu.memref_slice %arg5[%dma_start3A_875, %dma_start3A_879] : memref<200x128xi32, #tpu.memory_space<vmem>> -> memref<1x128xi32, #tpu.memory_space<vmem>>
    %dma_start3A_881 = tpu.memref_squeeze %dma_start3A_880 : memref<1x128xi32, #tpu.memory_space<vmem>> -> memref<128xi32, #tpu.memory_space<vmem>>
    %dma_start3A_882 = arith.constant 0 : i32
    %dma_start3A_883 = arith.constant 0 : i32
    %dma_start3A_884 = tpu.memref_slice %arg3[%dma_start3A_882, %dma_start3A_883] : memref<100001x128xf32, #tpu.memory_space<hbm>> -> memref<100001x128xf32, #tpu.memory_space<hbm>>
    tpu.enqueue_indirect_dma source(%dma_start3A_884 : memref<100001x128xf32, #tpu.memory_space<hbm>>) target(%dma_start3A_878 : memref<128x128xf32, #tpu.memory_space<vmem>>) offsets(%dma_start3A_881 : memref<128xi32, #tpu.memory_space<vmem>>) semaphore(%arg9 : memref<!tpu.dma_semaphore, #tpu.memory_space<semaphore_mem>>)
    %get3A_885 = arith.constant 7 : i32
    %get3A_886 = arith.index_cast %get3A_885 : i32 to index
    %get3A_887 = arith.constant 0 : index
    %get3A_888 = tpu.vector_load %arg5[%get3A_886, %get3A_887] {strides = array<i32>} : memref<200x128xi32, #tpu.memory_space<vmem>>, vector<1x16xi32>,
    %get3A_889 = vector.shape_cast %get3A_888 : vector<1x16xi32> to vector<16xi32>
    %add3A_890 = arith.constant 1 : i32
    %add3A_891 = vector.broadcast %add3A_890 : i32 to vector<16xi32>
    %add3A_892 = arith.addi %get3A_889, %add3A_891 : vector<16xi32>
    %swap3A_893 = arith.constant 7 : i32
    %swap3A_894 = arith.index_cast %swap3A_893 : i32 to index
    %swap3A_895 = arith.constant 0 : index
    %swap3A_896 = tpu.vector_load %arg5[%swap3A_894, %swap3A_895] {strides = array<i32>} : memref<200x128xi32, #tpu.memory_space<vmem>>, vector<1x16xi32>,
    %swap3A_897 = vector.shape_cast %swap3A_896 : vector<1x16xi32> to vector<16xi32>
    %swap3A_898 = vector.shape_cast %add3A_892 : vector<16xi32> to vector<1x16xi32>
    tpu.vector_store %arg5[%swap3A_894, %swap3A_895], %swap3A_898 {strides = array<i32>} : memref<200x128xi32, #tpu.memory_space<vmem>>, vector<1x16xi32>,
    %get3A_899 = arith.constant 7 : i32
    %get3A_900 = arith.index_cast %get3A_899 : i32 to index
    %get3A_901 = arith.constant 16 : index
    %get3A_902 = tpu.vector_load %arg5[%get3A_900, %get3A_901] {strides = array<i32>} : memref<200x128xi32, #tpu.memory_space<vmem>>, vector<1x16xi32>,
    %get3A_903 = vector.shape_cast %get3A_902 : vector<1x16xi32> to vector<16xi32>
    %add3A_904 = arith.constant 1 : i32
    %add3A_905 = vector.broadcast %add3A_904 : i32 to vector<16xi32>
    %add3A_906 = arith.addi %get3A_903, %add3A_905 : vector<16xi32>
    %swap3A_907 = arith.constant 7 : i32
    %swap3A_908 = arith.index_cast %swap3A_907 : i32 to index
    %swap3A_909 = arith.constant 16 : index
    %swap3A_910 = tpu.vector_load %arg5[%swap3A_908, %swap3A_909] {strides = array<i32>} : memref<200x128xi32, #tpu.memory_space<vmem>>, vector<1x16xi32>,
    %swap3A_911 = vector.shape_cast %swap3A_910 : vector<1x16xi32> to vector<16xi32>
    %swap3A_912 = vector.shape_cast %add3A_906 : vector<16xi32> to vector<1x16xi32>
    tpu.vector_store %arg5[%swap3A_908, %swap3A_909], %swap3A_912 {strides = array<i32>} : memref<200x128xi32, #tpu.memory_space<vmem>>, vector<1x16xi32>,
    %get3A_913 = arith.constant 7 : i32
    %get3A_914 = arith.index_cast %get3A_913 : i32 to index
    %get3A_915 = arith.constant 32 : index
    %get3A_916 = tpu.vector_load %arg5[%get3A_914, %get3A_915] {strides = array<i32>} : memref<200x128xi32, #tpu.memory_space<vmem>>, vector<1x16xi32>,
    %get3A_917 = vector.shape_cast %get3A_916 : vector<1x16xi32> to vector<16xi32>
    %add3A_918 = arith.constant 1 : i32
    %add3A_919 = vector.broadcast %add3A_918 : i32 to vector<16xi32>
    %add3A_920 = arith.addi %get3A_917, %add3A_919 : vector<16xi32>
    %swap3A_921 = arith.constant 7 : i32
    %swap3A_922 = arith.index_cast %swap3A_921 : i32 to index
    %swap3A_923 = arith.constant 32 : index
    %swap3A_924 = tpu.vector_load %arg5[%swap3A_922, %swap3A_923] {strides = array<i32>} : memref<200x128xi32, #tpu.memory_space<vmem>>, vector<1x16xi32>,
    %swap3A_925 = vector.shape_cast %swap3A_924 : vector<1x16xi32> to vector<16xi32>
    %swap3A_926 = vector.shape_cast %add3A_920 : vector<16xi32> to vector<1x16xi32>
    tpu.vector_store %arg5[%swap3A_922, %swap3A_923], %swap3A_926 {strides = array<i32>} : memref<200x128xi32, #tpu.memory_space<vmem>>, vector<1x16xi32>,
    %get3A_927 = arith.constant 7 : i32
    %get3A_928 = arith.index_cast %get3A_927 : i32 to index
    %get3A_929 = arith.constant 48 : index
    %get3A_930 = tpu.vector_load %arg5[%get3A_928, %get3A_929] {strides = array<i32>} : memref<200x128xi32, #tpu.memory_space<vmem>>, vector<1x16xi32>,
    %get3A_931 = vector.shape_cast %get3A_930 : vector<1x16xi32> to vector<16xi32>
    %add3A_932 = arith.constant 1 : i32
    %add3A_933 = vector.broadcast %add3A_932 : i32 to vector<16xi32>
    %add3A_934 = arith.addi %get3A_931, %add3A_933 : vector<16xi32>
    %swap3A_935 = arith.constant 7 : i32
    %swap3A_936 = arith.index_cast %swap3A_935 : i32 to index
    %swap3A_937 = arith.constant 48 : index
    %swap3A_938 = tpu.vector_load %arg5[%swap3A_936, %swap3A_937] {strides = array<i32>} : memref<200x128xi32, #tpu.memory_space<vmem>>, vector<1x16xi32>,
    %swap3A_939 = vector.shape_cast %swap3A_938 : vector<1x16xi32> to vector<16xi32>
    %swap3A_940 = vector.shape_cast %add3A_934 : vector<16xi32> to vector<1x16xi32>
    tpu.vector_store %arg5[%swap3A_936, %swap3A_937], %swap3A_940 {strides = array<i32>} : memref<200x128xi32, #tpu.memory_space<vmem>>, vector<1x16xi32>,
    %get3A_941 = arith.constant 7 : i32
    %get3A_942 = arith.index_cast %get3A_941 : i32 to index
    %get3A_943 = arith.constant 64 : index
    %get3A_944 = tpu.vector_load %arg5[%get3A_942, %get3A_943] {strides = array<i32>} : memref<200x128xi32, #tpu.memory_space<vmem>>, vector<1x16xi32>,
    %get3A_945 = vector.shape_cast %get3A_944 : vector<1x16xi32> to vector<16xi32>
    %add3A_946 = arith.constant 1 : i32
    %add3A_947 = vector.broadcast %add3A_946 : i32 to vector<16xi32>
    %add3A_948 = arith.addi %get3A_945, %add3A_947 : vector<16xi32>
    %swap3A_949 = arith.constant 7 : i32
    %swap3A_950 = arith.index_cast %swap3A_949 : i32 to index
    %swap3A_951 = arith.constant 64 : index
    %swap3A_952 = tpu.vector_load %arg5[%swap3A_950, %swap3A_951] {strides = array<i32>} : memref<200x128xi32, #tpu.memory_space<vmem>>, vector<1x16xi32>,
    %swap3A_953 = vector.shape_cast %swap3A_952 : vector<1x16xi32> to vector<16xi32>
    %swap3A_954 = vector.shape_cast %add3A_948 : vector<16xi32> to vector<1x16xi32>
    tpu.vector_store %arg5[%swap3A_950, %swap3A_951], %swap3A_954 {strides = array<i32>} : memref<200x128xi32, #tpu.memory_space<vmem>>, vector<1x16xi32>,
    %get3A_955 = arith.constant 7 : i32
    %get3A_956 = arith.index_cast %get3A_955 : i32 to index
    %get3A_957 = arith.constant 80 : index
    %get3A_958 = tpu.vector_load %arg5[%get3A_956, %get3A_957] {strides = array<i32>} : memref<200x128xi32, #tpu.memory_space<vmem>>, vector<1x16xi32>,
    %get3A_959 = vector.shape_cast %get3A_958 : vector<1x16xi32> to vector<16xi32>
    %add3A_960 = arith.constant 1 : i32
    %add3A_961 = vector.broadcast %add3A_960 : i32 to vector<16xi32>
    %add3A_962 = arith.addi %get3A_959, %add3A_961 : vector<16xi32>
    %swap3A_963 = arith.constant 7 : i32
    %swap3A_964 = arith.index_cast %swap3A_963 : i32 to index
    %swap3A_965 = arith.constant 80 : index
    %swap3A_966 = tpu.vector_load %arg5[%swap3A_964, %swap3A_965] {strides = array<i32>} : memref<200x128xi32, #tpu.memory_space<vmem>>, vector<1x16xi32>,
    %swap3A_967 = vector.shape_cast %swap3A_966 : vector<1x16xi32> to vector<16xi32>
    %swap3A_968 = vector.shape_cast %add3A_962 : vector<16xi32> to vector<1x16xi32>
    tpu.vector_store %arg5[%swap3A_964, %swap3A_965], %swap3A_968 {strides = array<i32>} : memref<200x128xi32, #tpu.memory_space<vmem>>, vector<1x16xi32>,
    %get3A_969 = arith.constant 7 : i32
    %get3A_970 = arith.index_cast %get3A_969 : i32 to index
    %get3A_971 = arith.constant 96 : index
    %get3A_972 = tpu.vector_load %arg5[%get3A_970, %get3A_971] {strides = array<i32>} : memref<200x128xi32, #tpu.memory_space<vmem>>, vector<1x16xi32>,
    %get3A_973 = vector.shape_cast %get3A_972 : vector<1x16xi32> to vector<16xi32>
    %add3A_974 = arith.constant 1 : i32
    %add3A_975 = vector.broadcast %add3A_974 : i32 to vector<16xi32>
    %add3A_976 = arith.addi %get3A_973, %add3A_975 : vector<16xi32>
    %swap3A_977 = arith.constant 7 : i32
    %swap3A_978 = arith.index_cast %swap3A_977 : i32 to index
    %swap3A_979 = arith.constant 96 : index
    %swap3A_980 = tpu.vector_load %arg5[%swap3A_978, %swap3A_979] {strides = array<i32>} : memref<200x128xi32, #tpu.memory_space<vmem>>, vector<1x16xi32>,
    %swap3A_981 = vector.shape_cast %swap3A_980 : vector<1x16xi32> to vector<16xi32>
    %swap3A_982 = vector.shape_cast %add3A_976 : vector<16xi32> to vector<1x16xi32>
    tpu.vector_store %arg5[%swap3A_978, %swap3A_979], %swap3A_982 {strides = array<i32>} : memref<200x128xi32, #tpu.memory_space<vmem>>, vector<1x16xi32>,
    %get3A_983 = arith.constant 7 : i32
    %get3A_984 = arith.index_cast %get3A_983 : i32 to index
    %get3A_985 = arith.constant 112 : index
    %get3A_986 = tpu.vector_load %arg5[%get3A_984, %get3A_985] {strides = array<i32>} : memref<200x128xi32, #tpu.memory_space<vmem>>, vector<1x16xi32>,
    %get3A_987 = vector.shape_cast %get3A_986 : vector<1x16xi32> to vector<16xi32>
    %add3A_988 = arith.constant 1 : i32
    %add3A_989 = vector.broadcast %add3A_988 : i32 to vector<16xi32>
    %add3A_990 = arith.addi %get3A_987, %add3A_989 : vector<16xi32>
    %swap3A_991 = arith.constant 7 : i32
    %swap3A_992 = arith.index_cast %swap3A_991 : i32 to index
    %swap3A_993 = arith.constant 112 : index
    %swap3A_994 = tpu.vector_load %arg5[%swap3A_992, %swap3A_993] {strides = array<i32>} : memref<200x128xi32, #tpu.memory_space<vmem>>, vector<1x16xi32>,
    %swap3A_995 = vector.shape_cast %swap3A_994 : vector<1x16xi32> to vector<16xi32>
    %swap3A_996 = vector.shape_cast %add3A_990 : vector<16xi32> to vector<1x16xi32>
    tpu.vector_store %arg5[%swap3A_992, %swap3A_993], %swap3A_996 {strides = array<i32>} : memref<200x128xi32, #tpu.memory_space<vmem>>, vector<1x16xi32>,
    %dma_start3A_997 = arith.constant 7 : i32
    %dma_start3A_998 = arith.constant 128 : i32
    %dma_start3A_999 = arith.constant 0 : i32
    %dma_start3A_1000 = tpu.memref_slice %arg6[%dma_start3A_998, %dma_start3A_999] : memref<256x128xf32, #tpu.memory_space<vmem>> -> memref<128x128xf32, #tpu.memory_space<vmem>>
    %dma_start3A_1001 = arith.constant 0 : i32
    %dma_start3A_1002 = tpu.memref_slice %arg5[%dma_start3A_997, %dma_start3A_1001] : memref<200x128xi32, #tpu.memory_space<vmem>> -> memref<1x128xi32, #tpu.memory_space<vmem>>
    %dma_start3A_1003 = tpu.memref_squeeze %dma_start3A_1002 : memref<1x128xi32, #tpu.memory_space<vmem>> -> memref<128xi32, #tpu.memory_space<vmem>>
    %dma_start3A_1004 = arith.constant 0 : i32
    %dma_start3A_1005 = arith.constant 0 : i32
    %dma_start3A_1006 = tpu.memref_slice %arg3[%dma_start3A_1004, %dma_start3A_1005] : memref<100001x128xf32, #tpu.memory_space<hbm>> -> memref<100001x128xf32, #tpu.memory_space<hbm>>
    tpu.enqueue_indirect_dma source(%dma_start3A_1006 : memref<100001x128xf32, #tpu.memory_space<hbm>>) target(%dma_start3A_1000 : memref<128x128xf32, #tpu.memory_space<vmem>>) offsets(%dma_start3A_1003 : memref<128xi32, #tpu.memory_space<vmem>>) semaphore(%arg9 : memref<!tpu.dma_semaphore, #tpu.memory_space<semaphore_mem>>)
    %dma_wait3A_1007 = arith.constant 2 : i32
    %dma_wait3A_1008 = arith.constant 0 : i32
    %dma_wait3A_1009 = arith.constant 0 : i32
    %dma_wait3A_1010 = tpu.memref_slice %arg7[%dma_wait3A_1008, %dma_wait3A_1009] : memref<256x128xf32, #tpu.memory_space<vmem>> -> memref<128x128xf32, #tpu.memory_space<vmem>>
    %dma_wait3A_1011 = arith.constant 0 : i32
    %dma_wait3A_1012 = tpu.memref_slice %arg5[%dma_wait3A_1007, %dma_wait3A_1011] : memref<200x128xi32, #tpu.memory_space<vmem>> -> memref<1x128xi32, #tpu.memory_space<vmem>>
    %dma_wait3A_1013 = tpu.memref_squeeze %dma_wait3A_1012 : memref<1x128xi32, #tpu.memory_space<vmem>> -> memref<128xi32, #tpu.memory_space<vmem>>
    %dma_wait3A_1014 = arith.constant 0 : i32
    %dma_wait3A_1015 = arith.constant 0 : i32
    %dma_wait3A_1016 = tpu.memref_slice %arg3[%dma_wait3A_1014, %dma_wait3A_1015] : memref<100001x128xf32, #tpu.memory_space<hbm>> -> memref<100001x128xf32, #tpu.memory_space<hbm>>
    tpu.wait_indirect_dma semaphore(%arg10 : memref<!tpu.dma_semaphore, #tpu.memory_space<semaphore_mem>>) src(%dma_wait3A_1016 : memref<100001x128xf32, #tpu.memory_space<hbm>>) dst(%dma_wait3A_1010 : memref<128x128xf32, #tpu.memory_space<vmem>>)
    %dma_wait3A_1017 = arith.constant 3 : i32
    %dma_wait3A_1018 = arith.constant 128 : i32
    %dma_wait3A_1019 = arith.constant 0 : i32
    %dma_wait3A_1020 = tpu.memref_slice %arg7[%dma_wait3A_1018, %dma_wait3A_1019] : memref<256x128xf32, #tpu.memory_space<vmem>> -> memref<128x128xf32, #tpu.memory_space<vmem>>
    %dma_wait3A_1021 = arith.constant 0 : i32
    %dma_wait3A_1022 = tpu.memref_slice %arg5[%dma_wait3A_1017, %dma_wait3A_1021] : memref<200x128xi32, #tpu.memory_space<vmem>> -> memref<1x128xi32, #tpu.memory_space<vmem>>
    %dma_wait3A_1023 = tpu.memref_squeeze %dma_wait3A_1022 : memref<1x128xi32, #tpu.memory_space<vmem>> -> memref<128xi32, #tpu.memory_space<vmem>>
    %dma_wait3A_1024 = arith.constant 0 : i32
    %dma_wait3A_1025 = arith.constant 0 : i32
    %dma_wait3A_1026 = tpu.memref_slice %arg3[%dma_wait3A_1024, %dma_wait3A_1025] : memref<100001x128xf32, #tpu.memory_space<hbm>> -> memref<100001x128xf32, #tpu.memory_space<hbm>>
    tpu.wait_indirect_dma semaphore(%arg10 : memref<!tpu.dma_semaphore, #tpu.memory_space<semaphore_mem>>) src(%dma_wait3A_1026 : memref<100001x128xf32, #tpu.memory_space<hbm>>) dst(%dma_wait3A_1020 : memref<128x128xf32, #tpu.memory_space<vmem>>)
    %add3A_1027 = arith.constant 256 : i32
    %add3A_1028 = arith.addi %mul3A_2, %add3A_1027 : i32
    %dma_start3A_1029 = arith.constant 0 : i32
    %dma_start3A_1030 = tpu.memref_slice %arg4[%add3A_1028, %dma_start3A_1029] : memref<819200x128xf32, #tpu.memory_space<hbm>> -> memref<256x128xf32, #tpu.memory_space<hbm>>
    %dma_start3A_1031 = arith.constant 0 : i32
    %dma_start3A_1032 = tpu.memref_slice %arg4[%add3A_1028, %dma_start3A_1031] : memref<819200x128xf32, #tpu.memory_space<hbm>> -> memref<256x128xf32, #tpu.memory_space<hbm>>
    tpu.enqueue_dma source(%arg7 : memref<256x128xf32, #tpu.memory_space<vmem>>) target(%dma_start3A_1032 : memref<256x128xf32, #tpu.memory_space<hbm>>) target_semaphore(%arg13 : memref<!tpu.dma_semaphore, #tpu.memory_space<semaphore_mem>>)
    %add3A_1033 = arith.constant 256 : i32
    %add3A_1034 = arith.addi %mul3A_2, %add3A_1033 : i32
    %dma_wait3A_1035 = arith.constant 0 : i32
    %dma_wait3A_1036 = tpu.memref_slice %arg4[%add3A_1034, %dma_wait3A_1035] : memref<819200x128xf32, #tpu.memory_space<hbm>> -> memref<256x128xf32, #tpu.memory_space<hbm>>
    %dma_wait3A_1037 = arith.constant 0 : i32
    %dma_wait3A_1038 = tpu.memref_slice %arg4[%add3A_1034, %dma_wait3A_1037] : memref<819200x128xf32, #tpu.memory_space<hbm>> -> memref<256x128xf32, #tpu.memory_space<hbm>>
    tpu.wait_dma2 semaphore(%arg13 : memref<!tpu.dma_semaphore, #tpu.memory_space<semaphore_mem>>) src(%arg7 : memref<256x128xf32, #tpu.memory_space<vmem>>) dst(%dma_wait3A_1038 : memref<256x128xf32, #tpu.memory_space<hbm>>)
    %get3A_1039 = arith.constant 8 : i32
    %get3A_1040 = arith.index_cast %get3A_1039 : i32 to index
    %get3A_1041 = arith.constant 0 : index
    %get3A_1042 = tpu.vector_load %arg5[%get3A_1040, %get3A_1041] {strides = array<i32>} : memref<200x128xi32, #tpu.memory_space<vmem>>, vector<1x16xi32>,
    %get3A_1043 = vector.shape_cast %get3A_1042 : vector<1x16xi32> to vector<16xi32>
    %add3A_1044 = arith.constant 1 : i32
    %add3A_1045 = vector.broadcast %add3A_1044 : i32 to vector<16xi32>
    %add3A_1046 = arith.addi %get3A_1043, %add3A_1045 : vector<16xi32>
    %swap3A_1047 = arith.constant 8 : i32
    %swap3A_1048 = arith.index_cast %swap3A_1047 : i32 to index
    %swap3A_1049 = arith.constant 0 : index
    %swap3A_1050 = tpu.vector_load %arg5[%swap3A_1048, %swap3A_1049] {strides = array<i32>} : memref<200x128xi32, #tpu.memory_space<vmem>>, vector<1x16xi32>,
    %swap3A_1051 = vector.shape_cast %swap3A_1050 : vector<1x16xi32> to vector<16xi32>
    %swap3A_1052 = vector.shape_cast %add3A_1046 : vector<16xi32> to vector<1x16xi32>
    tpu.vector_store %arg5[%swap3A_1048, %swap3A_1049], %swap3A_1052 {strides = array<i32>} : memref<200x128xi32, #tpu.memory_space<vmem>>, vector<1x16xi32>,
    %get3A_1053 = arith.constant 8 : i32
    %get3A_1054 = arith.index_cast %get3A_1053 : i32 to index
    %get3A_1055 = arith.constant 16 : index
    %get3A_1056 = tpu.vector_load %arg5[%get3A_1054, %get3A_1055] {strides = array<i32>} : memref<200x128xi32, #tpu.memory_space<vmem>>, vector<1x16xi32>,
    %get3A_1057 = vector.shape_cast %get3A_1056 : vector<1x16xi32> to vector<16xi32>
    %add3A_1058 = arith.constant 1 : i32
    %add3A_1059 = vector.broadcast %add3A_1058 : i32 to vector<16xi32>
    %add3A_1060 = arith.addi %get3A_1057, %add3A_1059 : vector<16xi32>
    %swap3A_1061 = arith.constant 8 : i32
    %swap3A_1062 = arith.index_cast %swap3A_1061 : i32 to index
    %swap3A_1063 = arith.constant 16 : index
    %swap3A_1064 = tpu.vector_load %arg5[%swap3A_1062, %swap3A_1063] {strides = array<i32>} : memref<200x128xi32, #tpu.memory_space<vmem>>, vector<1x16xi32>,
    %swap3A_1065 = vector.shape_cast %swap3A_1064 : vector<1x16xi32> to vector<16xi32>
    %swap3A_1066 = vector.shape_cast %add3A_1060 : vector<16xi32> to vector<1x16xi32>
    tpu.vector_store %arg5[%swap3A_1062, %swap3A_1063], %swap3A_1066 {strides = array<i32>} : memref<200x128xi32, #tpu.memory_space<vmem>>, vector<1x16xi32>,
    %get3A_1067 = arith.constant 8 : i32
    %get3A_1068 = arith.index_cast %get3A_1067 : i32 to index
    %get3A_1069 = arith.constant 32 : index
    %get3A_1070 = tpu.vector_load %arg5[%get3A_1068, %get3A_1069] {strides = array<i32>} : memref<200x128xi32, #tpu.memory_space<vmem>>, vector<1x16xi32>,
    %get3A_1071 = vector.shape_cast %get3A_1070 : vector<1x16xi32> to vector<16xi32>
    %add3A_1072 = arith.constant 1 : i32
    %add3A_1073 = vector.broadcast %add3A_1072 : i32 to vector<16xi32>
    %add3A_1074 = arith.addi %get3A_1071, %add3A_1073 : vector<16xi32>
    %swap3A_1075 = arith.constant 8 : i32
    %swap3A_1076 = arith.index_cast %swap3A_1075 : i32 to index
    %swap3A_1077 = arith.constant 32 : index
    %swap3A_1078 = tpu.vector_load %arg5[%swap3A_1076, %swap3A_1077] {strides = array<i32>} : memref<200x128xi32, #tpu.memory_space<vmem>>, vector<1x16xi32>,
    %swap3A_1079 = vector.shape_cast %swap3A_1078 : vector<1x16xi32> to vector<16xi32>
    %swap3A_1080 = vector.shape_cast %add3A_1074 : vector<16xi32> to vector<1x16xi32>
    tpu.vector_store %arg5[%swap3A_1076, %swap3A_1077], %swap3A_1080 {strides = array<i32>} : memref<200x128xi32, #tpu.memory_space<vmem>>, vector<1x16xi32>,
    %get3A_1081 = arith.constant 8 : i32
    %get3A_1082 = arith.index_cast %get3A_1081 : i32 to index
    %get3A_1083 = arith.constant 48 : index
    %get3A_1084 = tpu.vector_load %arg5[%get3A_1082, %get3A_1083] {strides = array<i32>} : memref<200x128xi32, #tpu.memory_space<vmem>>, vector<1x16xi32>,
    %get3A_1085 = vector.shape_cast %get3A_1084 : vector<1x16xi32> to vector<16xi32>
    %add3A_1086 = arith.constant 1 : i32
    %add3A_1087 = vector.broadcast %add3A_1086 : i32 to vector<16xi32>
    %add3A_1088 = arith.addi %get3A_1085, %add3A_1087 : vector<16xi32>
    %swap3A_1089 = arith.constant 8 : i32
    %swap3A_1090 = arith.index_cast %swap3A_1089 : i32 to index
    %swap3A_1091 = arith.constant 48 : index
    %swap3A_1092 = tpu.vector_load %arg5[%swap3A_1090, %swap3A_1091] {strides = array<i32>} : memref<200x128xi32, #tpu.memory_space<vmem>>, vector<1x16xi32>,
    %swap3A_1093 = vector.shape_cast %swap3A_1092 : vector<1x16xi32> to vector<16xi32>
    %swap3A_1094 = vector.shape_cast %add3A_1088 : vector<16xi32> to vector<1x16xi32>
    tpu.vector_store %arg5[%swap3A_1090, %swap3A_1091], %swap3A_1094 {strides = array<i32>} : memref<200x128xi32, #tpu.memory_space<vmem>>, vector<1x16xi32>,
    %get3A_1095 = arith.constant 8 : i32
    %get3A_1096 = arith.index_cast %get3A_1095 : i32 to index
    %get3A_1097 = arith.constant 64 : index
    %get3A_1098 = tpu.vector_load %arg5[%get3A_1096, %get3A_1097] {strides = array<i32>} : memref<200x128xi32, #tpu.memory_space<vmem>>, vector<1x16xi32>,
    %get3A_1099 = vector.shape_cast %get3A_1098 : vector<1x16xi32> to vector<16xi32>
    %add3A_1100 = arith.constant 1 : i32
    %add3A_1101 = vector.broadcast %add3A_1100 : i32 to vector<16xi32>
    %add3A_1102 = arith.addi %get3A_1099, %add3A_1101 : vector<16xi32>
    %swap3A_1103 = arith.constant 8 : i32
    %swap3A_1104 = arith.index_cast %swap3A_1103 : i32 to index
    %swap3A_1105 = arith.constant 64 : index
    %swap3A_1106 = tpu.vector_load %arg5[%swap3A_1104, %swap3A_1105] {strides = array<i32>} : memref<200x128xi32, #tpu.memory_space<vmem>>, vector<1x16xi32>,
    %swap3A_1107 = vector.shape_cast %swap3A_1106 : vector<1x16xi32> to vector<16xi32>
    %swap3A_1108 = vector.shape_cast %add3A_1102 : vector<16xi32> to vector<1x16xi32>
    tpu.vector_store %arg5[%swap3A_1104, %swap3A_1105], %swap3A_1108 {strides = array<i32>} : memref<200x128xi32, #tpu.memory_space<vmem>>, vector<1x16xi32>,
    %get3A_1109 = arith.constant 8 : i32
    %get3A_1110 = arith.index_cast %get3A_1109 : i32 to index
    %get3A_1111 = arith.constant 80 : index
    %get3A_1112 = tpu.vector_load %arg5[%get3A_1110, %get3A_1111] {strides = array<i32>} : memref<200x128xi32, #tpu.memory_space<vmem>>, vector<1x16xi32>,
    %get3A_1113 = vector.shape_cast %get3A_1112 : vector<1x16xi32> to vector<16xi32>
    %add3A_1114 = arith.constant 1 : i32
    %add3A_1115 = vector.broadcast %add3A_1114 : i32 to vector<16xi32>
    %add3A_1116 = arith.addi %get3A_1113, %add3A_1115 : vector<16xi32>
    %swap3A_1117 = arith.constant 8 : i32
    %swap3A_1118 = arith.index_cast %swap3A_1117 : i32 to index
    %swap3A_1119 = arith.constant 80 : index
    %swap3A_1120 = tpu.vector_load %arg5[%swap3A_1118, %swap3A_1119] {strides = array<i32>} : memref<200x128xi32, #tpu.memory_space<vmem>>, vector<1x16xi32>,
    %swap3A_1121 = vector.shape_cast %swap3A_1120 : vector<1x16xi32> to vector<16xi32>
    %swap3A_1122 = vector.shape_cast %add3A_1116 : vector<16xi32> to vector<1x16xi32>
    tpu.vector_store %arg5[%swap3A_1118, %swap3A_1119], %swap3A_1122 {strides = array<i32>} : memref<200x128xi32, #tpu.memory_space<vmem>>, vector<1x16xi32>,
    %get3A_1123 = arith.constant 8 : i32
    %get3A_1124 = arith.index_cast %get3A_1123 : i32 to index
    %get3A_1125 = arith.constant 96 : index
    %get3A_1126 = tpu.vector_load %arg5[%get3A_1124, %get3A_1125] {strides = array<i32>} : memref<200x128xi32, #tpu.memory_space<vmem>>, vector<1x16xi32>,
    %get3A_1127 = vector.shape_cast %get3A_1126 : vector<1x16xi32> to vector<16xi32>
    %add3A_1128 = arith.constant 1 : i32
    %add3A_1129 = vector.broadcast %add3A_1128 : i32 to vector<16xi32>
    %add3A_1130 = arith.addi %get3A_1127, %add3A_1129 : vector<16xi32>
    %swap3A_1131 = arith.constant 8 : i32
    %swap3A_1132 = arith.index_cast %swap3A_1131 : i32 to index
    %swap3A_1133 = arith.constant 96 : index
    %swap3A_1134 = tpu.vector_load %arg5[%swap3A_1132, %swap3A_1133] {strides = array<i32>} : memref<200x128xi32, #tpu.memory_space<vmem>>, vector<1x16xi32>,
    %swap3A_1135 = vector.shape_cast %swap3A_1134 : vector<1x16xi32> to vector<16xi32>
    %swap3A_1136 = vector.shape_cast %add3A_1130 : vector<16xi32> to vector<1x16xi32>
    tpu.vector_store %arg5[%swap3A_1132, %swap3A_1133], %swap3A_1136 {strides = array<i32>} : memref<200x128xi32, #tpu.memory_space<vmem>>, vector<1x16xi32>,
    %get3A_1137 = arith.constant 8 : i32
    %get3A_1138 = arith.index_cast %get3A_1137 : i32 to index
    %get3A_1139 = arith.constant 112 : index
    %get3A_1140 = tpu.vector_load %arg5[%get3A_1138, %get3A_1139] {strides = array<i32>} : memref<200x128xi32, #tpu.memory_space<vmem>>, vector<1x16xi32>,
    %get3A_1141 = vector.shape_cast %get3A_1140 : vector<1x16xi32> to vector<16xi32>
    %add3A_1142 = arith.constant 1 : i32
    %add3A_1143 = vector.broadcast %add3A_1142 : i32 to vector<16xi32>
    %add3A_1144 = arith.addi %get3A_1141, %add3A_1143 : vector<16xi32>
    %swap3A_1145 = arith.constant 8 : i32
    %swap3A_1146 = arith.index_cast %swap3A_1145 : i32 to index
    %swap3A_1147 = arith.constant 112 : index
    %swap3A_1148 = tpu.vector_load %arg5[%swap3A_1146, %swap3A_1147] {strides = array<i32>} : memref<200x128xi32, #tpu.memory_space<vmem>>, vector<1x16xi32>,
    %swap3A_1149 = vector.shape_cast %swap3A_1148 : vector<1x16xi32> to vector<16xi32>
    %swap3A_1150 = vector.shape_cast %add3A_1144 : vector<16xi32> to vector<1x16xi32>
    tpu.vector_store %arg5[%swap3A_1146, %swap3A_1147], %swap3A_1150 {strides = array<i32>} : memref<200x128xi32, #tpu.memory_space<vmem>>, vector<1x16xi32>,
    %dma_start3A_1151 = arith.constant 8 : i32
    %dma_start3A_1152 = arith.constant 0 : i32
    %dma_start3A_1153 = arith.constant 0 : i32
    %dma_start3A_1154 = tpu.memref_slice %arg7[%dma_start3A_1152, %dma_start3A_1153] : memref<256x128xf32, #tpu.memory_space<vmem>> -> memref<128x128xf32, #tpu.memory_space<vmem>>
    %dma_start3A_1155 = arith.constant 0 : i32
    %dma_start3A_1156 = tpu.memref_slice %arg5[%dma_start3A_1151, %dma_start3A_1155] : memref<200x128xi32, #tpu.memory_space<vmem>> -> memref<1x128xi32, #tpu.memory_space<vmem>>
    %dma_start3A_1157 = tpu.memref_squeeze %dma_start3A_1156 : memref<1x128xi32, #tpu.memory_space<vmem>> -> memref<128xi32, #tpu.memory_space<vmem>>
    %dma_start3A_1158 = arith.constant 0 : i32
    %dma_start3A_1159 = arith.constant 0 : i32
    %dma_start3A_1160 = tpu.memref_slice %arg3[%dma_start3A_1158, %dma_start3A_1159] : memref<100001x128xf32, #tpu.memory_space<hbm>> -> memref<100001x128xf32, #tpu.memory_space<hbm>>
    tpu.enqueue_indirect_dma source(%dma_start3A_1160 : memref<100001x128xf32, #tpu.memory_space<hbm>>) target(%dma_start3A_1154 : memref<128x128xf32, #tpu.memory_space<vmem>>) offsets(%dma_start3A_1157 : memref<128xi32, #tpu.memory_space<vmem>>) semaphore(%arg10 : memref<!tpu.dma_semaphore, #tpu.memory_space<semaphore_mem>>)
    %get3A_1161 = arith.constant 9 : i32
    %get3A_1162 = arith.index_cast %get3A_1161 : i32 to index
    %get3A_1163 = arith.constant 0 : index
    %get3A_1164 = tpu.vector_load %arg5[%get3A_1162, %get3A_1163] {strides = array<i32>} : memref<200x128xi32, #tpu.memory_space<vmem>>, vector<1x16xi32>,
    %get3A_1165 = vector.shape_cast %get3A_1164 : vector<1x16xi32> to vector<16xi32>
    %add3A_1166 = arith.constant 1 : i32
    %add3A_1167 = vector.broadcast %add3A_1166 : i32 to vector<16xi32>
    %add3A_1168 = arith.addi %get3A_1165, %add3A_1167 : vector<16xi32>
    %swap3A_1169 = arith.constant 9 : i32
    %swap3A_1170 = arith.index_cast %swap3A_1169 : i32 to index
    %swap3A_1171 = arith.constant 0 : index
    %swap3A_1172 = tpu.vector_load %arg5[%swap3A_1170, %swap3A_1171] {strides = array<i32>} : memref<200x128xi32, #tpu.memory_space<vmem>>, vector<1x16xi32>,
    %swap3A_1173 = vector.shape_cast %swap3A_1172 : vector<1x16xi32> to vector<16xi32>
    %swap3A_1174 = vector.shape_cast %add3A_1168 : vector<16xi32> to vector<1x16xi32>
    tpu.vector_store %arg5[%swap3A_1170, %swap3A_1171], %swap3A_1174 {strides = array<i32>} : memref<200x128xi32, #tpu.memory_space<vmem>>, vector<1x16xi32>,
    %get3A_1175 = arith.constant 9 : i32
    %get3A_1176 = arith.index_cast %get3A_1175 : i32 to index
    %get3A_1177 = arith.constant 16 : index
    %get3A_1178 = tpu.vector_load %arg5[%get3A_1176, %get3A_1177] {strides = array<i32>} : memref<200x128xi32, #tpu.memory_space<vmem>>, vector<1x16xi32>,
    %get3A_1179 = vector.shape_cast %get3A_1178 : vector<1x16xi32> to vector<16xi32>
    %add3A_1180 = arith.constant 1 : i32
    %add3A_1181 = vector.broadcast %add3A_1180 : i32 to vector<16xi32>
    %add3A_1182 = arith.addi %get3A_1179, %add3A_1181 : vector<16xi32>
    %swap3A_1183 = arith.constant 9 : i32
    %swap3A_1184 = arith.index_cast %swap3A_1183 : i32 to index
    %swap3A_1185 = arith.constant 16 : index
    %swap3A_1186 = tpu.vector_load %arg5[%swap3A_1184, %swap3A_1185] {strides = array<i32>} : memref<200x128xi32, #tpu.memory_space<vmem>>, vector<1x16xi32>,
    %swap3A_1187 = vector.shape_cast %swap3A_1186 : vector<1x16xi32> to vector<16xi32>
    %swap3A_1188 = vector.shape_cast %add3A_1182 : vector<16xi32> to vector<1x16xi32>
    tpu.vector_store %arg5[%swap3A_1184, %swap3A_1185], %swap3A_1188 {strides = array<i32>} : memref<200x128xi32, #tpu.memory_space<vmem>>, vector<1x16xi32>,
    %get3A_1189 = arith.constant 9 : i32
    %get3A_1190 = arith.index_cast %get3A_1189 : i32 to index
    %get3A_1191 = arith.constant 32 : index
    %get3A_1192 = tpu.vector_load %arg5[%get3A_1190, %get3A_1191] {strides = array<i32>} : memref<200x128xi32, #tpu.memory_space<vmem>>, vector<1x16xi32>,
    %get3A_1193 = vector.shape_cast %get3A_1192 : vector<1x16xi32> to vector<16xi32>
    %add3A_1194 = arith.constant 1 : i32
    %add3A_1195 = vector.broadcast %add3A_1194 : i32 to vector<16xi32>
    %add3A_1196 = arith.addi %get3A_1193, %add3A_1195 : vector<16xi32>
    %swap3A_1197 = arith.constant 9 : i32
    %swap3A_1198 = arith.index_cast %swap3A_1197 : i32 to index
    %swap3A_1199 = arith.constant 32 : index
    %swap3A_1200 = tpu.vector_load %arg5[%swap3A_1198, %swap3A_1199] {strides = array<i32>} : memref<200x128xi32, #tpu.memory_space<vmem>>, vector<1x16xi32>,
    %swap3A_1201 = vector.shape_cast %swap3A_1200 : vector<1x16xi32> to vector<16xi32>
    %swap3A_1202 = vector.shape_cast %add3A_1196 : vector<16xi32> to vector<1x16xi32>
    tpu.vector_store %arg5[%swap3A_1198, %swap3A_1199], %swap3A_1202 {strides = array<i32>} : memref<200x128xi32, #tpu.memory_space<vmem>>, vector<1x16xi32>,
    %get3A_1203 = arith.constant 9 : i32
    %get3A_1204 = arith.index_cast %get3A_1203 : i32 to index
    %get3A_1205 = arith.constant 48 : index
    %get3A_1206 = tpu.vector_load %arg5[%get3A_1204, %get3A_1205] {strides = array<i32>} : memref<200x128xi32, #tpu.memory_space<vmem>>, vector<1x16xi32>,
    %get3A_1207 = vector.shape_cast %get3A_1206 : vector<1x16xi32> to vector<16xi32>
    %add3A_1208 = arith.constant 1 : i32
    %add3A_1209 = vector.broadcast %add3A_1208 : i32 to vector<16xi32>
    %add3A_1210 = arith.addi %get3A_1207, %add3A_1209 : vector<16xi32>
    %swap3A_1211 = arith.constant 9 : i32
    %swap3A_1212 = arith.index_cast %swap3A_1211 : i32 to index
    %swap3A_1213 = arith.constant 48 : index
    %swap3A_1214 = tpu.vector_load %arg5[%swap3A_1212, %swap3A_1213] {strides = array<i32>} : memref<200x128xi32, #tpu.memory_space<vmem>>, vector<1x16xi32>,
    %swap3A_1215 = vector.shape_cast %swap3A_1214 : vector<1x16xi32> to vector<16xi32>
    %swap3A_1216 = vector.shape_cast %add3A_1210 : vector<16xi32> to vector<1x16xi32>
    tpu.vector_store %arg5[%swap3A_1212, %swap3A_1213], %swap3A_1216 {strides = array<i32>} : memref<200x128xi32, #tpu.memory_space<vmem>>, vector<1x16xi32>,
    %get3A_1217 = arith.constant 9 : i32
    %get3A_1218 = arith.index_cast %get3A_1217 : i32 to index
    %get3A_1219 = arith.constant 64 : index
    %get3A_1220 = tpu.vector_load %arg5[%get3A_1218, %get3A_1219] {strides = array<i32>} : memref<200x128xi32, #tpu.memory_space<vmem>>, vector<1x16xi32>,
    %get3A_1221 = vector.shape_cast %get3A_1220 : vector<1x16xi32> to vector<16xi32>
    %add3A_1222 = arith.constant 1 : i32
    %add3A_1223 = vector.broadcast %add3A_1222 : i32 to vector<16xi32>
    %add3A_1224 = arith.addi %get3A_1221, %add3A_1223 : vector<16xi32>
    %swap3A_1225 = arith.constant 9 : i32
    %swap3A_1226 = arith.index_cast %swap3A_1225 : i32 to index
    %swap3A_1227 = arith.constant 64 : index
    %swap3A_1228 = tpu.vector_load %arg5[%swap3A_1226, %swap3A_1227] {strides = array<i32>} : memref<200x128xi32, #tpu.memory_space<vmem>>, vector<1x16xi32>,
    %swap3A_1229 = vector.shape_cast %swap3A_1228 : vector<1x16xi32> to vector<16xi32>
    %swap3A_1230 = vector.shape_cast %add3A_1224 : vector<16xi32> to vector<1x16xi32>
    tpu.vector_store %arg5[%swap3A_1226, %swap3A_1227], %swap3A_1230 {strides = array<i32>} : memref<200x128xi32, #tpu.memory_space<vmem>>, vector<1x16xi32>,
    %get3A_1231 = arith.constant 9 : i32
    %get3A_1232 = arith.index_cast %get3A_1231 : i32 to index
    %get3A_1233 = arith.constant 80 : index
    %get3A_1234 = tpu.vector_load %arg5[%get3A_1232, %get3A_1233] {strides = array<i32>} : memref<200x128xi32, #tpu.memory_space<vmem>>, vector<1x16xi32>,
    %get3A_1235 = vector.shape_cast %get3A_1234 : vector<1x16xi32> to vector<16xi32>
    %add3A_1236 = arith.constant 1 : i32
    %add3A_1237 = vector.broadcast %add3A_1236 : i32 to vector<16xi32>
    %add3A_1238 = arith.addi %get3A_1235, %add3A_1237 : vector<16xi32>
    %swap3A_1239 = arith.constant 9 : i32
    %swap3A_1240 = arith.index_cast %swap3A_1239 : i32 to index
    %swap3A_1241 = arith.constant 80 : index
    %swap3A_1242 = tpu.vector_load %arg5[%swap3A_1240, %swap3A_1241] {strides = array<i32>} : memref<200x128xi32, #tpu.memory_space<vmem>>, vector<1x16xi32>,
    %swap3A_1243 = vector.shape_cast %swap3A_1242 : vector<1x16xi32> to vector<16xi32>
    %swap3A_1244 = vector.shape_cast %add3A_1238 : vector<16xi32> to vector<1x16xi32>
    tpu.vector_store %arg5[%swap3A_1240, %swap3A_1241], %swap3A_1244 {strides = array<i32>} : memref<200x128xi32, #tpu.memory_space<vmem>>, vector<1x16xi32>,
    %get3A_1245 = arith.constant 9 : i32
    %get3A_1246 = arith.index_cast %get3A_1245 : i32 to index
    %get3A_1247 = arith.constant 96 : index
    %get3A_1248 = tpu.vector_load %arg5[%get3A_1246, %get3A_1247] {strides = array<i32>} : memref<200x128xi32, #tpu.memory_space<vmem>>, vector<1x16xi32>,
    %get3A_1249 = vector.shape_cast %get3A_1248 : vector<1x16xi32> to vector<16xi32>
    %add3A_1250 = arith.constant 1 : i32
    %add3A_1251 = vector.broadcast %add3A_1250 : i32 to vector<16xi32>
    %add3A_1252 = arith.addi %get3A_1249, %add3A_1251 : vector<16xi32>
    %swap3A_1253 = arith.constant 9 : i32
    %swap3A_1254 = arith.index_cast %swap3A_1253 : i32 to index
    %swap3A_1255 = arith.constant 96 : index
    %swap3A_1256 = tpu.vector_load %arg5[%swap3A_1254, %swap3A_1255] {strides = array<i32>} : memref<200x128xi32, #tpu.memory_space<vmem>>, vector<1x16xi32>,
    %swap3A_1257 = vector.shape_cast %swap3A_1256 : vector<1x16xi32> to vector<16xi32>
    %swap3A_1258 = vector.shape_cast %add3A_1252 : vector<16xi32> to vector<1x16xi32>
    tpu.vector_store %arg5[%swap3A_1254, %swap3A_1255], %swap3A_1258 {strides = array<i32>} : memref<200x128xi32, #tpu.memory_space<vmem>>, vector<1x16xi32>,
    %get3A_1259 = arith.constant 9 : i32
    %get3A_1260 = arith.index_cast %get3A_1259 : i32 to index
    %get3A_1261 = arith.constant 112 : index
    %get3A_1262 = tpu.vector_load %arg5[%get3A_1260, %get3A_1261] {strides = array<i32>} : memref<200x128xi32, #tpu.memory_space<vmem>>, vector<1x16xi32>,
    %get3A_1263 = vector.shape_cast %get3A_1262 : vector<1x16xi32> to vector<16xi32>
    %add3A_1264 = arith.constant 1 : i32
    %add3A_1265 = vector.broadcast %add3A_1264 : i32 to vector<16xi32>
    %add3A_1266 = arith.addi %get3A_1263, %add3A_1265 : vector<16xi32>
    %swap3A_1267 = arith.constant 9 : i32
    %swap3A_1268 = arith.index_cast %swap3A_1267 : i32 to index
    %swap3A_1269 = arith.constant 112 : index
    %swap3A_1270 = tpu.vector_load %arg5[%swap3A_1268, %swap3A_1269] {strides = array<i32>} : memref<200x128xi32, #tpu.memory_space<vmem>>, vector<1x16xi32>,
    %swap3A_1271 = vector.shape_cast %swap3A_1270 : vector<1x16xi32> to vector<16xi32>
    %swap3A_1272 = vector.shape_cast %add3A_1266 : vector<16xi32> to vector<1x16xi32>
    tpu.vector_store %arg5[%swap3A_1268, %swap3A_1269], %swap3A_1272 {strides = array<i32>} : memref<200x128xi32, #tpu.memory_space<vmem>>, vector<1x16xi32>,
    %dma_start3A_1273 = arith.constant 9 : i32
    %dma_start3A_1274 = arith.constant 128 : i32
    %dma_start3A_1275 = arith.constant 0 : i32
    %dma_start3A_1276 = tpu.memref_slice %arg7[%dma_start3A_1274, %dma_start3A_1275] : memref<256x128xf32, #tpu.memory_space<vmem>> -> memref<128x128xf32, #tpu.memory_space<vmem>>
    %dma_start3A_1277 = arith.constant 0 : i32
    %dma_start3A_1278 = tpu.memref_slice %arg5[%dma_start3A_1273, %dma_start3A_1277] : memref<200x128xi32, #tpu.memory_space<vmem>> -> memref<1x128xi32, #tpu.memory_space<vmem>>
    %dma_start3A_1279 = tpu.memref_squeeze %dma_start3A_1278 : memref<1x128xi32, #tpu.memory_space<vmem>> -> memref<128xi32, #tpu.memory_space<vmem>>
    %dma_start3A_1280 = arith.constant 0 : i32
    %dma_start3A_1281 = arith.constant 0 : i32
    %dma_start3A_1282 = tpu.memref_slice %arg3[%dma_start3A_1280, %dma_start3A_1281] : memref<100001x128xf32, #tpu.memory_space<hbm>> -> memref<100001x128xf32, #tpu.memory_space<hbm>>
    tpu.enqueue_indirect_dma source(%dma_start3A_1282 : memref<100001x128xf32, #tpu.memory_space<hbm>>) target(%dma_start3A_1276 : memref<128x128xf32, #tpu.memory_space<vmem>>) offsets(%dma_start3A_1279 : memref<128xi32, #tpu.memory_space<vmem>>) semaphore(%arg10 : memref<!tpu.dma_semaphore, #tpu.memory_space<semaphore_mem>>)
    %dma_wait3A_1283 = arith.constant 4 : i32
    %dma_wait3A_1284 = arith.constant 0 : i32
    %dma_wait3A_1285 = arith.constant 0 : i32
    %dma_wait3A_1286 = tpu.memref_slice %arg8[%dma_wait3A_1284, %dma_wait3A_1285] : memref<256x128xf32, #tpu.memory_space<vmem>> -> memref<128x128xf32, #tpu.memory_space<vmem>>
    %dma_wait3A_1287 = arith.constant 0 : i32
    %dma_wait3A_1288 = tpu.memref_slice %arg5[%dma_wait3A_1283, %dma_wait3A_1287] : memref<200x128xi32, #tpu.memory_space<vmem>> -> memref<1x128xi32, #tpu.memory_space<vmem>>
    %dma_wait3A_1289 = tpu.memref_squeeze %dma_wait3A_1288 : memref<1x128xi32, #tpu.memory_space<vmem>> -> memref<128xi32, #tpu.memory_space<vmem>>
    %dma_wait3A_1290 = arith.constant 0 : i32
    %dma_wait3A_1291 = arith.constant 0 : i32
    %dma_wait3A_1292 = tpu.memref_slice %arg3[%dma_wait3A_1290, %dma_wait3A_1291] : memref<100001x128xf32, #tpu.memory_space<hbm>> -> memref<100001x128xf32, #tpu.memory_space<hbm>>
    tpu.wait_indirect_dma semaphore(%arg11 : memref<!tpu.dma_semaphore, #tpu.memory_space<semaphore_mem>>) src(%dma_wait3A_1292 : memref<100001x128xf32, #tpu.memory_space<hbm>>) dst(%dma_wait3A_1286 : memref<128x128xf32, #tpu.memory_space<vmem>>)
    %dma_wait3A_1293 = arith.constant 5 : i32
    %dma_wait3A_1294 = arith.constant 128 : i32
    %dma_wait3A_1295 = arith.constant 0 : i32
    %dma_wait3A_1296 = tpu.memref_slice %arg8[%dma_wait3A_1294, %dma_wait3A_1295] : memref<256x128xf32, #tpu.memory_space<vmem>> -> memref<128x128xf32, #tpu.memory_space<vmem>>
    %dma_wait3A_1297 = arith.constant 0 : i32
    %dma_wait3A_1298 = tpu.memref_slice %arg5[%dma_wait3A_1293, %dma_wait3A_1297] : memref<200x128xi32, #tpu.memory_space<vmem>> -> memref<1x128xi32, #tpu.memory_space<vmem>>
    %dma_wait3A_1299 = tpu.memref_squeeze %dma_wait3A_1298 : memref<1x128xi32, #tpu.memory_space<vmem>> -> memref<128xi32, #tpu.memory_space<vmem>>
    %dma_wait3A_1300 = arith.constant 0 : i32
    %dma_wait3A_1301 = arith.constant 0 : i32
    %dma_wait3A_1302 = tpu.memref_slice %arg3[%dma_wait3A_1300, %dma_wait3A_1301] : memref<100001x128xf32, #tpu.memory_space<hbm>> -> memref<100001x128xf32, #tpu.memory_space<hbm>>
    tpu.wait_indirect_dma semaphore(%arg11 : memref<!tpu.dma_semaphore, #tpu.memory_space<semaphore_mem>>) src(%dma_wait3A_1302 : memref<100001x128xf32, #tpu.memory_space<hbm>>) dst(%dma_wait3A_1296 : memref<128x128xf32, #tpu.memory_space<vmem>>)
    %add3A_1303 = arith.constant 512 : i32
    %add3A_1304 = arith.addi %mul3A_2, %add3A_1303 : i32
    %dma_start3A_1305 = arith.constant 0 : i32
    %dma_start3A_1306 = tpu.memref_slice %arg4[%add3A_1304, %dma_start3A_1305] : memref<819200x128xf32, #tpu.memory_space<hbm>> -> memref<256x128xf32, #tpu.memory_space<hbm>>
    %dma_start3A_1307 = arith.constant 0 : i32
    %dma_start3A_1308 = tpu.memref_slice %arg4[%add3A_1304, %dma_start3A_1307] : memref<819200x128xf32, #tpu.memory_space<hbm>> -> memref<256x128xf32, #tpu.memory_space<hbm>>
    tpu.enqueue_dma source(%arg8 : memref<256x128xf32, #tpu.memory_space<vmem>>) target(%dma_start3A_1308 : memref<256x128xf32, #tpu.memory_space<hbm>>) target_semaphore(%arg14 : memref<!tpu.dma_semaphore, #tpu.memory_space<semaphore_mem>>)
    %scan3A = arith.constant 0 : i32
    %scan3A_1309 = arith.constant 0 : i32
    %scan3A_1310 = arith.constant 31 : i32
    %scan3A_1311 = arith.addi %scan3A_1309, %scan3A_1310 : i32
    %scan3A_1312 = arith.constant 1 : i32
    scf.for %scan3A_1936 = %scan3A_1309 to %scan3A_1311 step %scan3A_1312  : i32 {
      %mul3A_1937 = arith.constant 3 : i32
      %mul3A_1938 = arith.muli %scan3A_1936, %mul3A_1937 : i32
      %add3A_1939 = arith.constant 3 : i32
      %add3A_1940 = arith.addi %add3A_1939, %mul3A_1938 : i32
      %add3A_1941 = arith.constant 0 : i32
      %add3A_1942 = arith.addi %add3A_1940, %add3A_1941 : i32
      %add3A_1943 = arith.constant 2 : i32
      %add3A_1944 = arith.addi %add3A_1942, %add3A_1943 : i32
      %sub3A = arith.constant 3 : i32
      %sub3A_1945 = arith.subi %add3A_1944, %sub3A : i32
      %mul3A_1946 = arith.constant 256 : i32
      %mul3A_1947 = arith.muli %sub3A_1945, %mul3A_1946 : i32
      %add3A_1948 = arith.addi %mul3A_2, %mul3A_1947 : i32
      %dma_wait3A_1949 = arith.constant 0 : i32
      %dma_wait3A_1950 = tpu.memref_slice %arg4[%add3A_1948, %dma_wait3A_1949] : memref<819200x128xf32, #tpu.memory_space<hbm>> -> memref<256x128xf32, #tpu.memory_space<hbm>>
      %dma_wait3A_1951 = arith.constant 0 : i32
      %dma_wait3A_1952 = tpu.memref_slice %arg4[%add3A_1948, %dma_wait3A_1951] : memref<819200x128xf32, #tpu.memory_space<hbm>> -> memref<256x128xf32, #tpu.memory_space<hbm>>
      tpu.wait_dma2 semaphore(%arg14 : memref<!tpu.dma_semaphore, #tpu.memory_space<semaphore_mem>>) src(%arg8 : memref<256x128xf32, #tpu.memory_space<vmem>>) dst(%dma_wait3A_1952 : memref<256x128xf32, #tpu.memory_space<hbm>>)
      %mul3A_1953 = arith.constant 2 : i32
      %mul3A_1954 = arith.muli %add3A_1944, %mul3A_1953 : i32
      %add3A_1955 = arith.constant 0 : i32
      %add3A_1956 = arith.addi %mul3A_1954, %add3A_1955 : i32
      %get3A_1957 = arith.index_cast %add3A_1956 : i32 to index
      %get3A_1958 = arith.constant 0 : index
      %get3A_1959 = tpu.vector_load %arg5[%get3A_1957, %get3A_1958] {strides = array<i32>} : memref<200x128xi32, #tpu.memory_space<vmem>>, vector<1x16xi32>,
      %get3A_1960 = vector.shape_cast %get3A_1959 : vector<1x16xi32> to vector<16xi32>
      %add3A_1961 = arith.constant 1 : i32
      %add3A_1962 = vector.broadcast %add3A_1961 : i32 to vector<16xi32>
      %add3A_1963 = arith.addi %get3A_1960, %add3A_1962 : vector<16xi32>
      %swap3A_1964 = arith.index_cast %add3A_1956 : i32 to index
      %swap3A_1965 = arith.constant 0 : index
      %swap3A_1966 = tpu.vector_load %arg5[%swap3A_1964, %swap3A_1965] {strides = array<i32>} : memref<200x128xi32, #tpu.memory_space<vmem>>, vector<1x16xi32>,
      %swap3A_1967 = vector.shape_cast %swap3A_1966 : vector<1x16xi32> to vector<16xi32>
      %swap3A_1968 = vector.shape_cast %add3A_1963 : vector<16xi32> to vector<1x16xi32>
      tpu.vector_store %arg5[%swap3A_1964, %swap3A_1965], %swap3A_1968 {strides = array<i32>} : memref<200x128xi32, #tpu.memory_space<vmem>>, vector<1x16xi32>,
      %get3A_1969 = arith.index_cast %add3A_1956 : i32 to index
      %get3A_1970 = arith.constant 16 : index
      %get3A_1971 = tpu.vector_load %arg5[%get3A_1969, %get3A_1970] {strides = array<i32>} : memref<200x128xi32, #tpu.memory_space<vmem>>, vector<1x16xi32>,
      %get3A_1972 = vector.shape_cast %get3A_1971 : vector<1x16xi32> to vector<16xi32>
      %add3A_1973 = arith.constant 1 : i32
      %add3A_1974 = vector.broadcast %add3A_1973 : i32 to vector<16xi32>
      %add3A_1975 = arith.addi %get3A_1972, %add3A_1974 : vector<16xi32>
      %swap3A_1976 = arith.index_cast %add3A_1956 : i32 to index
      %swap3A_1977 = arith.constant 16 : index
      %swap3A_1978 = tpu.vector_load %arg5[%swap3A_1976, %swap3A_1977] {strides = array<i32>} : memref<200x128xi32, #tpu.memory_space<vmem>>, vector<1x16xi32>,
      %swap3A_1979 = vector.shape_cast %swap3A_1978 : vector<1x16xi32> to vector<16xi32>
      %swap3A_1980 = vector.shape_cast %add3A_1975 : vector<16xi32> to vector<1x16xi32>
      tpu.vector_store %arg5[%swap3A_1976, %swap3A_1977], %swap3A_1980 {strides = array<i32>} : memref<200x128xi32, #tpu.memory_space<vmem>>, vector<1x16xi32>,
      %get3A_1981 = arith.index_cast %add3A_1956 : i32 to index
      %get3A_1982 = arith.constant 32 : index
      %get3A_1983 = tpu.vector_load %arg5[%get3A_1981, %get3A_1982] {strides = array<i32>} : memref<200x128xi32, #tpu.memory_space<vmem>>, vector<1x16xi32>,
      %get3A_1984 = vector.shape_cast %get3A_1983 : vector<1x16xi32> to vector<16xi32>
      %add3A_1985 = arith.constant 1 : i32
      %add3A_1986 = vector.broadcast %add3A_1985 : i32 to vector<16xi32>
      %add3A_1987 = arith.addi %get3A_1984, %add3A_1986 : vector<16xi32>
      %swap3A_1988 = arith.index_cast %add3A_1956 : i32 to index
      %swap3A_1989 = arith.constant 32 : index
      %swap3A_1990 = tpu.vector_load %arg5[%swap3A_1988, %swap3A_1989] {strides = array<i32>} : memref<200x128xi32, #tpu.memory_space<vmem>>, vector<1x16xi32>,
      %swap3A_1991 = vector.shape_cast %swap3A_1990 : vector<1x16xi32> to vector<16xi32>
      %swap3A_1992 = vector.shape_cast %add3A_1987 : vector<16xi32> to vector<1x16xi32>
      tpu.vector_store %arg5[%swap3A_1988, %swap3A_1989], %swap3A_1992 {strides = array<i32>} : memref<200x128xi32, #tpu.memory_space<vmem>>, vector<1x16xi32>,
      %get3A_1993 = arith.index_cast %add3A_1956 : i32 to index
      %get3A_1994 = arith.constant 48 : index
      %get3A_1995 = tpu.vector_load %arg5[%get3A_1993, %get3A_1994] {strides = array<i32>} : memref<200x128xi32, #tpu.memory_space<vmem>>, vector<1x16xi32>,
      %get3A_1996 = vector.shape_cast %get3A_1995 : vector<1x16xi32> to vector<16xi32>
      %add3A_1997 = arith.constant 1 : i32
      %add3A_1998 = vector.broadcast %add3A_1997 : i32 to vector<16xi32>
      %add3A_1999 = arith.addi %get3A_1996, %add3A_1998 : vector<16xi32>
      %swap3A_2000 = arith.index_cast %add3A_1956 : i32 to index
      %swap3A_2001 = arith.constant 48 : index
      %swap3A_2002 = tpu.vector_load %arg5[%swap3A_2000, %swap3A_2001] {strides = array<i32>} : memref<200x128xi32, #tpu.memory_space<vmem>>, vector<1x16xi32>,
      %swap3A_2003 = vector.shape_cast %swap3A_2002 : vector<1x16xi32> to vector<16xi32>
      %swap3A_2004 = vector.shape_cast %add3A_1999 : vector<16xi32> to vector<1x16xi32>
      tpu.vector_store %arg5[%swap3A_2000, %swap3A_2001], %swap3A_2004 {strides = array<i32>} : memref<200x128xi32, #tpu.memory_space<vmem>>, vector<1x16xi32>,
      %get3A_2005 = arith.index_cast %add3A_1956 : i32 to index
      %get3A_2006 = arith.constant 64 : index
      %get3A_2007 = tpu.vector_load %arg5[%get3A_2005, %get3A_2006] {strides = array<i32>} : memref<200x128xi32, #tpu.memory_space<vmem>>, vector<1x16xi32>,
      %get3A_2008 = vector.shape_cast %get3A_2007 : vector<1x16xi32> to vector<16xi32>
      %add3A_2009 = arith.constant 1 : i32
      %add3A_2010 = vector.broadcast %add3A_2009 : i32 to vector<16xi32>
      %add3A_2011 = arith.addi %get3A_2008, %add3A_2010 : vector<16xi32>
      %swap3A_2012 = arith.index_cast %add3A_1956 : i32 to index
      %swap3A_2013 = arith.constant 64 : index
      %swap3A_2014 = tpu.vector_load %arg5[%swap3A_2012, %swap3A_2013] {strides = array<i32>} : memref<200x128xi32, #tpu.memory_space<vmem>>, vector<1x16xi32>,
      %swap3A_2015 = vector.shape_cast %swap3A_2014 : vector<1x16xi32> to vector<16xi32>
      %swap3A_2016 = vector.shape_cast %add3A_2011 : vector<16xi32> to vector<1x16xi32>
      tpu.vector_store %arg5[%swap3A_2012, %swap3A_2013], %swap3A_2016 {strides = array<i32>} : memref<200x128xi32, #tpu.memory_space<vmem>>, vector<1x16xi32>,
      %get3A_2017 = arith.index_cast %add3A_1956 : i32 to index
      %get3A_2018 = arith.constant 80 : index
      %get3A_2019 = tpu.vector_load %arg5[%get3A_2017, %get3A_2018] {strides = array<i32>} : memref<200x128xi32, #tpu.memory_space<vmem>>, vector<1x16xi32>,
      %get3A_2020 = vector.shape_cast %get3A_2019 : vector<1x16xi32> to vector<16xi32>
      %add3A_2021 = arith.constant 1 : i32
      %add3A_2022 = vector.broadcast %add3A_2021 : i32 to vector<16xi32>
      %add3A_2023 = arith.addi %get3A_2020, %add3A_2022 : vector<16xi32>
      %swap3A_2024 = arith.index_cast %add3A_1956 : i32 to index
      %swap3A_2025 = arith.constant 80 : index
      %swap3A_2026 = tpu.vector_load %arg5[%swap3A_2024, %swap3A_2025] {strides = array<i32>} : memref<200x128xi32, #tpu.memory_space<vmem>>, vector<1x16xi32>,
      %swap3A_2027 = vector.shape_cast %swap3A_2026 : vector<1x16xi32> to vector<16xi32>
      %swap3A_2028 = vector.shape_cast %add3A_2023 : vector<16xi32> to vector<1x16xi32>
      tpu.vector_store %arg5[%swap3A_2024, %swap3A_2025], %swap3A_2028 {strides = array<i32>} : memref<200x128xi32, #tpu.memory_space<vmem>>, vector<1x16xi32>,
      %get3A_2029 = arith.index_cast %add3A_1956 : i32 to index
      %get3A_2030 = arith.constant 96 : index
      %get3A_2031 = tpu.vector_load %arg5[%get3A_2029, %get3A_2030] {strides = array<i32>} : memref<200x128xi32, #tpu.memory_space<vmem>>, vector<1x16xi32>,
      %get3A_2032 = vector.shape_cast %get3A_2031 : vector<1x16xi32> to vector<16xi32>
      %add3A_2033 = arith.constant 1 : i32
      %add3A_2034 = vector.broadcast %add3A_2033 : i32 to vector<16xi32>
      %add3A_2035 = arith.addi %get3A_2032, %add3A_2034 : vector<16xi32>
      %swap3A_2036 = arith.index_cast %add3A_1956 : i32 to index
      %swap3A_2037 = arith.constant 96 : index
      %swap3A_2038 = tpu.vector_load %arg5[%swap3A_2036, %swap3A_2037] {strides = array<i32>} : memref<200x128xi32, #tpu.memory_space<vmem>>, vector<1x16xi32>,
      %swap3A_2039 = vector.shape_cast %swap3A_2038 : vector<1x16xi32> to vector<16xi32>
      %swap3A_2040 = vector.shape_cast %add3A_2035 : vector<16xi32> to vector<1x16xi32>
      tpu.vector_store %arg5[%swap3A_2036, %swap3A_2037], %swap3A_2040 {strides = array<i32>} : memref<200x128xi32, #tpu.memory_space<vmem>>, vector<1x16xi32>,
      %get3A_2041 = arith.index_cast %add3A_1956 : i32 to index
      %get3A_2042 = arith.constant 112 : index
      %get3A_2043 = tpu.vector_load %arg5[%get3A_2041, %get3A_2042] {strides = array<i32>} : memref<200x128xi32, #tpu.memory_space<vmem>>, vector<1x16xi32>,
      %get3A_2044 = vector.shape_cast %get3A_2043 : vector<1x16xi32> to vector<16xi32>
      %add3A_2045 = arith.constant 1 : i32
      %add3A_2046 = vector.broadcast %add3A_2045 : i32 to vector<16xi32>
      %add3A_2047 = arith.addi %get3A_2044, %add3A_2046 : vector<16xi32>
      %swap3A_2048 = arith.index_cast %add3A_1956 : i32 to index
      %swap3A_2049 = arith.constant 112 : index
      %swap3A_2050 = tpu.vector_load %arg5[%swap3A_2048, %swap3A_2049] {strides = array<i32>} : memref<200x128xi32, #tpu.memory_space<vmem>>, vector<1x16xi32>,
      %swap3A_2051 = vector.shape_cast %swap3A_2050 : vector<1x16xi32> to vector<16xi32>
      %swap3A_2052 = vector.shape_cast %add3A_2047 : vector<16xi32> to vector<1x16xi32>
      tpu.vector_store %arg5[%swap3A_2048, %swap3A_2049], %swap3A_2052 {strides = array<i32>} : memref<200x128xi32, #tpu.memory_space<vmem>>, vector<1x16xi32>,
      %dma_start3A_2053 = arith.constant 0 : i32
      %dma_start3A_2054 = arith.constant 0 : i32
      %dma_start3A_2055 = tpu.memref_slice %arg8[%dma_start3A_2053, %dma_start3A_2054] : memref<256x128xf32, #tpu.memory_space<vmem>> -> memref<128x128xf32, #tpu.memory_space<vmem>>
      %dma_start3A_2056 = arith.constant 0 : i32
      %dma_start3A_2057 = tpu.memref_slice %arg5[%add3A_1956, %dma_start3A_2056] : memref<200x128xi32, #tpu.memory_space<vmem>> -> memref<1x128xi32, #tpu.memory_space<vmem>>
      %dma_start3A_2058 = tpu.memref_squeeze %dma_start3A_2057 : memref<1x128xi32, #tpu.memory_space<vmem>> -> memref<128xi32, #tpu.memory_space<vmem>>
      %dma_start3A_2059 = arith.constant 0 : i32
      %dma_start3A_2060 = arith.constant 0 : i32
      %dma_start3A_2061 = tpu.memref_slice %arg3[%dma_start3A_2059, %dma_start3A_2060] : memref<100001x128xf32, #tpu.memory_space<hbm>> -> memref<100001x128xf32, #tpu.memory_space<hbm>>
      tpu.enqueue_indirect_dma source(%dma_start3A_2061 : memref<100001x128xf32, #tpu.memory_space<hbm>>) target(%dma_start3A_2055 : memref<128x128xf32, #tpu.memory_space<vmem>>) offsets(%dma_start3A_2058 : memref<128xi32, #tpu.memory_space<vmem>>) semaphore(%arg11 : memref<!tpu.dma_semaphore, #tpu.memory_space<semaphore_mem>>)
      %mul3A_2062 = arith.constant 2 : i32
      %mul3A_2063 = arith.muli %add3A_1944, %mul3A_2062 : i32
      %add3A_2064 = arith.constant 1 : i32
      %add3A_2065 = arith.addi %mul3A_2063, %add3A_2064 : i32
      %get3A_2066 = arith.index_cast %add3A_2065 : i32 to index
      %get3A_2067 = arith.constant 0 : index
      %get3A_2068 = tpu.vector_load %arg5[%get3A_2066, %get3A_2067] {strides = array<i32>} : memref<200x128xi32, #tpu.memory_space<vmem>>, vector<1x16xi32>,
      %get3A_2069 = vector.shape_cast %get3A_2068 : vector<1x16xi32> to vector<16xi32>
      %add3A_2070 = arith.constant 1 : i32
      %add3A_2071 = vector.broadcast %add3A_2070 : i32 to vector<16xi32>
      %add3A_2072 = arith.addi %get3A_2069, %add3A_2071 : vector<16xi32>
      %swap3A_2073 = arith.index_cast %add3A_2065 : i32 to index
      %swap3A_2074 = arith.constant 0 : index
      %swap3A_2075 = tpu.vector_load %arg5[%swap3A_2073, %swap3A_2074] {strides = array<i32>} : memref<200x128xi32, #tpu.memory_space<vmem>>, vector<1x16xi32>,
      %swap3A_2076 = vector.shape_cast %swap3A_2075 : vector<1x16xi32> to vector<16xi32>
      %swap3A_2077 = vector.shape_cast %add3A_2072 : vector<16xi32> to vector<1x16xi32>
      tpu.vector_store %arg5[%swap3A_2073, %swap3A_2074], %swap3A_2077 {strides = array<i32>} : memref<200x128xi32, #tpu.memory_space<vmem>>, vector<1x16xi32>,
      %get3A_2078 = arith.index_cast %add3A_2065 : i32 to index
      %get3A_2079 = arith.constant 16 : index
      %get3A_2080 = tpu.vector_load %arg5[%get3A_2078, %get3A_2079] {strides = array<i32>} : memref<200x128xi32, #tpu.memory_space<vmem>>, vector<1x16xi32>,
      %get3A_2081 = vector.shape_cast %get3A_2080 : vector<1x16xi32> to vector<16xi32>
      %add3A_2082 = arith.constant 1 : i32
      %add3A_2083 = vector.broadcast %add3A_2082 : i32 to vector<16xi32>
      %add3A_2084 = arith.addi %get3A_2081, %add3A_2083 : vector<16xi32>
      %swap3A_2085 = arith.index_cast %add3A_2065 : i32 to index
      %swap3A_2086 = arith.constant 16 : index
      %swap3A_2087 = tpu.vector_load %arg5[%swap3A_2085, %swap3A_2086] {strides = array<i32>} : memref<200x128xi32, #tpu.memory_space<vmem>>, vector<1x16xi32>,
      %swap3A_2088 = vector.shape_cast %swap3A_2087 : vector<1x16xi32> to vector<16xi32>
      %swap3A_2089 = vector.shape_cast %add3A_2084 : vector<16xi32> to vector<1x16xi32>
      tpu.vector_store %arg5[%swap3A_2085, %swap3A_2086], %swap3A_2089 {strides = array<i32>} : memref<200x128xi32, #tpu.memory_space<vmem>>, vector<1x16xi32>,
      %get3A_2090 = arith.index_cast %add3A_2065 : i32 to index
      %get3A_2091 = arith.constant 32 : index
      %get3A_2092 = tpu.vector_load %arg5[%get3A_2090, %get3A_2091] {strides = array<i32>} : memref<200x128xi32, #tpu.memory_space<vmem>>, vector<1x16xi32>,
      %get3A_2093 = vector.shape_cast %get3A_2092 : vector<1x16xi32> to vector<16xi32>
      %add3A_2094 = arith.constant 1 : i32
      %add3A_2095 = vector.broadcast %add3A_2094 : i32 to vector<16xi32>
      %add3A_2096 = arith.addi %get3A_2093, %add3A_2095 : vector<16xi32>
      %swap3A_2097 = arith.index_cast %add3A_2065 : i32 to index
      %swap3A_2098 = arith.constant 32 : index
      %swap3A_2099 = tpu.vector_load %arg5[%swap3A_2097, %swap3A_2098] {strides = array<i32>} : memref<200x128xi32, #tpu.memory_space<vmem>>, vector<1x16xi32>,
      %swap3A_2100 = vector.shape_cast %swap3A_2099 : vector<1x16xi32> to vector<16xi32>
      %swap3A_2101 = vector.shape_cast %add3A_2096 : vector<16xi32> to vector<1x16xi32>
      tpu.vector_store %arg5[%swap3A_2097, %swap3A_2098], %swap3A_2101 {strides = array<i32>} : memref<200x128xi32, #tpu.memory_space<vmem>>, vector<1x16xi32>,
      %get3A_2102 = arith.index_cast %add3A_2065 : i32 to index
      %get3A_2103 = arith.constant 48 : index
      %get3A_2104 = tpu.vector_load %arg5[%get3A_2102, %get3A_2103] {strides = array<i32>} : memref<200x128xi32, #tpu.memory_space<vmem>>, vector<1x16xi32>,
      %get3A_2105 = vector.shape_cast %get3A_2104 : vector<1x16xi32> to vector<16xi32>
      %add3A_2106 = arith.constant 1 : i32
      %add3A_2107 = vector.broadcast %add3A_2106 : i32 to vector<16xi32>
      %add3A_2108 = arith.addi %get3A_2105, %add3A_2107 : vector<16xi32>
      %swap3A_2109 = arith.index_cast %add3A_2065 : i32 to index
      %swap3A_2110 = arith.constant 48 : index
      %swap3A_2111 = tpu.vector_load %arg5[%swap3A_2109, %swap3A_2110] {strides = array<i32>} : memref<200x128xi32, #tpu.memory_space<vmem>>, vector<1x16xi32>,
      %swap3A_2112 = vector.shape_cast %swap3A_2111 : vector<1x16xi32> to vector<16xi32>
      %swap3A_2113 = vector.shape_cast %add3A_2108 : vector<16xi32> to vector<1x16xi32>
      tpu.vector_store %arg5[%swap3A_2109, %swap3A_2110], %swap3A_2113 {strides = array<i32>} : memref<200x128xi32, #tpu.memory_space<vmem>>, vector<1x16xi32>,
      %get3A_2114 = arith.index_cast %add3A_2065 : i32 to index
      %get3A_2115 = arith.constant 64 : index
      %get3A_2116 = tpu.vector_load %arg5[%get3A_2114, %get3A_2115] {strides = array<i32>} : memref<200x128xi32, #tpu.memory_space<vmem>>, vector<1x16xi32>,
      %get3A_2117 = vector.shape_cast %get3A_2116 : vector<1x16xi32> to vector<16xi32>
      %add3A_2118 = arith.constant 1 : i32
      %add3A_2119 = vector.broadcast %add3A_2118 : i32 to vector<16xi32>
      %add3A_2120 = arith.addi %get3A_2117, %add3A_2119 : vector<16xi32>
      %swap3A_2121 = arith.index_cast %add3A_2065 : i32 to index
      %swap3A_2122 = arith.constant 64 : index
      %swap3A_2123 = tpu.vector_load %arg5[%swap3A_2121, %swap3A_2122] {strides = array<i32>} : memref<200x128xi32, #tpu.memory_space<vmem>>, vector<1x16xi32>,
      %swap3A_2124 = vector.shape_cast %swap3A_2123 : vector<1x16xi32> to vector<16xi32>
      %swap3A_2125 = vector.shape_cast %add3A_2120 : vector<16xi32> to vector<1x16xi32>
      tpu.vector_store %arg5[%swap3A_2121, %swap3A_2122], %swap3A_2125 {strides = array<i32>} : memref<200x128xi32, #tpu.memory_space<vmem>>, vector<1x16xi32>,
      %get3A_2126 = arith.index_cast %add3A_2065 : i32 to index
      %get3A_2127 = arith.constant 80 : index
      %get3A_2128 = tpu.vector_load %arg5[%get3A_2126, %get3A_2127] {strides = array<i32>} : memref<200x128xi32, #tpu.memory_space<vmem>>, vector<1x16xi32>,
      %get3A_2129 = vector.shape_cast %get3A_2128 : vector<1x16xi32> to vector<16xi32>
      %add3A_2130 = arith.constant 1 : i32
      %add3A_2131 = vector.broadcast %add3A_2130 : i32 to vector<16xi32>
      %add3A_2132 = arith.addi %get3A_2129, %add3A_2131 : vector<16xi32>
      %swap3A_2133 = arith.index_cast %add3A_2065 : i32 to index
      %swap3A_2134 = arith.constant 80 : index
      %swap3A_2135 = tpu.vector_load %arg5[%swap3A_2133, %swap3A_2134] {strides = array<i32>} : memref<200x128xi32, #tpu.memory_space<vmem>>, vector<1x16xi32>,
      %swap3A_2136 = vector.shape_cast %swap3A_2135 : vector<1x16xi32> to vector<16xi32>
      %swap3A_2137 = vector.shape_cast %add3A_2132 : vector<16xi32> to vector<1x16xi32>
      tpu.vector_store %arg5[%swap3A_2133, %swap3A_2134], %swap3A_2137 {strides = array<i32>} : memref<200x128xi32, #tpu.memory_space<vmem>>, vector<1x16xi32>,
      %get3A_2138 = arith.index_cast %add3A_2065 : i32 to index
      %get3A_2139 = arith.constant 96 : index
      %get3A_2140 = tpu.vector_load %arg5[%get3A_2138, %get3A_2139] {strides = array<i32>} : memref<200x128xi32, #tpu.memory_space<vmem>>, vector<1x16xi32>,
      %get3A_2141 = vector.shape_cast %get3A_2140 : vector<1x16xi32> to vector<16xi32>
      %add3A_2142 = arith.constant 1 : i32
      %add3A_2143 = vector.broadcast %add3A_2142 : i32 to vector<16xi32>
      %add3A_2144 = arith.addi %get3A_2141, %add3A_2143 : vector<16xi32>
      %swap3A_2145 = arith.index_cast %add3A_2065 : i32 to index
      %swap3A_2146 = arith.constant 96 : index
      %swap3A_2147 = tpu.vector_load %arg5[%swap3A_2145, %swap3A_2146] {strides = array<i32>} : memref<200x128xi32, #tpu.memory_space<vmem>>, vector<1x16xi32>,
      %swap3A_2148 = vector.shape_cast %swap3A_2147 : vector<1x16xi32> to vector<16xi32>
      %swap3A_2149 = vector.shape_cast %add3A_2144 : vector<16xi32> to vector<1x16xi32>
      tpu.vector_store %arg5[%swap3A_2145, %swap3A_2146], %swap3A_2149 {strides = array<i32>} : memref<200x128xi32, #tpu.memory_space<vmem>>, vector<1x16xi32>,
      %get3A_2150 = arith.index_cast %add3A_2065 : i32 to index
      %get3A_2151 = arith.constant 112 : index
      %get3A_2152 = tpu.vector_load %arg5[%get3A_2150, %get3A_2151] {strides = array<i32>} : memref<200x128xi32, #tpu.memory_space<vmem>>, vector<1x16xi32>,
      %get3A_2153 = vector.shape_cast %get3A_2152 : vector<1x16xi32> to vector<16xi32>
      %add3A_2154 = arith.constant 1 : i32
      %add3A_2155 = vector.broadcast %add3A_2154 : i32 to vector<16xi32>
      %add3A_2156 = arith.addi %get3A_2153, %add3A_2155 : vector<16xi32>
      %swap3A_2157 = arith.index_cast %add3A_2065 : i32 to index
      %swap3A_2158 = arith.constant 112 : index
      %swap3A_2159 = tpu.vector_load %arg5[%swap3A_2157, %swap3A_2158] {strides = array<i32>} : memref<200x128xi32, #tpu.memory_space<vmem>>, vector<1x16xi32>,
      %swap3A_2160 = vector.shape_cast %swap3A_2159 : vector<1x16xi32> to vector<16xi32>
      %swap3A_2161 = vector.shape_cast %add3A_2156 : vector<16xi32> to vector<1x16xi32>
      tpu.vector_store %arg5[%swap3A_2157, %swap3A_2158], %swap3A_2161 {strides = array<i32>} : memref<200x128xi32, #tpu.memory_space<vmem>>, vector<1x16xi32>,
      %dma_start3A_2162 = arith.constant 128 : i32
      %dma_start3A_2163 = arith.constant 0 : i32
      %dma_start3A_2164 = tpu.memref_slice %arg8[%dma_start3A_2162, %dma_start3A_2163] : memref<256x128xf32, #tpu.memory_space<vmem>> -> memref<128x128xf32, #tpu.memory_space<vmem>>
      %dma_start3A_2165 = arith.constant 0 : i32
      %dma_start3A_2166 = tpu.memref_slice %arg5[%add3A_2065, %dma_start3A_2165] : memref<200x128xi32, #tpu.memory_space<vmem>> -> memref<1x128xi32, #tpu.memory_space<vmem>>
      %dma_start3A_2167 = tpu.memref_squeeze %dma_start3A_2166 : memref<1x128xi32, #tpu.memory_space<vmem>> -> memref<128xi32, #tpu.memory_space<vmem>>
      %dma_start3A_2168 = arith.constant 0 : i32
      %dma_start3A_2169 = arith.constant 0 : i32
      %dma_start3A_2170 = tpu.memref_slice %arg3[%dma_start3A_2168, %dma_start3A_2169] : memref<100001x128xf32, #tpu.memory_space<hbm>> -> memref<100001x128xf32, #tpu.memory_space<hbm>>
      tpu.enqueue_indirect_dma source(%dma_start3A_2170 : memref<100001x128xf32, #tpu.memory_space<hbm>>) target(%dma_start3A_2164 : memref<128x128xf32, #tpu.memory_space<vmem>>) offsets(%dma_start3A_2167 : memref<128xi32, #tpu.memory_space<vmem>>) semaphore(%arg11 : memref<!tpu.dma_semaphore, #tpu.memory_space<semaphore_mem>>)
      %mul3A_2171 = arith.constant 2 : i32
      %mul3A_2172 = arith.muli %add3A_1942, %mul3A_2171 : i32
      %add3A_2173 = arith.constant 0 : i32
      %add3A_2174 = arith.addi %mul3A_2172, %add3A_2173 : i32
      %dma_wait3A_2175 = arith.constant 0 : i32
      %dma_wait3A_2176 = arith.constant 0 : i32
      %dma_wait3A_2177 = tpu.memref_slice %arg6[%dma_wait3A_2175, %dma_wait3A_2176] : memref<256x128xf32, #tpu.memory_space<vmem>> -> memref<128x128xf32, #tpu.memory_space<vmem>>
      %dma_wait3A_2178 = arith.constant 0 : i32
      %dma_wait3A_2179 = tpu.memref_slice %arg5[%add3A_2174, %dma_wait3A_2178] : memref<200x128xi32, #tpu.memory_space<vmem>> -> memref<1x128xi32, #tpu.memory_space<vmem>>
      %dma_wait3A_2180 = tpu.memref_squeeze %dma_wait3A_2179 : memref<1x128xi32, #tpu.memory_space<vmem>> -> memref<128xi32, #tpu.memory_space<vmem>>
      %dma_wait3A_2181 = arith.constant 0 : i32
      %dma_wait3A_2182 = arith.constant 0 : i32
      %dma_wait3A_2183 = tpu.memref_slice %arg3[%dma_wait3A_2181, %dma_wait3A_2182] : memref<100001x128xf32, #tpu.memory_space<hbm>> -> memref<100001x128xf32, #tpu.memory_space<hbm>>
      tpu.wait_indirect_dma semaphore(%arg9 : memref<!tpu.dma_semaphore, #tpu.memory_space<semaphore_mem>>) src(%dma_wait3A_2183 : memref<100001x128xf32, #tpu.memory_space<hbm>>) dst(%dma_wait3A_2177 : memref<128x128xf32, #tpu.memory_space<vmem>>)
      %mul3A_2184 = arith.constant 2 : i32
      %mul3A_2185 = arith.muli %add3A_1942, %mul3A_2184 : i32
      %add3A_2186 = arith.constant 1 : i32
      %add3A_2187 = arith.addi %mul3A_2185, %add3A_2186 : i32
      %dma_wait3A_2188 = arith.constant 128 : i32
      %dma_wait3A_2189 = arith.constant 0 : i32
      %dma_wait3A_2190 = tpu.memref_slice %arg6[%dma_wait3A_2188, %dma_wait3A_2189] : memref<256x128xf32, #tpu.memory_space<vmem>> -> memref<128x128xf32, #tpu.memory_space<vmem>>
      %dma_wait3A_2191 = arith.constant 0 : i32
      %dma_wait3A_2192 = tpu.memref_slice %arg5[%add3A_2187, %dma_wait3A_2191] : memref<200x128xi32, #tpu.memory_space<vmem>> -> memref<1x128xi32, #tpu.memory_space<vmem>>
      %dma_wait3A_2193 = tpu.memref_squeeze %dma_wait3A_2192 : memref<1x128xi32, #tpu.memory_space<vmem>> -> memref<128xi32, #tpu.memory_space<vmem>>
      %dma_wait3A_2194 = arith.constant 0 : i32
      %dma_wait3A_2195 = arith.constant 0 : i32
      %dma_wait3A_2196 = tpu.memref_slice %arg3[%dma_wait3A_2194, %dma_wait3A_2195] : memref<100001x128xf32, #tpu.memory_space<hbm>> -> memref<100001x128xf32, #tpu.memory_space<hbm>>
      tpu.wait_indirect_dma semaphore(%arg9 : memref<!tpu.dma_semaphore, #tpu.memory_space<semaphore_mem>>) src(%dma_wait3A_2196 : memref<100001x128xf32, #tpu.memory_space<hbm>>) dst(%dma_wait3A_2190 : memref<128x128xf32, #tpu.memory_space<vmem>>)
      %mul3A_2197 = arith.constant 256 : i32
      %mul3A_2198 = arith.muli %add3A_1942, %mul3A_2197 : i32
      %add3A_2199 = arith.addi %mul3A_2, %mul3A_2198 : i32
      %dma_start3A_2200 = arith.constant 0 : i32
      %dma_start3A_2201 = tpu.memref_slice %arg4[%add3A_2199, %dma_start3A_2200] : memref<819200x128xf32, #tpu.memory_space<hbm>> -> memref<256x128xf32, #tpu.memory_space<hbm>>
      %dma_start3A_2202 = arith.constant 0 : i32
      %dma_start3A_2203 = tpu.memref_slice %arg4[%add3A_2199, %dma_start3A_2202] : memref<819200x128xf32, #tpu.memory_space<hbm>> -> memref<256x128xf32, #tpu.memory_space<hbm>>
      tpu.enqueue_dma source(%arg6 : memref<256x128xf32, #tpu.memory_space<vmem>>) target(%dma_start3A_2203 : memref<256x128xf32, #tpu.memory_space<hbm>>) target_semaphore(%arg12 : memref<!tpu.dma_semaphore, #tpu.memory_space<semaphore_mem>>)
      %add3A_2204 = arith.constant 1 : i32
      %add3A_2205 = arith.addi %add3A_1940, %add3A_2204 : i32
      %add3A_2206 = arith.constant 2 : i32
      %add3A_2207 = arith.addi %add3A_2205, %add3A_2206 : i32
      %sub3A_2208 = arith.constant 3 : i32
      %sub3A_2209 = arith.subi %add3A_2207, %sub3A_2208 : i32
      %mul3A_2210 = arith.constant 256 : i32
      %mul3A_2211 = arith.muli %sub3A_2209, %mul3A_2210 : i32
      %add3A_2212 = arith.addi %mul3A_2, %mul3A_2211 : i32
      %dma_wait3A_2213 = arith.constant 0 : i32
      %dma_wait3A_2214 = tpu.memref_slice %arg4[%add3A_2212, %dma_wait3A_2213] : memref<819200x128xf32, #tpu.memory_space<hbm>> -> memref<256x128xf32, #tpu.memory_space<hbm>>
      %dma_wait3A_2215 = arith.constant 0 : i32
      %dma_wait3A_2216 = tpu.memref_slice %arg4[%add3A_2212, %dma_wait3A_2215] : memref<819200x128xf32, #tpu.memory_space<hbm>> -> memref<256x128xf32, #tpu.memory_space<hbm>>
      tpu.wait_dma2 semaphore(%arg12 : memref<!tpu.dma_semaphore, #tpu.memory_space<semaphore_mem>>) src(%arg6 : memref<256x128xf32, #tpu.memory_space<vmem>>) dst(%dma_wait3A_2216 : memref<256x128xf32, #tpu.memory_space<hbm>>)
      %mul3A_2217 = arith.constant 2 : i32
      %mul3A_2218 = arith.muli %add3A_2207, %mul3A_2217 : i32
      %add3A_2219 = arith.constant 0 : i32
      %add3A_2220 = arith.addi %mul3A_2218, %add3A_2219 : i32
      %get3A_2221 = arith.index_cast %add3A_2220 : i32 to index
      %get3A_2222 = arith.constant 0 : index
      %get3A_2223 = tpu.vector_load %arg5[%get3A_2221, %get3A_2222] {strides = array<i32>} : memref<200x128xi32, #tpu.memory_space<vmem>>, vector<1x16xi32>,
      %get3A_2224 = vector.shape_cast %get3A_2223 : vector<1x16xi32> to vector<16xi32>
      %add3A_2225 = arith.constant 1 : i32
      %add3A_2226 = vector.broadcast %add3A_2225 : i32 to vector<16xi32>
      %add3A_2227 = arith.addi %get3A_2224, %add3A_2226 : vector<16xi32>
      %swap3A_2228 = arith.index_cast %add3A_2220 : i32 to index
      %swap3A_2229 = arith.constant 0 : index
      %swap3A_2230 = tpu.vector_load %arg5[%swap3A_2228, %swap3A_2229] {strides = array<i32>} : memref<200x128xi32, #tpu.memory_space<vmem>>, vector<1x16xi32>,
      %swap3A_2231 = vector.shape_cast %swap3A_2230 : vector<1x16xi32> to vector<16xi32>
      %swap3A_2232 = vector.shape_cast %add3A_2227 : vector<16xi32> to vector<1x16xi32>
      tpu.vector_store %arg5[%swap3A_2228, %swap3A_2229], %swap3A_2232 {strides = array<i32>} : memref<200x128xi32, #tpu.memory_space<vmem>>, vector<1x16xi32>,
      %get3A_2233 = arith.index_cast %add3A_2220 : i32 to index
      %get3A_2234 = arith.constant 16 : index
      %get3A_2235 = tpu.vector_load %arg5[%get3A_2233, %get3A_2234] {strides = array<i32>} : memref<200x128xi32, #tpu.memory_space<vmem>>, vector<1x16xi32>,
      %get3A_2236 = vector.shape_cast %get3A_2235 : vector<1x16xi32> to vector<16xi32>
      %add3A_2237 = arith.constant 1 : i32
      %add3A_2238 = vector.broadcast %add3A_2237 : i32 to vector<16xi32>
      %add3A_2239 = arith.addi %get3A_2236, %add3A_2238 : vector<16xi32>
      %swap3A_2240 = arith.index_cast %add3A_2220 : i32 to index
      %swap3A_2241 = arith.constant 16 : index
      %swap3A_2242 = tpu.vector_load %arg5[%swap3A_2240, %swap3A_2241] {strides = array<i32>} : memref<200x128xi32, #tpu.memory_space<vmem>>, vector<1x16xi32>,
      %swap3A_2243 = vector.shape_cast %swap3A_2242 : vector<1x16xi32> to vector<16xi32>
      %swap3A_2244 = vector.shape_cast %add3A_2239 : vector<16xi32> to vector<1x16xi32>
      tpu.vector_store %arg5[%swap3A_2240, %swap3A_2241], %swap3A_2244 {strides = array<i32>} : memref<200x128xi32, #tpu.memory_space<vmem>>, vector<1x16xi32>,
      %get3A_2245 = arith.index_cast %add3A_2220 : i32 to index
      %get3A_2246 = arith.constant 32 : index
      %get3A_2247 = tpu.vector_load %arg5[%get3A_2245, %get3A_2246] {strides = array<i32>} : memref<200x128xi32, #tpu.memory_space<vmem>>, vector<1x16xi32>,
      %get3A_2248 = vector.shape_cast %get3A_2247 : vector<1x16xi32> to vector<16xi32>
      %add3A_2249 = arith.constant 1 : i32
      %add3A_2250 = vector.broadcast %add3A_2249 : i32 to vector<16xi32>
      %add3A_2251 = arith.addi %get3A_2248, %add3A_2250 : vector<16xi32>
      %swap3A_2252 = arith.index_cast %add3A_2220 : i32 to index
      %swap3A_2253 = arith.constant 32 : index
      %swap3A_2254 = tpu.vector_load %arg5[%swap3A_2252, %swap3A_2253] {strides = array<i32>} : memref<200x128xi32, #tpu.memory_space<vmem>>, vector<1x16xi32>,
      %swap3A_2255 = vector.shape_cast %swap3A_2254 : vector<1x16xi32> to vector<16xi32>
      %swap3A_2256 = vector.shape_cast %add3A_2251 : vector<16xi32> to vector<1x16xi32>
      tpu.vector_store %arg5[%swap3A_2252, %swap3A_2253], %swap3A_2256 {strides = array<i32>} : memref<200x128xi32, #tpu.memory_space<vmem>>, vector<1x16xi32>,
      %get3A_2257 = arith.index_cast %add3A_2220 : i32 to index
      %get3A_2258 = arith.constant 48 : index
      %get3A_2259 = tpu.vector_load %arg5[%get3A_2257, %get3A_2258] {strides = array<i32>} : memref<200x128xi32, #tpu.memory_space<vmem>>, vector<1x16xi32>,
      %get3A_2260 = vector.shape_cast %get3A_2259 : vector<1x16xi32> to vector<16xi32>
      %add3A_2261 = arith.constant 1 : i32
      %add3A_2262 = vector.broadcast %add3A_2261 : i32 to vector<16xi32>
      %add3A_2263 = arith.addi %get3A_2260, %add3A_2262 : vector<16xi32>
      %swap3A_2264 = arith.index_cast %add3A_2220 : i32 to index
      %swap3A_2265 = arith.constant 48 : index
      %swap3A_2266 = tpu.vector_load %arg5[%swap3A_2264, %swap3A_2265] {strides = array<i32>} : memref<200x128xi32, #tpu.memory_space<vmem>>, vector<1x16xi32>,
      %swap3A_2267 = vector.shape_cast %swap3A_2266 : vector<1x16xi32> to vector<16xi32>
      %swap3A_2268 = vector.shape_cast %add3A_2263 : vector<16xi32> to vector<1x16xi32>
      tpu.vector_store %arg5[%swap3A_2264, %swap3A_2265], %swap3A_2268 {strides = array<i32>} : memref<200x128xi32, #tpu.memory_space<vmem>>, vector<1x16xi32>,
      %get3A_2269 = arith.index_cast %add3A_2220 : i32 to index
      %get3A_2270 = arith.constant 64 : index
      %get3A_2271 = tpu.vector_load %arg5[%get3A_2269, %get3A_2270] {strides = array<i32>} : memref<200x128xi32, #tpu.memory_space<vmem>>, vector<1x16xi32>,
      %get3A_2272 = vector.shape_cast %get3A_2271 : vector<1x16xi32> to vector<16xi32>
      %add3A_2273 = arith.constant 1 : i32
      %add3A_2274 = vector.broadcast %add3A_2273 : i32 to vector<16xi32>
      %add3A_2275 = arith.addi %get3A_2272, %add3A_2274 : vector<16xi32>
      %swap3A_2276 = arith.index_cast %add3A_2220 : i32 to index
      %swap3A_2277 = arith.constant 64 : index
      %swap3A_2278 = tpu.vector_load %arg5[%swap3A_2276, %swap3A_2277] {strides = array<i32>} : memref<200x128xi32, #tpu.memory_space<vmem>>, vector<1x16xi32>,
      %swap3A_2279 = vector.shape_cast %swap3A_2278 : vector<1x16xi32> to vector<16xi32>
      %swap3A_2280 = vector.shape_cast %add3A_2275 : vector<16xi32> to vector<1x16xi32>
      tpu.vector_store %arg5[%swap3A_2276, %swap3A_2277], %swap3A_2280 {strides = array<i32>} : memref<200x128xi32, #tpu.memory_space<vmem>>, vector<1x16xi32>,
      %get3A_2281 = arith.index_cast %add3A_2220 : i32 to index
      %get3A_2282 = arith.constant 80 : index
      %get3A_2283 = tpu.vector_load %arg5[%get3A_2281, %get3A_2282] {strides = array<i32>} : memref<200x128xi32, #tpu.memory_space<vmem>>, vector<1x16xi32>,
      %get3A_2284 = vector.shape_cast %get3A_2283 : vector<1x16xi32> to vector<16xi32>
      %add3A_2285 = arith.constant 1 : i32
      %add3A_2286 = vector.broadcast %add3A_2285 : i32 to vector<16xi32>
      %add3A_2287 = arith.addi %get3A_2284, %add3A_2286 : vector<16xi32>
      %swap3A_2288 = arith.index_cast %add3A_2220 : i32 to index
      %swap3A_2289 = arith.constant 80 : index
      %swap3A_2290 = tpu.vector_load %arg5[%swap3A_2288, %swap3A_2289] {strides = array<i32>} : memref<200x128xi32, #tpu.memory_space<vmem>>, vector<1x16xi32>,
      %swap3A_2291 = vector.shape_cast %swap3A_2290 : vector<1x16xi32> to vector<16xi32>
      %swap3A_2292 = vector.shape_cast %add3A_2287 : vector<16xi32> to vector<1x16xi32>
      tpu.vector_store %arg5[%swap3A_2288, %swap3A_2289], %swap3A_2292 {strides = array<i32>} : memref<200x128xi32, #tpu.memory_space<vmem>>, vector<1x16xi32>,
      %get3A_2293 = arith.index_cast %add3A_2220 : i32 to index
      %get3A_2294 = arith.constant 96 : index
      %get3A_2295 = tpu.vector_load %arg5[%get3A_2293, %get3A_2294] {strides = array<i32>} : memref<200x128xi32, #tpu.memory_space<vmem>>, vector<1x16xi32>,
      %get3A_2296 = vector.shape_cast %get3A_2295 : vector<1x16xi32> to vector<16xi32>
      %add3A_2297 = arith.constant 1 : i32
      %add3A_2298 = vector.broadcast %add3A_2297 : i32 to vector<16xi32>
      %add3A_2299 = arith.addi %get3A_2296, %add3A_2298 : vector<16xi32>
      %swap3A_2300 = arith.index_cast %add3A_2220 : i32 to index
      %swap3A_2301 = arith.constant 96 : index
      %swap3A_2302 = tpu.vector_load %arg5[%swap3A_2300, %swap3A_2301] {strides = array<i32>} : memref<200x128xi32, #tpu.memory_space<vmem>>, vector<1x16xi32>,
      %swap3A_2303 = vector.shape_cast %swap3A_2302 : vector<1x16xi32> to vector<16xi32>
      %swap3A_2304 = vector.shape_cast %add3A_2299 : vector<16xi32> to vector<1x16xi32>
      tpu.vector_store %arg5[%swap3A_2300, %swap3A_2301], %swap3A_2304 {strides = array<i32>} : memref<200x128xi32, #tpu.memory_space<vmem>>, vector<1x16xi32>,
      %get3A_2305 = arith.index_cast %add3A_2220 : i32 to index
      %get3A_2306 = arith.constant 112 : index
      %get3A_2307 = tpu.vector_load %arg5[%get3A_2305, %get3A_2306] {strides = array<i32>} : memref<200x128xi32, #tpu.memory_space<vmem>>, vector<1x16xi32>,
      %get3A_2308 = vector.shape_cast %get3A_2307 : vector<1x16xi32> to vector<16xi32>
      %add3A_2309 = arith.constant 1 : i32
      %add3A_2310 = vector.broadcast %add3A_2309 : i32 to vector<16xi32>
      %add3A_2311 = arith.addi %get3A_2308, %add3A_2310 : vector<16xi32>
      %swap3A_2312 = arith.index_cast %add3A_2220 : i32 to index
      %swap3A_2313 = arith.constant 112 : index
      %swap3A_2314 = tpu.vector_load %arg5[%swap3A_2312, %swap3A_2313] {strides = array<i32>} : memref<200x128xi32, #tpu.memory_space<vmem>>, vector<1x16xi32>,
      %swap3A_2315 = vector.shape_cast %swap3A_2314 : vector<1x16xi32> to vector<16xi32>
      %swap3A_2316 = vector.shape_cast %add3A_2311 : vector<16xi32> to vector<1x16xi32>
      tpu.vector_store %arg5[%swap3A_2312, %swap3A_2313], %swap3A_2316 {strides = array<i32>} : memref<200x128xi32, #tpu.memory_space<vmem>>, vector<1x16xi32>,
      %dma_start3A_2317 = arith.constant 0 : i32
      %dma_start3A_2318 = arith.constant 0 : i32
      %dma_start3A_2319 = tpu.memref_slice %arg6[%dma_start3A_2317, %dma_start3A_2318] : memref<256x128xf32, #tpu.memory_space<vmem>> -> memref<128x128xf32, #tpu.memory_space<vmem>>
      %dma_start3A_2320 = arith.constant 0 : i32
      %dma_start3A_2321 = tpu.memref_slice %arg5[%add3A_2220, %dma_start3A_2320] : memref<200x128xi32, #tpu.memory_space<vmem>> -> memref<1x128xi32, #tpu.memory_space<vmem>>
      %dma_start3A_2322 = tpu.memref_squeeze %dma_start3A_2321 : memref<1x128xi32, #tpu.memory_space<vmem>> -> memref<128xi32, #tpu.memory_space<vmem>>
      %dma_start3A_2323 = arith.constant 0 : i32
      %dma_start3A_2324 = arith.constant 0 : i32
      %dma_start3A_2325 = tpu.memref_slice %arg3[%dma_start3A_2323, %dma_start3A_2324] : memref<100001x128xf32, #tpu.memory_space<hbm>> -> memref<100001x128xf32, #tpu.memory_space<hbm>>
      tpu.enqueue_indirect_dma source(%dma_start3A_2325 : memref<100001x128xf32, #tpu.memory_space<hbm>>) target(%dma_start3A_2319 : memref<128x128xf32, #tpu.memory_space<vmem>>) offsets(%dma_start3A_2322 : memref<128xi32, #tpu.memory_space<vmem>>) semaphore(%arg9 : memref<!tpu.dma_semaphore, #tpu.memory_space<semaphore_mem>>)
      %mul3A_2326 = arith.constant 2 : i32
      %mul3A_2327 = arith.muli %add3A_2207, %mul3A_2326 : i32
      %add3A_2328 = arith.constant 1 : i32
      %add3A_2329 = arith.addi %mul3A_2327, %add3A_2328 : i32
      %get3A_2330 = arith.index_cast %add3A_2329 : i32 to index
      %get3A_2331 = arith.constant 0 : index
      %get3A_2332 = tpu.vector_load %arg5[%get3A_2330, %get3A_2331] {strides = array<i32>} : memref<200x128xi32, #tpu.memory_space<vmem>>, vector<1x16xi32>,
      %get3A_2333 = vector.shape_cast %get3A_2332 : vector<1x16xi32> to vector<16xi32>
      %add3A_2334 = arith.constant 1 : i32
      %add3A_2335 = vector.broadcast %add3A_2334 : i32 to vector<16xi32>
      %add3A_2336 = arith.addi %get3A_2333, %add3A_2335 : vector<16xi32>
      %swap3A_2337 = arith.index_cast %add3A_2329 : i32 to index
      %swap3A_2338 = arith.constant 0 : index
      %swap3A_2339 = tpu.vector_load %arg5[%swap3A_2337, %swap3A_2338] {strides = array<i32>} : memref<200x128xi32, #tpu.memory_space<vmem>>, vector<1x16xi32>,
      %swap3A_2340 = vector.shape_cast %swap3A_2339 : vector<1x16xi32> to vector<16xi32>
      %swap3A_2341 = vector.shape_cast %add3A_2336 : vector<16xi32> to vector<1x16xi32>
      tpu.vector_store %arg5[%swap3A_2337, %swap3A_2338], %swap3A_2341 {strides = array<i32>} : memref<200x128xi32, #tpu.memory_space<vmem>>, vector<1x16xi32>,
      %get3A_2342 = arith.index_cast %add3A_2329 : i32 to index
      %get3A_2343 = arith.constant 16 : index
      %get3A_2344 = tpu.vector_load %arg5[%get3A_2342, %get3A_2343] {strides = array<i32>} : memref<200x128xi32, #tpu.memory_space<vmem>>, vector<1x16xi32>,
      %get3A_2345 = vector.shape_cast %get3A_2344 : vector<1x16xi32> to vector<16xi32>
      %add3A_2346 = arith.constant 1 : i32
      %add3A_2347 = vector.broadcast %add3A_2346 : i32 to vector<16xi32>
      %add3A_2348 = arith.addi %get3A_2345, %add3A_2347 : vector<16xi32>
      %swap3A_2349 = arith.index_cast %add3A_2329 : i32 to index
      %swap3A_2350 = arith.constant 16 : index
      %swap3A_2351 = tpu.vector_load %arg5[%swap3A_2349, %swap3A_2350] {strides = array<i32>} : memref<200x128xi32, #tpu.memory_space<vmem>>, vector<1x16xi32>,
      %swap3A_2352 = vector.shape_cast %swap3A_2351 : vector<1x16xi32> to vector<16xi32>
      %swap3A_2353 = vector.shape_cast %add3A_2348 : vector<16xi32> to vector<1x16xi32>
      tpu.vector_store %arg5[%swap3A_2349, %swap3A_2350], %swap3A_2353 {strides = array<i32>} : memref<200x128xi32, #tpu.memory_space<vmem>>, vector<1x16xi32>,
      %get3A_2354 = arith.index_cast %add3A_2329 : i32 to index
      %get3A_2355 = arith.constant 32 : index
      %get3A_2356 = tpu.vector_load %arg5[%get3A_2354, %get3A_2355] {strides = array<i32>} : memref<200x128xi32, #tpu.memory_space<vmem>>, vector<1x16xi32>,
      %get3A_2357 = vector.shape_cast %get3A_2356 : vector<1x16xi32> to vector<16xi32>
      %add3A_2358 = arith.constant 1 : i32
      %add3A_2359 = vector.broadcast %add3A_2358 : i32 to vector<16xi32>
      %add3A_2360 = arith.addi %get3A_2357, %add3A_2359 : vector<16xi32>
      %swap3A_2361 = arith.index_cast %add3A_2329 : i32 to index
      %swap3A_2362 = arith.constant 32 : index
      %swap3A_2363 = tpu.vector_load %arg5[%swap3A_2361, %swap3A_2362] {strides = array<i32>} : memref<200x128xi32, #tpu.memory_space<vmem>>, vector<1x16xi32>,
      %swap3A_2364 = vector.shape_cast %swap3A_2363 : vector<1x16xi32> to vector<16xi32>
      %swap3A_2365 = vector.shape_cast %add3A_2360 : vector<16xi32> to vector<1x16xi32>
      tpu.vector_store %arg5[%swap3A_2361, %swap3A_2362], %swap3A_2365 {strides = array<i32>} : memref<200x128xi32, #tpu.memory_space<vmem>>, vector<1x16xi32>,
      %get3A_2366 = arith.index_cast %add3A_2329 : i32 to index
      %get3A_2367 = arith.constant 48 : index
      %get3A_2368 = tpu.vector_load %arg5[%get3A_2366, %get3A_2367] {strides = array<i32>} : memref<200x128xi32, #tpu.memory_space<vmem>>, vector<1x16xi32>,
      %get3A_2369 = vector.shape_cast %get3A_2368 : vector<1x16xi32> to vector<16xi32>
      %add3A_2370 = arith.constant 1 : i32
      %add3A_2371 = vector.broadcast %add3A_2370 : i32 to vector<16xi32>
      %add3A_2372 = arith.addi %get3A_2369, %add3A_2371 : vector<16xi32>
      %swap3A_2373 = arith.index_cast %add3A_2329 : i32 to index
      %swap3A_2374 = arith.constant 48 : index
      %swap3A_2375 = tpu.vector_load %arg5[%swap3A_2373, %swap3A_2374] {strides = array<i32>} : memref<200x128xi32, #tpu.memory_space<vmem>>, vector<1x16xi32>,
      %swap3A_2376 = vector.shape_cast %swap3A_2375 : vector<1x16xi32> to vector<16xi32>
      %swap3A_2377 = vector.shape_cast %add3A_2372 : vector<16xi32> to vector<1x16xi32>
      tpu.vector_store %arg5[%swap3A_2373, %swap3A_2374], %swap3A_2377 {strides = array<i32>} : memref<200x128xi32, #tpu.memory_space<vmem>>, vector<1x16xi32>,
      %get3A_2378 = arith.index_cast %add3A_2329 : i32 to index
      %get3A_2379 = arith.constant 64 : index
      %get3A_2380 = tpu.vector_load %arg5[%get3A_2378, %get3A_2379] {strides = array<i32>} : memref<200x128xi32, #tpu.memory_space<vmem>>, vector<1x16xi32>,
      %get3A_2381 = vector.shape_cast %get3A_2380 : vector<1x16xi32> to vector<16xi32>
      %add3A_2382 = arith.constant 1 : i32
      %add3A_2383 = vector.broadcast %add3A_2382 : i32 to vector<16xi32>
      %add3A_2384 = arith.addi %get3A_2381, %add3A_2383 : vector<16xi32>
      %swap3A_2385 = arith.index_cast %add3A_2329 : i32 to index
      %swap3A_2386 = arith.constant 64 : index
      %swap3A_2387 = tpu.vector_load %arg5[%swap3A_2385, %swap3A_2386] {strides = array<i32>} : memref<200x128xi32, #tpu.memory_space<vmem>>, vector<1x16xi32>,
      %swap3A_2388 = vector.shape_cast %swap3A_2387 : vector<1x16xi32> to vector<16xi32>
      %swap3A_2389 = vector.shape_cast %add3A_2384 : vector<16xi32> to vector<1x16xi32>
      tpu.vector_store %arg5[%swap3A_2385, %swap3A_2386], %swap3A_2389 {strides = array<i32>} : memref<200x128xi32, #tpu.memory_space<vmem>>, vector<1x16xi32>,
      %get3A_2390 = arith.index_cast %add3A_2329 : i32 to index
      %get3A_2391 = arith.constant 80 : index
      %get3A_2392 = tpu.vector_load %arg5[%get3A_2390, %get3A_2391] {strides = array<i32>} : memref<200x128xi32, #tpu.memory_space<vmem>>, vector<1x16xi32>,
      %get3A_2393 = vector.shape_cast %get3A_2392 : vector<1x16xi32> to vector<16xi32>
      %add3A_2394 = arith.constant 1 : i32
      %add3A_2395 = vector.broadcast %add3A_2394 : i32 to vector<16xi32>
      %add3A_2396 = arith.addi %get3A_2393, %add3A_2395 : vector<16xi32>
      %swap3A_2397 = arith.index_cast %add3A_2329 : i32 to index
      %swap3A_2398 = arith.constant 80 : index
      %swap3A_2399 = tpu.vector_load %arg5[%swap3A_2397, %swap3A_2398] {strides = array<i32>} : memref<200x128xi32, #tpu.memory_space<vmem>>, vector<1x16xi32>,
      %swap3A_2400 = vector.shape_cast %swap3A_2399 : vector<1x16xi32> to vector<16xi32>
      %swap3A_2401 = vector.shape_cast %add3A_2396 : vector<16xi32> to vector<1x16xi32>
      tpu.vector_store %arg5[%swap3A_2397, %swap3A_2398], %swap3A_2401 {strides = array<i32>} : memref<200x128xi32, #tpu.memory_space<vmem>>, vector<1x16xi32>,
      %get3A_2402 = arith.index_cast %add3A_2329 : i32 to index
      %get3A_2403 = arith.constant 96 : index
      %get3A_2404 = tpu.vector_load %arg5[%get3A_2402, %get3A_2403] {strides = array<i32>} : memref<200x128xi32, #tpu.memory_space<vmem>>, vector<1x16xi32>,
      %get3A_2405 = vector.shape_cast %get3A_2404 : vector<1x16xi32> to vector<16xi32>
      %add3A_2406 = arith.constant 1 : i32
      %add3A_2407 = vector.broadcast %add3A_2406 : i32 to vector<16xi32>
      %add3A_2408 = arith.addi %get3A_2405, %add3A_2407 : vector<16xi32>
      %swap3A_2409 = arith.index_cast %add3A_2329 : i32 to index
      %swap3A_2410 = arith.constant 96 : index
      %swap3A_2411 = tpu.vector_load %arg5[%swap3A_2409, %swap3A_2410] {strides = array<i32>} : memref<200x128xi32, #tpu.memory_space<vmem>>, vector<1x16xi32>,
      %swap3A_2412 = vector.shape_cast %swap3A_2411 : vector<1x16xi32> to vector<16xi32>
      %swap3A_2413 = vector.shape_cast %add3A_2408 : vector<16xi32> to vector<1x16xi32>
      tpu.vector_store %arg5[%swap3A_2409, %swap3A_2410], %swap3A_2413 {strides = array<i32>} : memref<200x128xi32, #tpu.memory_space<vmem>>, vector<1x16xi32>,
      %get3A_2414 = arith.index_cast %add3A_2329 : i32 to index
      %get3A_2415 = arith.constant 112 : index
      %get3A_2416 = tpu.vector_load %arg5[%get3A_2414, %get3A_2415] {strides = array<i32>} : memref<200x128xi32, #tpu.memory_space<vmem>>, vector<1x16xi32>,
      %get3A_2417 = vector.shape_cast %get3A_2416 : vector<1x16xi32> to vector<16xi32>
      %add3A_2418 = arith.constant 1 : i32
      %add3A_2419 = vector.broadcast %add3A_2418 : i32 to vector<16xi32>
      %add3A_2420 = arith.addi %get3A_2417, %add3A_2419 : vector<16xi32>
      %swap3A_2421 = arith.index_cast %add3A_2329 : i32 to index
      %swap3A_2422 = arith.constant 112 : index
      %swap3A_2423 = tpu.vector_load %arg5[%swap3A_2421, %swap3A_2422] {strides = array<i32>} : memref<200x128xi32, #tpu.memory_space<vmem>>, vector<1x16xi32>,
      %swap3A_2424 = vector.shape_cast %swap3A_2423 : vector<1x16xi32> to vector<16xi32>
      %swap3A_2425 = vector.shape_cast %add3A_2420 : vector<16xi32> to vector<1x16xi32>
      tpu.vector_store %arg5[%swap3A_2421, %swap3A_2422], %swap3A_2425 {strides = array<i32>} : memref<200x128xi32, #tpu.memory_space<vmem>>, vector<1x16xi32>,
      %dma_start3A_2426 = arith.constant 128 : i32
      %dma_start3A_2427 = arith.constant 0 : i32
      %dma_start3A_2428 = tpu.memref_slice %arg6[%dma_start3A_2426, %dma_start3A_2427] : memref<256x128xf32, #tpu.memory_space<vmem>> -> memref<128x128xf32, #tpu.memory_space<vmem>>
      %dma_start3A_2429 = arith.constant 0 : i32
      %dma_start3A_2430 = tpu.memref_slice %arg5[%add3A_2329, %dma_start3A_2429] : memref<200x128xi32, #tpu.memory_space<vmem>> -> memref<1x128xi32, #tpu.memory_space<vmem>>
      %dma_start3A_2431 = tpu.memref_squeeze %dma_start3A_2430 : memref<1x128xi32, #tpu.memory_space<vmem>> -> memref<128xi32, #tpu.memory_space<vmem>>
      %dma_start3A_2432 = arith.constant 0 : i32
      %dma_start3A_2433 = arith.constant 0 : i32
      %dma_start3A_2434 = tpu.memref_slice %arg3[%dma_start3A_2432, %dma_start3A_2433] : memref<100001x128xf32, #tpu.memory_space<hbm>> -> memref<100001x128xf32, #tpu.memory_space<hbm>>
      tpu.enqueue_indirect_dma source(%dma_start3A_2434 : memref<100001x128xf32, #tpu.memory_space<hbm>>) target(%dma_start3A_2428 : memref<128x128xf32, #tpu.memory_space<vmem>>) offsets(%dma_start3A_2431 : memref<128xi32, #tpu.memory_space<vmem>>) semaphore(%arg9 : memref<!tpu.dma_semaphore, #tpu.memory_space<semaphore_mem>>)
      %mul3A_2435 = arith.constant 2 : i32
      %mul3A_2436 = arith.muli %add3A_2205, %mul3A_2435 : i32
      %add3A_2437 = arith.constant 0 : i32
      %add3A_2438 = arith.addi %mul3A_2436, %add3A_2437 : i32
      %dma_wait3A_2439 = arith.constant 0 : i32
      %dma_wait3A_2440 = arith.constant 0 : i32
      %dma_wait3A_2441 = tpu.memref_slice %arg7[%dma_wait3A_2439, %dma_wait3A_2440] : memref<256x128xf32, #tpu.memory_space<vmem>> -> memref<128x128xf32, #tpu.memory_space<vmem>>
      %dma_wait3A_2442 = arith.constant 0 : i32
      %dma_wait3A_2443 = tpu.memref_slice %arg5[%add3A_2438, %dma_wait3A_2442] : memref<200x128xi32, #tpu.memory_space<vmem>> -> memref<1x128xi32, #tpu.memory_space<vmem>>
      %dma_wait3A_2444 = tpu.memref_squeeze %dma_wait3A_2443 : memref<1x128xi32, #tpu.memory_space<vmem>> -> memref<128xi32, #tpu.memory_space<vmem>>
      %dma_wait3A_2445 = arith.constant 0 : i32
      %dma_wait3A_2446 = arith.constant 0 : i32
      %dma_wait3A_2447 = tpu.memref_slice %arg3[%dma_wait3A_2445, %dma_wait3A_2446] : memref<100001x128xf32, #tpu.memory_space<hbm>> -> memref<100001x128xf32, #tpu.memory_space<hbm>>
      tpu.wait_indirect_dma semaphore(%arg10 : memref<!tpu.dma_semaphore, #tpu.memory_space<semaphore_mem>>) src(%dma_wait3A_2447 : memref<100001x128xf32, #tpu.memory_space<hbm>>) dst(%dma_wait3A_2441 : memref<128x128xf32, #tpu.memory_space<vmem>>)
      %mul3A_2448 = arith.constant 2 : i32
      %mul3A_2449 = arith.muli %add3A_2205, %mul3A_2448 : i32
      %add3A_2450 = arith.constant 1 : i32
      %add3A_2451 = arith.addi %mul3A_2449, %add3A_2450 : i32
      %dma_wait3A_2452 = arith.constant 128 : i32
      %dma_wait3A_2453 = arith.constant 0 : i32
      %dma_wait3A_2454 = tpu.memref_slice %arg7[%dma_wait3A_2452, %dma_wait3A_2453] : memref<256x128xf32, #tpu.memory_space<vmem>> -> memref<128x128xf32, #tpu.memory_space<vmem>>
      %dma_wait3A_2455 = arith.constant 0 : i32
      %dma_wait3A_2456 = tpu.memref_slice %arg5[%add3A_2451, %dma_wait3A_2455] : memref<200x128xi32, #tpu.memory_space<vmem>> -> memref<1x128xi32, #tpu.memory_space<vmem>>
      %dma_wait3A_2457 = tpu.memref_squeeze %dma_wait3A_2456 : memref<1x128xi32, #tpu.memory_space<vmem>> -> memref<128xi32, #tpu.memory_space<vmem>>
      %dma_wait3A_2458 = arith.constant 0 : i32
      %dma_wait3A_2459 = arith.constant 0 : i32
      %dma_wait3A_2460 = tpu.memref_slice %arg3[%dma_wait3A_2458, %dma_wait3A_2459] : memref<100001x128xf32, #tpu.memory_space<hbm>> -> memref<100001x128xf32, #tpu.memory_space<hbm>>
      tpu.wait_indirect_dma semaphore(%arg10 : memref<!tpu.dma_semaphore, #tpu.memory_space<semaphore_mem>>) src(%dma_wait3A_2460 : memref<100001x128xf32, #tpu.memory_space<hbm>>) dst(%dma_wait3A_2454 : memref<128x128xf32, #tpu.memory_space<vmem>>)
      %mul3A_2461 = arith.constant 256 : i32
      %mul3A_2462 = arith.muli %add3A_2205, %mul3A_2461 : i32
      %add3A_2463 = arith.addi %mul3A_2, %mul3A_2462 : i32
      %dma_start3A_2464 = arith.constant 0 : i32
      %dma_start3A_2465 = tpu.memref_slice %arg4[%add3A_2463, %dma_start3A_2464] : memref<819200x128xf32, #tpu.memory_space<hbm>> -> memref<256x128xf32, #tpu.memory_space<hbm>>
      %dma_start3A_2466 = arith.constant 0 : i32
      %dma_start3A_2467 = tpu.memref_slice %arg4[%add3A_2463, %dma_start3A_2466] : memref<819200x128xf32, #tpu.memory_space<hbm>> -> memref<256x128xf32, #tpu.memory_space<hbm>>
      tpu.enqueue_dma source(%arg7 : memref<256x128xf32, #tpu.memory_space<vmem>>) target(%dma_start3A_2467 : memref<256x128xf32, #tpu.memory_space<hbm>>) target_semaphore(%arg13 : memref<!tpu.dma_semaphore, #tpu.memory_space<semaphore_mem>>)
      %add3A_2468 = arith.constant 2 : i32
      %add3A_2469 = arith.addi %add3A_1940, %add3A_2468 : i32
      %add3A_2470 = arith.constant 2 : i32
      %add3A_2471 = arith.addi %add3A_2469, %add3A_2470 : i32
      %sub3A_2472 = arith.constant 3 : i32
      %sub3A_2473 = arith.subi %add3A_2471, %sub3A_2472 : i32
      %mul3A_2474 = arith.constant 256 : i32
      %mul3A_2475 = arith.muli %sub3A_2473, %mul3A_2474 : i32
      %add3A_2476 = arith.addi %mul3A_2, %mul3A_2475 : i32
      %dma_wait3A_2477 = arith.constant 0 : i32
      %dma_wait3A_2478 = tpu.memref_slice %arg4[%add3A_2476, %dma_wait3A_2477] : memref<819200x128xf32, #tpu.memory_space<hbm>> -> memref<256x128xf32, #tpu.memory_space<hbm>>
      %dma_wait3A_2479 = arith.constant 0 : i32
      %dma_wait3A_2480 = tpu.memref_slice %arg4[%add3A_2476, %dma_wait3A_2479] : memref<819200x128xf32, #tpu.memory_space<hbm>> -> memref<256x128xf32, #tpu.memory_space<hbm>>
      tpu.wait_dma2 semaphore(%arg13 : memref<!tpu.dma_semaphore, #tpu.memory_space<semaphore_mem>>) src(%arg7 : memref<256x128xf32, #tpu.memory_space<vmem>>) dst(%dma_wait3A_2480 : memref<256x128xf32, #tpu.memory_space<hbm>>)
      %mul3A_2481 = arith.constant 2 : i32
      %mul3A_2482 = arith.muli %add3A_2471, %mul3A_2481 : i32
      %add3A_2483 = arith.constant 0 : i32
      %add3A_2484 = arith.addi %mul3A_2482, %add3A_2483 : i32
      %get3A_2485 = arith.index_cast %add3A_2484 : i32 to index
      %get3A_2486 = arith.constant 0 : index
      %get3A_2487 = tpu.vector_load %arg5[%get3A_2485, %get3A_2486] {strides = array<i32>} : memref<200x128xi32, #tpu.memory_space<vmem>>, vector<1x16xi32>,
      %get3A_2488 = vector.shape_cast %get3A_2487 : vector<1x16xi32> to vector<16xi32>
      %add3A_2489 = arith.constant 1 : i32
      %add3A_2490 = vector.broadcast %add3A_2489 : i32 to vector<16xi32>
      %add3A_2491 = arith.addi %get3A_2488, %add3A_2490 : vector<16xi32>
      %swap3A_2492 = arith.index_cast %add3A_2484 : i32 to index
      %swap3A_2493 = arith.constant 0 : index
      %swap3A_2494 = tpu.vector_load %arg5[%swap3A_2492, %swap3A_2493] {strides = array<i32>} : memref<200x128xi32, #tpu.memory_space<vmem>>, vector<1x16xi32>,
      %swap3A_2495 = vector.shape_cast %swap3A_2494 : vector<1x16xi32> to vector<16xi32>
      %swap3A_2496 = vector.shape_cast %add3A_2491 : vector<16xi32> to vector<1x16xi32>
      tpu.vector_store %arg5[%swap3A_2492, %swap3A_2493], %swap3A_2496 {strides = array<i32>} : memref<200x128xi32, #tpu.memory_space<vmem>>, vector<1x16xi32>,
      %get3A_2497 = arith.index_cast %add3A_2484 : i32 to index
      %get3A_2498 = arith.constant 16 : index
      %get3A_2499 = tpu.vector_load %arg5[%get3A_2497, %get3A_2498] {strides = array<i32>} : memref<200x128xi32, #tpu.memory_space<vmem>>, vector<1x16xi32>,
      %get3A_2500 = vector.shape_cast %get3A_2499 : vector<1x16xi32> to vector<16xi32>
      %add3A_2501 = arith.constant 1 : i32
      %add3A_2502 = vector.broadcast %add3A_2501 : i32 to vector<16xi32>
      %add3A_2503 = arith.addi %get3A_2500, %add3A_2502 : vector<16xi32>
      %swap3A_2504 = arith.index_cast %add3A_2484 : i32 to index
      %swap3A_2505 = arith.constant 16 : index
      %swap3A_2506 = tpu.vector_load %arg5[%swap3A_2504, %swap3A_2505] {strides = array<i32>} : memref<200x128xi32, #tpu.memory_space<vmem>>, vector<1x16xi32>,
      %swap3A_2507 = vector.shape_cast %swap3A_2506 : vector<1x16xi32> to vector<16xi32>
      %swap3A_2508 = vector.shape_cast %add3A_2503 : vector<16xi32> to vector<1x16xi32>
      tpu.vector_store %arg5[%swap3A_2504, %swap3A_2505], %swap3A_2508 {strides = array<i32>} : memref<200x128xi32, #tpu.memory_space<vmem>>, vector<1x16xi32>,
      %get3A_2509 = arith.index_cast %add3A_2484 : i32 to index
      %get3A_2510 = arith.constant 32 : index
      %get3A_2511 = tpu.vector_load %arg5[%get3A_2509, %get3A_2510] {strides = array<i32>} : memref<200x128xi32, #tpu.memory_space<vmem>>, vector<1x16xi32>,
      %get3A_2512 = vector.shape_cast %get3A_2511 : vector<1x16xi32> to vector<16xi32>
      %add3A_2513 = arith.constant 1 : i32
      %add3A_2514 = vector.broadcast %add3A_2513 : i32 to vector<16xi32>
      %add3A_2515 = arith.addi %get3A_2512, %add3A_2514 : vector<16xi32>
      %swap3A_2516 = arith.index_cast %add3A_2484 : i32 to index
      %swap3A_2517 = arith.constant 32 : index
      %swap3A_2518 = tpu.vector_load %arg5[%swap3A_2516, %swap3A_2517] {strides = array<i32>} : memref<200x128xi32, #tpu.memory_space<vmem>>, vector<1x16xi32>,
      %swap3A_2519 = vector.shape_cast %swap3A_2518 : vector<1x16xi32> to vector<16xi32>
      %swap3A_2520 = vector.shape_cast %add3A_2515 : vector<16xi32> to vector<1x16xi32>
      tpu.vector_store %arg5[%swap3A_2516, %swap3A_2517], %swap3A_2520 {strides = array<i32>} : memref<200x128xi32, #tpu.memory_space<vmem>>, vector<1x16xi32>,
      %get3A_2521 = arith.index_cast %add3A_2484 : i32 to index
      %get3A_2522 = arith.constant 48 : index
      %get3A_2523 = tpu.vector_load %arg5[%get3A_2521, %get3A_2522] {strides = array<i32>} : memref<200x128xi32, #tpu.memory_space<vmem>>, vector<1x16xi32>,
      %get3A_2524 = vector.shape_cast %get3A_2523 : vector<1x16xi32> to vector<16xi32>
      %add3A_2525 = arith.constant 1 : i32
      %add3A_2526 = vector.broadcast %add3A_2525 : i32 to vector<16xi32>
      %add3A_2527 = arith.addi %get3A_2524, %add3A_2526 : vector<16xi32>
      %swap3A_2528 = arith.index_cast %add3A_2484 : i32 to index
      %swap3A_2529 = arith.constant 48 : index
      %swap3A_2530 = tpu.vector_load %arg5[%swap3A_2528, %swap3A_2529] {strides = array<i32>} : memref<200x128xi32, #tpu.memory_space<vmem>>, vector<1x16xi32>,
      %swap3A_2531 = vector.shape_cast %swap3A_2530 : vector<1x16xi32> to vector<16xi32>
      %swap3A_2532 = vector.shape_cast %add3A_2527 : vector<16xi32> to vector<1x16xi32>
      tpu.vector_store %arg5[%swap3A_2528, %swap3A_2529], %swap3A_2532 {strides = array<i32>} : memref<200x128xi32, #tpu.memory_space<vmem>>, vector<1x16xi32>,
      %get3A_2533 = arith.index_cast %add3A_2484 : i32 to index
      %get3A_2534 = arith.constant 64 : index
      %get3A_2535 = tpu.vector_load %arg5[%get3A_2533, %get3A_2534] {strides = array<i32>} : memref<200x128xi32, #tpu.memory_space<vmem>>, vector<1x16xi32>,
      %get3A_2536 = vector.shape_cast %get3A_2535 : vector<1x16xi32> to vector<16xi32>
      %add3A_2537 = arith.constant 1 : i32
      %add3A_2538 = vector.broadcast %add3A_2537 : i32 to vector<16xi32>
      %add3A_2539 = arith.addi %get3A_2536, %add3A_2538 : vector<16xi32>
      %swap3A_2540 = arith.index_cast %add3A_2484 : i32 to index
      %swap3A_2541 = arith.constant 64 : index
      %swap3A_2542 = tpu.vector_load %arg5[%swap3A_2540, %swap3A_2541] {strides = array<i32>} : memref<200x128xi32, #tpu.memory_space<vmem>>, vector<1x16xi32>,
      %swap3A_2543 = vector.shape_cast %swap3A_2542 : vector<1x16xi32> to vector<16xi32>
      %swap3A_2544 = vector.shape_cast %add3A_2539 : vector<16xi32> to vector<1x16xi32>
      tpu.vector_store %arg5[%swap3A_2540, %swap3A_2541], %swap3A_2544 {strides = array<i32>} : memref<200x128xi32, #tpu.memory_space<vmem>>, vector<1x16xi32>,
      %get3A_2545 = arith.index_cast %add3A_2484 : i32 to index
      %get3A_2546 = arith.constant 80 : index
      %get3A_2547 = tpu.vector_load %arg5[%get3A_2545, %get3A_2546] {strides = array<i32>} : memref<200x128xi32, #tpu.memory_space<vmem>>, vector<1x16xi32>,
      %get3A_2548 = vector.shape_cast %get3A_2547 : vector<1x16xi32> to vector<16xi32>
      %add3A_2549 = arith.constant 1 : i32
      %add3A_2550 = vector.broadcast %add3A_2549 : i32 to vector<16xi32>
      %add3A_2551 = arith.addi %get3A_2548, %add3A_2550 : vector<16xi32>
      %swap3A_2552 = arith.index_cast %add3A_2484 : i32 to index
      %swap3A_2553 = arith.constant 80 : index
      %swap3A_2554 = tpu.vector_load %arg5[%swap3A_2552, %swap3A_2553] {strides = array<i32>} : memref<200x128xi32, #tpu.memory_space<vmem>>, vector<1x16xi32>,
      %swap3A_2555 = vector.shape_cast %swap3A_2554 : vector<1x16xi32> to vector<16xi32>
      %swap3A_2556 = vector.shape_cast %add3A_2551 : vector<16xi32> to vector<1x16xi32>
      tpu.vector_store %arg5[%swap3A_2552, %swap3A_2553], %swap3A_2556 {strides = array<i32>} : memref<200x128xi32, #tpu.memory_space<vmem>>, vector<1x16xi32>,
      %get3A_2557 = arith.index_cast %add3A_2484 : i32 to index
      %get3A_2558 = arith.constant 96 : index
      %get3A_2559 = tpu.vector_load %arg5[%get3A_2557, %get3A_2558] {strides = array<i32>} : memref<200x128xi32, #tpu.memory_space<vmem>>, vector<1x16xi32>,
      %get3A_2560 = vector.shape_cast %get3A_2559 : vector<1x16xi32> to vector<16xi32>
      %add3A_2561 = arith.constant 1 : i32
      %add3A_2562 = vector.broadcast %add3A_2561 : i32 to vector<16xi32>
      %add3A_2563 = arith.addi %get3A_2560, %add3A_2562 : vector<16xi32>
      %swap3A_2564 = arith.index_cast %add3A_2484 : i32 to index
      %swap3A_2565 = arith.constant 96 : index
      %swap3A_2566 = tpu.vector_load %arg5[%swap3A_2564, %swap3A_2565] {strides = array<i32>} : memref<200x128xi32, #tpu.memory_space<vmem>>, vector<1x16xi32>,
      %swap3A_2567 = vector.shape_cast %swap3A_2566 : vector<1x16xi32> to vector<16xi32>
      %swap3A_2568 = vector.shape_cast %add3A_2563 : vector<16xi32> to vector<1x16xi32>
      tpu.vector_store %arg5[%swap3A_2564, %swap3A_2565], %swap3A_2568 {strides = array<i32>} : memref<200x128xi32, #tpu.memory_space<vmem>>, vector<1x16xi32>,
      %get3A_2569 = arith.index_cast %add3A_2484 : i32 to index
      %get3A_2570 = arith.constant 112 : index
      %get3A_2571 = tpu.vector_load %arg5[%get3A_2569, %get3A_2570] {strides = array<i32>} : memref<200x128xi32, #tpu.memory_space<vmem>>, vector<1x16xi32>,
      %get3A_2572 = vector.shape_cast %get3A_2571 : vector<1x16xi32> to vector<16xi32>
      %add3A_2573 = arith.constant 1 : i32
      %add3A_2574 = vector.broadcast %add3A_2573 : i32 to vector<16xi32>
      %add3A_2575 = arith.addi %get3A_2572, %add3A_2574 : vector<16xi32>
      %swap3A_2576 = arith.index_cast %add3A_2484 : i32 to index
      %swap3A_2577 = arith.constant 112 : index
      %swap3A_2578 = tpu.vector_load %arg5[%swap3A_2576, %swap3A_2577] {strides = array<i32>} : memref<200x128xi32, #tpu.memory_space<vmem>>, vector<1x16xi32>,
      %swap3A_2579 = vector.shape_cast %swap3A_2578 : vector<1x16xi32> to vector<16xi32>
      %swap3A_2580 = vector.shape_cast %add3A_2575 : vector<16xi32> to vector<1x16xi32>
      tpu.vector_store %arg5[%swap3A_2576, %swap3A_2577], %swap3A_2580 {strides = array<i32>} : memref<200x128xi32, #tpu.memory_space<vmem>>, vector<1x16xi32>,
      %dma_start3A_2581 = arith.constant 0 : i32
      %dma_start3A_2582 = arith.constant 0 : i32
      %dma_start3A_2583 = tpu.memref_slice %arg7[%dma_start3A_2581, %dma_start3A_2582] : memref<256x128xf32, #tpu.memory_space<vmem>> -> memref<128x128xf32, #tpu.memory_space<vmem>>
      %dma_start3A_2584 = arith.constant 0 : i32
      %dma_start3A_2585 = tpu.memref_slice %arg5[%add3A_2484, %dma_start3A_2584] : memref<200x128xi32, #tpu.memory_space<vmem>> -> memref<1x128xi32, #tpu.memory_space<vmem>>
      %dma_start3A_2586 = tpu.memref_squeeze %dma_start3A_2585 : memref<1x128xi32, #tpu.memory_space<vmem>> -> memref<128xi32, #tpu.memory_space<vmem>>
      %dma_start3A_2587 = arith.constant 0 : i32
      %dma_start3A_2588 = arith.constant 0 : i32
      %dma_start3A_2589 = tpu.memref_slice %arg3[%dma_start3A_2587, %dma_start3A_2588] : memref<100001x128xf32, #tpu.memory_space<hbm>> -> memref<100001x128xf32, #tpu.memory_space<hbm>>
      tpu.enqueue_indirect_dma source(%dma_start3A_2589 : memref<100001x128xf32, #tpu.memory_space<hbm>>) target(%dma_start3A_2583 : memref<128x128xf32, #tpu.memory_space<vmem>>) offsets(%dma_start3A_2586 : memref<128xi32, #tpu.memory_space<vmem>>) semaphore(%arg10 : memref<!tpu.dma_semaphore, #tpu.memory_space<semaphore_mem>>)
      %mul3A_2590 = arith.constant 2 : i32
      %mul3A_2591 = arith.muli %add3A_2471, %mul3A_2590 : i32
      %add3A_2592 = arith.constant 1 : i32
      %add3A_2593 = arith.addi %mul3A_2591, %add3A_2592 : i32
      %get3A_2594 = arith.index_cast %add3A_2593 : i32 to index
      %get3A_2595 = arith.constant 0 : index
      %get3A_2596 = tpu.vector_load %arg5[%get3A_2594, %get3A_2595] {strides = array<i32>} : memref<200x128xi32, #tpu.memory_space<vmem>>, vector<1x16xi32>,
      %get3A_2597 = vector.shape_cast %get3A_2596 : vector<1x16xi32> to vector<16xi32>
      %add3A_2598 = arith.constant 1 : i32
      %add3A_2599 = vector.broadcast %add3A_2598 : i32 to vector<16xi32>
      %add3A_2600 = arith.addi %get3A_2597, %add3A_2599 : vector<16xi32>
      %swap3A_2601 = arith.index_cast %add3A_2593 : i32 to index
      %swap3A_2602 = arith.constant 0 : index
      %swap3A_2603 = tpu.vector_load %arg5[%swap3A_2601, %swap3A_2602] {strides = array<i32>} : memref<200x128xi32, #tpu.memory_space<vmem>>, vector<1x16xi32>,
      %swap3A_2604 = vector.shape_cast %swap3A_2603 : vector<1x16xi32> to vector<16xi32>
      %swap3A_2605 = vector.shape_cast %add3A_2600 : vector<16xi32> to vector<1x16xi32>
      tpu.vector_store %arg5[%swap3A_2601, %swap3A_2602], %swap3A_2605 {strides = array<i32>} : memref<200x128xi32, #tpu.memory_space<vmem>>, vector<1x16xi32>,
      %get3A_2606 = arith.index_cast %add3A_2593 : i32 to index
      %get3A_2607 = arith.constant 16 : index
      %get3A_2608 = tpu.vector_load %arg5[%get3A_2606, %get3A_2607] {strides = array<i32>} : memref<200x128xi32, #tpu.memory_space<vmem>>, vector<1x16xi32>,
      %get3A_2609 = vector.shape_cast %get3A_2608 : vector<1x16xi32> to vector<16xi32>
      %add3A_2610 = arith.constant 1 : i32
      %add3A_2611 = vector.broadcast %add3A_2610 : i32 to vector<16xi32>
      %add3A_2612 = arith.addi %get3A_2609, %add3A_2611 : vector<16xi32>
      %swap3A_2613 = arith.index_cast %add3A_2593 : i32 to index
      %swap3A_2614 = arith.constant 16 : index
      %swap3A_2615 = tpu.vector_load %arg5[%swap3A_2613, %swap3A_2614] {strides = array<i32>} : memref<200x128xi32, #tpu.memory_space<vmem>>, vector<1x16xi32>,
      %swap3A_2616 = vector.shape_cast %swap3A_2615 : vector<1x16xi32> to vector<16xi32>
      %swap3A_2617 = vector.shape_cast %add3A_2612 : vector<16xi32> to vector<1x16xi32>
      tpu.vector_store %arg5[%swap3A_2613, %swap3A_2614], %swap3A_2617 {strides = array<i32>} : memref<200x128xi32, #tpu.memory_space<vmem>>, vector<1x16xi32>,
      %get3A_2618 = arith.index_cast %add3A_2593 : i32 to index
      %get3A_2619 = arith.constant 32 : index
      %get3A_2620 = tpu.vector_load %arg5[%get3A_2618, %get3A_2619] {strides = array<i32>} : memref<200x128xi32, #tpu.memory_space<vmem>>, vector<1x16xi32>,
      %get3A_2621 = vector.shape_cast %get3A_2620 : vector<1x16xi32> to vector<16xi32>
      %add3A_2622 = arith.constant 1 : i32
      %add3A_2623 = vector.broadcast %add3A_2622 : i32 to vector<16xi32>
      %add3A_2624 = arith.addi %get3A_2621, %add3A_2623 : vector<16xi32>
      %swap3A_2625 = arith.index_cast %add3A_2593 : i32 to index
      %swap3A_2626 = arith.constant 32 : index
      %swap3A_2627 = tpu.vector_load %arg5[%swap3A_2625, %swap3A_2626] {strides = array<i32>} : memref<200x128xi32, #tpu.memory_space<vmem>>, vector<1x16xi32>,
      %swap3A_2628 = vector.shape_cast %swap3A_2627 : vector<1x16xi32> to vector<16xi32>
      %swap3A_2629 = vector.shape_cast %add3A_2624 : vector<16xi32> to vector<1x16xi32>
      tpu.vector_store %arg5[%swap3A_2625, %swap3A_2626], %swap3A_2629 {strides = array<i32>} : memref<200x128xi32, #tpu.memory_space<vmem>>, vector<1x16xi32>,
      %get3A_2630 = arith.index_cast %add3A_2593 : i32 to index
      %get3A_2631 = arith.constant 48 : index
      %get3A_2632 = tpu.vector_load %arg5[%get3A_2630, %get3A_2631] {strides = array<i32>} : memref<200x128xi32, #tpu.memory_space<vmem>>, vector<1x16xi32>,
      %get3A_2633 = vector.shape_cast %get3A_2632 : vector<1x16xi32> to vector<16xi32>
      %add3A_2634 = arith.constant 1 : i32
      %add3A_2635 = vector.broadcast %add3A_2634 : i32 to vector<16xi32>
      %add3A_2636 = arith.addi %get3A_2633, %add3A_2635 : vector<16xi32>
      %swap3A_2637 = arith.index_cast %add3A_2593 : i32 to index
      %swap3A_2638 = arith.constant 48 : index
      %swap3A_2639 = tpu.vector_load %arg5[%swap3A_2637, %swap3A_2638] {strides = array<i32>} : memref<200x128xi32, #tpu.memory_space<vmem>>, vector<1x16xi32>,
      %swap3A_2640 = vector.shape_cast %swap3A_2639 : vector<1x16xi32> to vector<16xi32>
      %swap3A_2641 = vector.shape_cast %add3A_2636 : vector<16xi32> to vector<1x16xi32>
      tpu.vector_store %arg5[%swap3A_2637, %swap3A_2638], %swap3A_2641 {strides = array<i32>} : memref<200x128xi32, #tpu.memory_space<vmem>>, vector<1x16xi32>,
      %get3A_2642 = arith.index_cast %add3A_2593 : i32 to index
      %get3A_2643 = arith.constant 64 : index
      %get3A_2644 = tpu.vector_load %arg5[%get3A_2642, %get3A_2643] {strides = array<i32>} : memref<200x128xi32, #tpu.memory_space<vmem>>, vector<1x16xi32>,
      %get3A_2645 = vector.shape_cast %get3A_2644 : vector<1x16xi32> to vector<16xi32>
      %add3A_2646 = arith.constant 1 : i32
      %add3A_2647 = vector.broadcast %add3A_2646 : i32 to vector<16xi32>
      %add3A_2648 = arith.addi %get3A_2645, %add3A_2647 : vector<16xi32>
      %swap3A_2649 = arith.index_cast %add3A_2593 : i32 to index
      %swap3A_2650 = arith.constant 64 : index
      %swap3A_2651 = tpu.vector_load %arg5[%swap3A_2649, %swap3A_2650] {strides = array<i32>} : memref<200x128xi32, #tpu.memory_space<vmem>>, vector<1x16xi32>,
      %swap3A_2652 = vector.shape_cast %swap3A_2651 : vector<1x16xi32> to vector<16xi32>
      %swap3A_2653 = vector.shape_cast %add3A_2648 : vector<16xi32> to vector<1x16xi32>
      tpu.vector_store %arg5[%swap3A_2649, %swap3A_2650], %swap3A_2653 {strides = array<i32>} : memref<200x128xi32, #tpu.memory_space<vmem>>, vector<1x16xi32>,
      %get3A_2654 = arith.index_cast %add3A_2593 : i32 to index
      %get3A_2655 = arith.constant 80 : index
      %get3A_2656 = tpu.vector_load %arg5[%get3A_2654, %get3A_2655] {strides = array<i32>} : memref<200x128xi32, #tpu.memory_space<vmem>>, vector<1x16xi32>,
      %get3A_2657 = vector.shape_cast %get3A_2656 : vector<1x16xi32> to vector<16xi32>
      %add3A_2658 = arith.constant 1 : i32
      %add3A_2659 = vector.broadcast %add3A_2658 : i32 to vector<16xi32>
      %add3A_2660 = arith.addi %get3A_2657, %add3A_2659 : vector<16xi32>
      %swap3A_2661 = arith.index_cast %add3A_2593 : i32 to index
      %swap3A_2662 = arith.constant 80 : index
      %swap3A_2663 = tpu.vector_load %arg5[%swap3A_2661, %swap3A_2662] {strides = array<i32>} : memref<200x128xi32, #tpu.memory_space<vmem>>, vector<1x16xi32>,
      %swap3A_2664 = vector.shape_cast %swap3A_2663 : vector<1x16xi32> to vector<16xi32>
      %swap3A_2665 = vector.shape_cast %add3A_2660 : vector<16xi32> to vector<1x16xi32>
      tpu.vector_store %arg5[%swap3A_2661, %swap3A_2662], %swap3A_2665 {strides = array<i32>} : memref<200x128xi32, #tpu.memory_space<vmem>>, vector<1x16xi32>,
      %get3A_2666 = arith.index_cast %add3A_2593 : i32 to index
      %get3A_2667 = arith.constant 96 : index
      %get3A_2668 = tpu.vector_load %arg5[%get3A_2666, %get3A_2667] {strides = array<i32>} : memref<200x128xi32, #tpu.memory_space<vmem>>, vector<1x16xi32>,
      %get3A_2669 = vector.shape_cast %get3A_2668 : vector<1x16xi32> to vector<16xi32>
      %add3A_2670 = arith.constant 1 : i32
      %add3A_2671 = vector.broadcast %add3A_2670 : i32 to vector<16xi32>
      %add3A_2672 = arith.addi %get3A_2669, %add3A_2671 : vector<16xi32>
      %swap3A_2673 = arith.index_cast %add3A_2593 : i32 to index
      %swap3A_2674 = arith.constant 96 : index
      %swap3A_2675 = tpu.vector_load %arg5[%swap3A_2673, %swap3A_2674] {strides = array<i32>} : memref<200x128xi32, #tpu.memory_space<vmem>>, vector<1x16xi32>,
      %swap3A_2676 = vector.shape_cast %swap3A_2675 : vector<1x16xi32> to vector<16xi32>
      %swap3A_2677 = vector.shape_cast %add3A_2672 : vector<16xi32> to vector<1x16xi32>
      tpu.vector_store %arg5[%swap3A_2673, %swap3A_2674], %swap3A_2677 {strides = array<i32>} : memref<200x128xi32, #tpu.memory_space<vmem>>, vector<1x16xi32>,
      %get3A_2678 = arith.index_cast %add3A_2593 : i32 to index
      %get3A_2679 = arith.constant 112 : index
      %get3A_2680 = tpu.vector_load %arg5[%get3A_2678, %get3A_2679] {strides = array<i32>} : memref<200x128xi32, #tpu.memory_space<vmem>>, vector<1x16xi32>,
      %get3A_2681 = vector.shape_cast %get3A_2680 : vector<1x16xi32> to vector<16xi32>
      %add3A_2682 = arith.constant 1 : i32
      %add3A_2683 = vector.broadcast %add3A_2682 : i32 to vector<16xi32>
      %add3A_2684 = arith.addi %get3A_2681, %add3A_2683 : vector<16xi32>
      %swap3A_2685 = arith.index_cast %add3A_2593 : i32 to index
      %swap3A_2686 = arith.constant 112 : index
      %swap3A_2687 = tpu.vector_load %arg5[%swap3A_2685, %swap3A_2686] {strides = array<i32>} : memref<200x128xi32, #tpu.memory_space<vmem>>, vector<1x16xi32>,
      %swap3A_2688 = vector.shape_cast %swap3A_2687 : vector<1x16xi32> to vector<16xi32>
      %swap3A_2689 = vector.shape_cast %add3A_2684 : vector<16xi32> to vector<1x16xi32>
      tpu.vector_store %arg5[%swap3A_2685, %swap3A_2686], %swap3A_2689 {strides = array<i32>} : memref<200x128xi32, #tpu.memory_space<vmem>>, vector<1x16xi32>,
      %dma_start3A_2690 = arith.constant 128 : i32
      %dma_start3A_2691 = arith.constant 0 : i32
      %dma_start3A_2692 = tpu.memref_slice %arg7[%dma_start3A_2690, %dma_start3A_2691] : memref<256x128xf32, #tpu.memory_space<vmem>> -> memref<128x128xf32, #tpu.memory_space<vmem>>
      %dma_start3A_2693 = arith.constant 0 : i32
      %dma_start3A_2694 = tpu.memref_slice %arg5[%add3A_2593, %dma_start3A_2693] : memref<200x128xi32, #tpu.memory_space<vmem>> -> memref<1x128xi32, #tpu.memory_space<vmem>>
      %dma_start3A_2695 = tpu.memref_squeeze %dma_start3A_2694 : memref<1x128xi32, #tpu.memory_space<vmem>> -> memref<128xi32, #tpu.memory_space<vmem>>
      %dma_start3A_2696 = arith.constant 0 : i32
      %dma_start3A_2697 = arith.constant 0 : i32
      %dma_start3A_2698 = tpu.memref_slice %arg3[%dma_start3A_2696, %dma_start3A_2697] : memref<100001x128xf32, #tpu.memory_space<hbm>> -> memref<100001x128xf32, #tpu.memory_space<hbm>>
      tpu.enqueue_indirect_dma source(%dma_start3A_2698 : memref<100001x128xf32, #tpu.memory_space<hbm>>) target(%dma_start3A_2692 : memref<128x128xf32, #tpu.memory_space<vmem>>) offsets(%dma_start3A_2695 : memref<128xi32, #tpu.memory_space<vmem>>) semaphore(%arg10 : memref<!tpu.dma_semaphore, #tpu.memory_space<semaphore_mem>>)
      %mul3A_2699 = arith.constant 2 : i32
      %mul3A_2700 = arith.muli %add3A_2469, %mul3A_2699 : i32
      %add3A_2701 = arith.constant 0 : i32
      %add3A_2702 = arith.addi %mul3A_2700, %add3A_2701 : i32
      %dma_wait3A_2703 = arith.constant 0 : i32
      %dma_wait3A_2704 = arith.constant 0 : i32
      %dma_wait3A_2705 = tpu.memref_slice %arg8[%dma_wait3A_2703, %dma_wait3A_2704] : memref<256x128xf32, #tpu.memory_space<vmem>> -> memref<128x128xf32, #tpu.memory_space<vmem>>
      %dma_wait3A_2706 = arith.constant 0 : i32
      %dma_wait3A_2707 = tpu.memref_slice %arg5[%add3A_2702, %dma_wait3A_2706] : memref<200x128xi32, #tpu.memory_space<vmem>> -> memref<1x128xi32, #tpu.memory_space<vmem>>
      %dma_wait3A_2708 = tpu.memref_squeeze %dma_wait3A_2707 : memref<1x128xi32, #tpu.memory_space<vmem>> -> memref<128xi32, #tpu.memory_space<vmem>>
      %dma_wait3A_2709 = arith.constant 0 : i32
      %dma_wait3A_2710 = arith.constant 0 : i32
      %dma_wait3A_2711 = tpu.memref_slice %arg3[%dma_wait3A_2709, %dma_wait3A_2710] : memref<100001x128xf32, #tpu.memory_space<hbm>> -> memref<100001x128xf32, #tpu.memory_space<hbm>>
      tpu.wait_indirect_dma semaphore(%arg11 : memref<!tpu.dma_semaphore, #tpu.memory_space<semaphore_mem>>) src(%dma_wait3A_2711 : memref<100001x128xf32, #tpu.memory_space<hbm>>) dst(%dma_wait3A_2705 : memref<128x128xf32, #tpu.memory_space<vmem>>)
      %mul3A_2712 = arith.constant 2 : i32
      %mul3A_2713 = arith.muli %add3A_2469, %mul3A_2712 : i32
      %add3A_2714 = arith.constant 1 : i32
      %add3A_2715 = arith.addi %mul3A_2713, %add3A_2714 : i32
      %dma_wait3A_2716 = arith.constant 128 : i32
      %dma_wait3A_2717 = arith.constant 0 : i32
      %dma_wait3A_2718 = tpu.memref_slice %arg8[%dma_wait3A_2716, %dma_wait3A_2717] : memref<256x128xf32, #tpu.memory_space<vmem>> -> memref<128x128xf32, #tpu.memory_space<vmem>>
      %dma_wait3A_2719 = arith.constant 0 : i32
      %dma_wait3A_2720 = tpu.memref_slice %arg5[%add3A_2715, %dma_wait3A_2719] : memref<200x128xi32, #tpu.memory_space<vmem>> -> memref<1x128xi32, #tpu.memory_space<vmem>>
      %dma_wait3A_2721 = tpu.memref_squeeze %dma_wait3A_2720 : memref<1x128xi32, #tpu.memory_space<vmem>> -> memref<128xi32, #tpu.memory_space<vmem>>
      %dma_wait3A_2722 = arith.constant 0 : i32
      %dma_wait3A_2723 = arith.constant 0 : i32
      %dma_wait3A_2724 = tpu.memref_slice %arg3[%dma_wait3A_2722, %dma_wait3A_2723] : memref<100001x128xf32, #tpu.memory_space<hbm>> -> memref<100001x128xf32, #tpu.memory_space<hbm>>
      tpu.wait_indirect_dma semaphore(%arg11 : memref<!tpu.dma_semaphore, #tpu.memory_space<semaphore_mem>>) src(%dma_wait3A_2724 : memref<100001x128xf32, #tpu.memory_space<hbm>>) dst(%dma_wait3A_2718 : memref<128x128xf32, #tpu.memory_space<vmem>>)
      %mul3A_2725 = arith.constant 256 : i32
      %mul3A_2726 = arith.muli %add3A_2469, %mul3A_2725 : i32
      %add3A_2727 = arith.addi %mul3A_2, %mul3A_2726 : i32
      %dma_start3A_2728 = arith.constant 0 : i32
      %dma_start3A_2729 = tpu.memref_slice %arg4[%add3A_2727, %dma_start3A_2728] : memref<819200x128xf32, #tpu.memory_space<hbm>> -> memref<256x128xf32, #tpu.memory_space<hbm>>
      %dma_start3A_2730 = arith.constant 0 : i32
      %dma_start3A_2731 = tpu.memref_slice %arg4[%add3A_2727, %dma_start3A_2730] : memref<819200x128xf32, #tpu.memory_space<hbm>> -> memref<256x128xf32, #tpu.memory_space<hbm>>
      tpu.enqueue_dma source(%arg8 : memref<256x128xf32, #tpu.memory_space<vmem>>) target(%dma_start3A_2731 : memref<256x128xf32, #tpu.memory_space<hbm>>) target_semaphore(%arg14 : memref<!tpu.dma_semaphore, #tpu.memory_space<semaphore_mem>>)
    }
    %scan3A_1313 = arith.constant 31 : i32
    %add3A_1314 = arith.constant 24320 : i32
    %add3A_1315 = arith.addi %mul3A_2, %add3A_1314 : i32
    %dma_wait3A_1316 = arith.constant 0 : i32
    %dma_wait3A_1317 = tpu.memref_slice %arg4[%add3A_1315, %dma_wait3A_1316] : memref<819200x128xf32, #tpu.memory_space<hbm>> -> memref<256x128xf32, #tpu.memory_space<hbm>>
    %dma_wait3A_1318 = arith.constant 0 : i32
    %dma_wait3A_1319 = tpu.memref_slice %arg4[%add3A_1315, %dma_wait3A_1318] : memref<819200x128xf32, #tpu.memory_space<hbm>> -> memref<256x128xf32, #tpu.memory_space<hbm>>
    tpu.wait_dma2 semaphore(%arg14 : memref<!tpu.dma_semaphore, #tpu.memory_space<semaphore_mem>>) src(%arg8 : memref<256x128xf32, #tpu.memory_space<vmem>>) dst(%dma_wait3A_1319 : memref<256x128xf32, #tpu.memory_space<hbm>>)
    %get3A_1320 = arith.constant 196 : i32
    %get3A_1321 = arith.index_cast %get3A_1320 : i32 to index
    %get3A_1322 = arith.constant 0 : index
    %get3A_1323 = tpu.vector_load %arg5[%get3A_1321, %get3A_1322] {strides = array<i32>} : memref<200x128xi32, #tpu.memory_space<vmem>>, vector<1x16xi32>,
    %get3A_1324 = vector.shape_cast %get3A_1323 : vector<1x16xi32> to vector<16xi32>
    %add3A_1325 = arith.constant 1 : i32
    %add3A_1326 = vector.broadcast %add3A_1325 : i32 to vector<16xi32>
    %add3A_1327 = arith.addi %get3A_1324, %add3A_1326 : vector<16xi32>
    %swap3A_1328 = arith.constant 196 : i32
    %swap3A_1329 = arith.index_cast %swap3A_1328 : i32 to index
    %swap3A_1330 = arith.constant 0 : index
    %swap3A_1331 = tpu.vector_load %arg5[%swap3A_1329, %swap3A_1330] {strides = array<i32>} : memref<200x128xi32, #tpu.memory_space<vmem>>, vector<1x16xi32>,
    %swap3A_1332 = vector.shape_cast %swap3A_1331 : vector<1x16xi32> to vector<16xi32>
    %swap3A_1333 = vector.shape_cast %add3A_1327 : vector<16xi32> to vector<1x16xi32>
    tpu.vector_store %arg5[%swap3A_1329, %swap3A_1330], %swap3A_1333 {strides = array<i32>} : memref<200x128xi32, #tpu.memory_space<vmem>>, vector<1x16xi32>,
    %get3A_1334 = arith.constant 196 : i32
    %get3A_1335 = arith.index_cast %get3A_1334 : i32 to index
    %get3A_1336 = arith.constant 16 : index
    %get3A_1337 = tpu.vector_load %arg5[%get3A_1335, %get3A_1336] {strides = array<i32>} : memref<200x128xi32, #tpu.memory_space<vmem>>, vector<1x16xi32>,
    %get3A_1338 = vector.shape_cast %get3A_1337 : vector<1x16xi32> to vector<16xi32>
    %add3A_1339 = arith.constant 1 : i32
    %add3A_1340 = vector.broadcast %add3A_1339 : i32 to vector<16xi32>
    %add3A_1341 = arith.addi %get3A_1338, %add3A_1340 : vector<16xi32>
    %swap3A_1342 = arith.constant 196 : i32
    %swap3A_1343 = arith.index_cast %swap3A_1342 : i32 to index
    %swap3A_1344 = arith.constant 16 : index
    %swap3A_1345 = tpu.vector_load %arg5[%swap3A_1343, %swap3A_1344] {strides = array<i32>} : memref<200x128xi32, #tpu.memory_space<vmem>>, vector<1x16xi32>,
    %swap3A_1346 = vector.shape_cast %swap3A_1345 : vector<1x16xi32> to vector<16xi32>
    %swap3A_1347 = vector.shape_cast %add3A_1341 : vector<16xi32> to vector<1x16xi32>
    tpu.vector_store %arg5[%swap3A_1343, %swap3A_1344], %swap3A_1347 {strides = array<i32>} : memref<200x128xi32, #tpu.memory_space<vmem>>, vector<1x16xi32>,
    %get3A_1348 = arith.constant 196 : i32
    %get3A_1349 = arith.index_cast %get3A_1348 : i32 to index
    %get3A_1350 = arith.constant 32 : index
    %get3A_1351 = tpu.vector_load %arg5[%get3A_1349, %get3A_1350] {strides = array<i32>} : memref<200x128xi32, #tpu.memory_space<vmem>>, vector<1x16xi32>,
    %get3A_1352 = vector.shape_cast %get3A_1351 : vector<1x16xi32> to vector<16xi32>
    %add3A_1353 = arith.constant 1 : i32
    %add3A_1354 = vector.broadcast %add3A_1353 : i32 to vector<16xi32>
    %add3A_1355 = arith.addi %get3A_1352, %add3A_1354 : vector<16xi32>
    %swap3A_1356 = arith.constant 196 : i32
    %swap3A_1357 = arith.index_cast %swap3A_1356 : i32 to index
    %swap3A_1358 = arith.constant 32 : index
    %swap3A_1359 = tpu.vector_load %arg5[%swap3A_1357, %swap3A_1358] {strides = array<i32>} : memref<200x128xi32, #tpu.memory_space<vmem>>, vector<1x16xi32>,
    %swap3A_1360 = vector.shape_cast %swap3A_1359 : vector<1x16xi32> to vector<16xi32>
    %swap3A_1361 = vector.shape_cast %add3A_1355 : vector<16xi32> to vector<1x16xi32>
    tpu.vector_store %arg5[%swap3A_1357, %swap3A_1358], %swap3A_1361 {strides = array<i32>} : memref<200x128xi32, #tpu.memory_space<vmem>>, vector<1x16xi32>,
    %get3A_1362 = arith.constant 196 : i32
    %get3A_1363 = arith.index_cast %get3A_1362 : i32 to index
    %get3A_1364 = arith.constant 48 : index
    %get3A_1365 = tpu.vector_load %arg5[%get3A_1363, %get3A_1364] {strides = array<i32>} : memref<200x128xi32, #tpu.memory_space<vmem>>, vector<1x16xi32>,
    %get3A_1366 = vector.shape_cast %get3A_1365 : vector<1x16xi32> to vector<16xi32>
    %add3A_1367 = arith.constant 1 : i32
    %add3A_1368 = vector.broadcast %add3A_1367 : i32 to vector<16xi32>
    %add3A_1369 = arith.addi %get3A_1366, %add3A_1368 : vector<16xi32>
    %swap3A_1370 = arith.constant 196 : i32
    %swap3A_1371 = arith.index_cast %swap3A_1370 : i32 to index
    %swap3A_1372 = arith.constant 48 : index
    %swap3A_1373 = tpu.vector_load %arg5[%swap3A_1371, %swap3A_1372] {strides = array<i32>} : memref<200x128xi32, #tpu.memory_space<vmem>>, vector<1x16xi32>,
    %swap3A_1374 = vector.shape_cast %swap3A_1373 : vector<1x16xi32> to vector<16xi32>
    %swap3A_1375 = vector.shape_cast %add3A_1369 : vector<16xi32> to vector<1x16xi32>
    tpu.vector_store %arg5[%swap3A_1371, %swap3A_1372], %swap3A_1375 {strides = array<i32>} : memref<200x128xi32, #tpu.memory_space<vmem>>, vector<1x16xi32>,
    %get3A_1376 = arith.constant 196 : i32
    %get3A_1377 = arith.index_cast %get3A_1376 : i32 to index
    %get3A_1378 = arith.constant 64 : index
    %get3A_1379 = tpu.vector_load %arg5[%get3A_1377, %get3A_1378] {strides = array<i32>} : memref<200x128xi32, #tpu.memory_space<vmem>>, vector<1x16xi32>,
    %get3A_1380 = vector.shape_cast %get3A_1379 : vector<1x16xi32> to vector<16xi32>
    %add3A_1381 = arith.constant 1 : i32
    %add3A_1382 = vector.broadcast %add3A_1381 : i32 to vector<16xi32>
    %add3A_1383 = arith.addi %get3A_1380, %add3A_1382 : vector<16xi32>
    %swap3A_1384 = arith.constant 196 : i32
    %swap3A_1385 = arith.index_cast %swap3A_1384 : i32 to index
    %swap3A_1386 = arith.constant 64 : index
    %swap3A_1387 = tpu.vector_load %arg5[%swap3A_1385, %swap3A_1386] {strides = array<i32>} : memref<200x128xi32, #tpu.memory_space<vmem>>, vector<1x16xi32>,
    %swap3A_1388 = vector.shape_cast %swap3A_1387 : vector<1x16xi32> to vector<16xi32>
    %swap3A_1389 = vector.shape_cast %add3A_1383 : vector<16xi32> to vector<1x16xi32>
    tpu.vector_store %arg5[%swap3A_1385, %swap3A_1386], %swap3A_1389 {strides = array<i32>} : memref<200x128xi32, #tpu.memory_space<vmem>>, vector<1x16xi32>,
    %get3A_1390 = arith.constant 196 : i32
    %get3A_1391 = arith.index_cast %get3A_1390 : i32 to index
    %get3A_1392 = arith.constant 80 : index
    %get3A_1393 = tpu.vector_load %arg5[%get3A_1391, %get3A_1392] {strides = array<i32>} : memref<200x128xi32, #tpu.memory_space<vmem>>, vector<1x16xi32>,
    %get3A_1394 = vector.shape_cast %get3A_1393 : vector<1x16xi32> to vector<16xi32>
    %add3A_1395 = arith.constant 1 : i32
    %add3A_1396 = vector.broadcast %add3A_1395 : i32 to vector<16xi32>
    %add3A_1397 = arith.addi %get3A_1394, %add3A_1396 : vector<16xi32>
    %swap3A_1398 = arith.constant 196 : i32
    %swap3A_1399 = arith.index_cast %swap3A_1398 : i32 to index
    %swap3A_1400 = arith.constant 80 : index
    %swap3A_1401 = tpu.vector_load %arg5[%swap3A_1399, %swap3A_1400] {strides = array<i32>} : memref<200x128xi32, #tpu.memory_space<vmem>>, vector<1x16xi32>,
    %swap3A_1402 = vector.shape_cast %swap3A_1401 : vector<1x16xi32> to vector<16xi32>
    %swap3A_1403 = vector.shape_cast %add3A_1397 : vector<16xi32> to vector<1x16xi32>
    tpu.vector_store %arg5[%swap3A_1399, %swap3A_1400], %swap3A_1403 {strides = array<i32>} : memref<200x128xi32, #tpu.memory_space<vmem>>, vector<1x16xi32>,
    %get3A_1404 = arith.constant 196 : i32
    %get3A_1405 = arith.index_cast %get3A_1404 : i32 to index
    %get3A_1406 = arith.constant 96 : index
    %get3A_1407 = tpu.vector_load %arg5[%get3A_1405, %get3A_1406] {strides = array<i32>} : memref<200x128xi32, #tpu.memory_space<vmem>>, vector<1x16xi32>,
    %get3A_1408 = vector.shape_cast %get3A_1407 : vector<1x16xi32> to vector<16xi32>
    %add3A_1409 = arith.constant 1 : i32
    %add3A_1410 = vector.broadcast %add3A_1409 : i32 to vector<16xi32>
    %add3A_1411 = arith.addi %get3A_1408, %add3A_1410 : vector<16xi32>
    %swap3A_1412 = arith.constant 196 : i32
    %swap3A_1413 = arith.index_cast %swap3A_1412 : i32 to index
    %swap3A_1414 = arith.constant 96 : index
    %swap3A_1415 = tpu.vector_load %arg5[%swap3A_1413, %swap3A_1414] {strides = array<i32>} : memref<200x128xi32, #tpu.memory_space<vmem>>, vector<1x16xi32>,
    %swap3A_1416 = vector.shape_cast %swap3A_1415 : vector<1x16xi32> to vector<16xi32>
    %swap3A_1417 = vector.shape_cast %add3A_1411 : vector<16xi32> to vector<1x16xi32>
    tpu.vector_store %arg5[%swap3A_1413, %swap3A_1414], %swap3A_1417 {strides = array<i32>} : memref<200x128xi32, #tpu.memory_space<vmem>>, vector<1x16xi32>,
    %get3A_1418 = arith.constant 196 : i32
    %get3A_1419 = arith.index_cast %get3A_1418 : i32 to index
    %get3A_1420 = arith.constant 112 : index
    %get3A_1421 = tpu.vector_load %arg5[%get3A_1419, %get3A_1420] {strides = array<i32>} : memref<200x128xi32, #tpu.memory_space<vmem>>, vector<1x16xi32>,
    %get3A_1422 = vector.shape_cast %get3A_1421 : vector<1x16xi32> to vector<16xi32>
    %add3A_1423 = arith.constant 1 : i32
    %add3A_1424 = vector.broadcast %add3A_1423 : i32 to vector<16xi32>
    %add3A_1425 = arith.addi %get3A_1422, %add3A_1424 : vector<16xi32>
    %swap3A_1426 = arith.constant 196 : i32
    %swap3A_1427 = arith.index_cast %swap3A_1426 : i32 to index
    %swap3A_1428 = arith.constant 112 : index
    %swap3A_1429 = tpu.vector_load %arg5[%swap3A_1427, %swap3A_1428] {strides = array<i32>} : memref<200x128xi32, #tpu.memory_space<vmem>>, vector<1x16xi32>,
    %swap3A_1430 = vector.shape_cast %swap3A_1429 : vector<1x16xi32> to vector<16xi32>
    %swap3A_1431 = vector.shape_cast %add3A_1425 : vector<16xi32> to vector<1x16xi32>
    tpu.vector_store %arg5[%swap3A_1427, %swap3A_1428], %swap3A_1431 {strides = array<i32>} : memref<200x128xi32, #tpu.memory_space<vmem>>, vector<1x16xi32>,
    %dma_start3A_1432 = arith.constant 196 : i32
    %dma_start3A_1433 = arith.constant 0 : i32
    %dma_start3A_1434 = arith.constant 0 : i32
    %dma_start3A_1435 = tpu.memref_slice %arg8[%dma_start3A_1433, %dma_start3A_1434] : memref<256x128xf32, #tpu.memory_space<vmem>> -> memref<128x128xf32, #tpu.memory_space<vmem>>
    %dma_start3A_1436 = arith.constant 0 : i32
    %dma_start3A_1437 = tpu.memref_slice %arg5[%dma_start3A_1432, %dma_start3A_1436] : memref<200x128xi32, #tpu.memory_space<vmem>> -> memref<1x128xi32, #tpu.memory_space<vmem>>
    %dma_start3A_1438 = tpu.memref_squeeze %dma_start3A_1437 : memref<1x128xi32, #tpu.memory_space<vmem>> -> memref<128xi32, #tpu.memory_space<vmem>>
    %dma_start3A_1439 = arith.constant 0 : i32
    %dma_start3A_1440 = arith.constant 0 : i32
    %dma_start3A_1441 = tpu.memref_slice %arg3[%dma_start3A_1439, %dma_start3A_1440] : memref<100001x128xf32, #tpu.memory_space<hbm>> -> memref<100001x128xf32, #tpu.memory_space<hbm>>
    tpu.enqueue_indirect_dma source(%dma_start3A_1441 : memref<100001x128xf32, #tpu.memory_space<hbm>>) target(%dma_start3A_1435 : memref<128x128xf32, #tpu.memory_space<vmem>>) offsets(%dma_start3A_1438 : memref<128xi32, #tpu.memory_space<vmem>>) semaphore(%arg11 : memref<!tpu.dma_semaphore, #tpu.memory_space<semaphore_mem>>)
    %get3A_1442 = arith.constant 197 : i32
    %get3A_1443 = arith.index_cast %get3A_1442 : i32 to index
    %get3A_1444 = arith.constant 0 : index
    %get3A_1445 = tpu.vector_load %arg5[%get3A_1443, %get3A_1444] {strides = array<i32>} : memref<200x128xi32, #tpu.memory_space<vmem>>, vector<1x16xi32>,
    %get3A_1446 = vector.shape_cast %get3A_1445 : vector<1x16xi32> to vector<16xi32>
    %add3A_1447 = arith.constant 1 : i32
    %add3A_1448 = vector.broadcast %add3A_1447 : i32 to vector<16xi32>
    %add3A_1449 = arith.addi %get3A_1446, %add3A_1448 : vector<16xi32>
    %swap3A_1450 = arith.constant 197 : i32
    %swap3A_1451 = arith.index_cast %swap3A_1450 : i32 to index
    %swap3A_1452 = arith.constant 0 : index
    %swap3A_1453 = tpu.vector_load %arg5[%swap3A_1451, %swap3A_1452] {strides = array<i32>} : memref<200x128xi32, #tpu.memory_space<vmem>>, vector<1x16xi32>,
    %swap3A_1454 = vector.shape_cast %swap3A_1453 : vector<1x16xi32> to vector<16xi32>
    %swap3A_1455 = vector.shape_cast %add3A_1449 : vector<16xi32> to vector<1x16xi32>
    tpu.vector_store %arg5[%swap3A_1451, %swap3A_1452], %swap3A_1455 {strides = array<i32>} : memref<200x128xi32, #tpu.memory_space<vmem>>, vector<1x16xi32>,
    %get3A_1456 = arith.constant 197 : i32
    %get3A_1457 = arith.index_cast %get3A_1456 : i32 to index
    %get3A_1458 = arith.constant 16 : index
    %get3A_1459 = tpu.vector_load %arg5[%get3A_1457, %get3A_1458] {strides = array<i32>} : memref<200x128xi32, #tpu.memory_space<vmem>>, vector<1x16xi32>,
    %get3A_1460 = vector.shape_cast %get3A_1459 : vector<1x16xi32> to vector<16xi32>
    %add3A_1461 = arith.constant 1 : i32
    %add3A_1462 = vector.broadcast %add3A_1461 : i32 to vector<16xi32>
    %add3A_1463 = arith.addi %get3A_1460, %add3A_1462 : vector<16xi32>
    %swap3A_1464 = arith.constant 197 : i32
    %swap3A_1465 = arith.index_cast %swap3A_1464 : i32 to index
    %swap3A_1466 = arith.constant 16 : index
    %swap3A_1467 = tpu.vector_load %arg5[%swap3A_1465, %swap3A_1466] {strides = array<i32>} : memref<200x128xi32, #tpu.memory_space<vmem>>, vector<1x16xi32>,
    %swap3A_1468 = vector.shape_cast %swap3A_1467 : vector<1x16xi32> to vector<16xi32>
    %swap3A_1469 = vector.shape_cast %add3A_1463 : vector<16xi32> to vector<1x16xi32>
    tpu.vector_store %arg5[%swap3A_1465, %swap3A_1466], %swap3A_1469 {strides = array<i32>} : memref<200x128xi32, #tpu.memory_space<vmem>>, vector<1x16xi32>,
    %get3A_1470 = arith.constant 197 : i32
    %get3A_1471 = arith.index_cast %get3A_1470 : i32 to index
    %get3A_1472 = arith.constant 32 : index
    %get3A_1473 = tpu.vector_load %arg5[%get3A_1471, %get3A_1472] {strides = array<i32>} : memref<200x128xi32, #tpu.memory_space<vmem>>, vector<1x16xi32>,
    %get3A_1474 = vector.shape_cast %get3A_1473 : vector<1x16xi32> to vector<16xi32>
    %add3A_1475 = arith.constant 1 : i32
    %add3A_1476 = vector.broadcast %add3A_1475 : i32 to vector<16xi32>
    %add3A_1477 = arith.addi %get3A_1474, %add3A_1476 : vector<16xi32>
    %swap3A_1478 = arith.constant 197 : i32
    %swap3A_1479 = arith.index_cast %swap3A_1478 : i32 to index
    %swap3A_1480 = arith.constant 32 : index
    %swap3A_1481 = tpu.vector_load %arg5[%swap3A_1479, %swap3A_1480] {strides = array<i32>} : memref<200x128xi32, #tpu.memory_space<vmem>>, vector<1x16xi32>,
    %swap3A_1482 = vector.shape_cast %swap3A_1481 : vector<1x16xi32> to vector<16xi32>
    %swap3A_1483 = vector.shape_cast %add3A_1477 : vector<16xi32> to vector<1x16xi32>
    tpu.vector_store %arg5[%swap3A_1479, %swap3A_1480], %swap3A_1483 {strides = array<i32>} : memref<200x128xi32, #tpu.memory_space<vmem>>, vector<1x16xi32>,
    %get3A_1484 = arith.constant 197 : i32
    %get3A_1485 = arith.index_cast %get3A_1484 : i32 to index
    %get3A_1486 = arith.constant 48 : index
    %get3A_1487 = tpu.vector_load %arg5[%get3A_1485, %get3A_1486] {strides = array<i32>} : memref<200x128xi32, #tpu.memory_space<vmem>>, vector<1x16xi32>,
    %get3A_1488 = vector.shape_cast %get3A_1487 : vector<1x16xi32> to vector<16xi32>
    %add3A_1489 = arith.constant 1 : i32
    %add3A_1490 = vector.broadcast %add3A_1489 : i32 to vector<16xi32>
    %add3A_1491 = arith.addi %get3A_1488, %add3A_1490 : vector<16xi32>
    %swap3A_1492 = arith.constant 197 : i32
    %swap3A_1493 = arith.index_cast %swap3A_1492 : i32 to index
    %swap3A_1494 = arith.constant 48 : index
    %swap3A_1495 = tpu.vector_load %arg5[%swap3A_1493, %swap3A_1494] {strides = array<i32>} : memref<200x128xi32, #tpu.memory_space<vmem>>, vector<1x16xi32>,
    %swap3A_1496 = vector.shape_cast %swap3A_1495 : vector<1x16xi32> to vector<16xi32>
    %swap3A_1497 = vector.shape_cast %add3A_1491 : vector<16xi32> to vector<1x16xi32>
    tpu.vector_store %arg5[%swap3A_1493, %swap3A_1494], %swap3A_1497 {strides = array<i32>} : memref<200x128xi32, #tpu.memory_space<vmem>>, vector<1x16xi32>,
    %get3A_1498 = arith.constant 197 : i32
    %get3A_1499 = arith.index_cast %get3A_1498 : i32 to index
    %get3A_1500 = arith.constant 64 : index
    %get3A_1501 = tpu.vector_load %arg5[%get3A_1499, %get3A_1500] {strides = array<i32>} : memref<200x128xi32, #tpu.memory_space<vmem>>, vector<1x16xi32>,
    %get3A_1502 = vector.shape_cast %get3A_1501 : vector<1x16xi32> to vector<16xi32>
    %add3A_1503 = arith.constant 1 : i32
    %add3A_1504 = vector.broadcast %add3A_1503 : i32 to vector<16xi32>
    %add3A_1505 = arith.addi %get3A_1502, %add3A_1504 : vector<16xi32>
    %swap3A_1506 = arith.constant 197 : i32
    %swap3A_1507 = arith.index_cast %swap3A_1506 : i32 to index
    %swap3A_1508 = arith.constant 64 : index
    %swap3A_1509 = tpu.vector_load %arg5[%swap3A_1507, %swap3A_1508] {strides = array<i32>} : memref<200x128xi32, #tpu.memory_space<vmem>>, vector<1x16xi32>,
    %swap3A_1510 = vector.shape_cast %swap3A_1509 : vector<1x16xi32> to vector<16xi32>
    %swap3A_1511 = vector.shape_cast %add3A_1505 : vector<16xi32> to vector<1x16xi32>
    tpu.vector_store %arg5[%swap3A_1507, %swap3A_1508], %swap3A_1511 {strides = array<i32>} : memref<200x128xi32, #tpu.memory_space<vmem>>, vector<1x16xi32>,
    %get3A_1512 = arith.constant 197 : i32
    %get3A_1513 = arith.index_cast %get3A_1512 : i32 to index
    %get3A_1514 = arith.constant 80 : index
    %get3A_1515 = tpu.vector_load %arg5[%get3A_1513, %get3A_1514] {strides = array<i32>} : memref<200x128xi32, #tpu.memory_space<vmem>>, vector<1x16xi32>,
    %get3A_1516 = vector.shape_cast %get3A_1515 : vector<1x16xi32> to vector<16xi32>
    %add3A_1517 = arith.constant 1 : i32
    %add3A_1518 = vector.broadcast %add3A_1517 : i32 to vector<16xi32>
    %add3A_1519 = arith.addi %get3A_1516, %add3A_1518 : vector<16xi32>
    %swap3A_1520 = arith.constant 197 : i32
    %swap3A_1521 = arith.index_cast %swap3A_1520 : i32 to index
    %swap3A_1522 = arith.constant 80 : index
    %swap3A_1523 = tpu.vector_load %arg5[%swap3A_1521, %swap3A_1522] {strides = array<i32>} : memref<200x128xi32, #tpu.memory_space<vmem>>, vector<1x16xi32>,
    %swap3A_1524 = vector.shape_cast %swap3A_1523 : vector<1x16xi32> to vector<16xi32>
    %swap3A_1525 = vector.shape_cast %add3A_1519 : vector<16xi32> to vector<1x16xi32>
    tpu.vector_store %arg5[%swap3A_1521, %swap3A_1522], %swap3A_1525 {strides = array<i32>} : memref<200x128xi32, #tpu.memory_space<vmem>>, vector<1x16xi32>,
    %get3A_1526 = arith.constant 197 : i32
    %get3A_1527 = arith.index_cast %get3A_1526 : i32 to index
    %get3A_1528 = arith.constant 96 : index
    %get3A_1529 = tpu.vector_load %arg5[%get3A_1527, %get3A_1528] {strides = array<i32>} : memref<200x128xi32, #tpu.memory_space<vmem>>, vector<1x16xi32>,
    %get3A_1530 = vector.shape_cast %get3A_1529 : vector<1x16xi32> to vector<16xi32>
    %add3A_1531 = arith.constant 1 : i32
    %add3A_1532 = vector.broadcast %add3A_1531 : i32 to vector<16xi32>
    %add3A_1533 = arith.addi %get3A_1530, %add3A_1532 : vector<16xi32>
    %swap3A_1534 = arith.constant 197 : i32
    %swap3A_1535 = arith.index_cast %swap3A_1534 : i32 to index
    %swap3A_1536 = arith.constant 96 : index
    %swap3A_1537 = tpu.vector_load %arg5[%swap3A_1535, %swap3A_1536] {strides = array<i32>} : memref<200x128xi32, #tpu.memory_space<vmem>>, vector<1x16xi32>,
    %swap3A_1538 = vector.shape_cast %swap3A_1537 : vector<1x16xi32> to vector<16xi32>
    %swap3A_1539 = vector.shape_cast %add3A_1533 : vector<16xi32> to vector<1x16xi32>
    tpu.vector_store %arg5[%swap3A_1535, %swap3A_1536], %swap3A_1539 {strides = array<i32>} : memref<200x128xi32, #tpu.memory_space<vmem>>, vector<1x16xi32>,
    %get3A_1540 = arith.constant 197 : i32
    %get3A_1541 = arith.index_cast %get3A_1540 : i32 to index
    %get3A_1542 = arith.constant 112 : index
    %get3A_1543 = tpu.vector_load %arg5[%get3A_1541, %get3A_1542] {strides = array<i32>} : memref<200x128xi32, #tpu.memory_space<vmem>>, vector<1x16xi32>,
    %get3A_1544 = vector.shape_cast %get3A_1543 : vector<1x16xi32> to vector<16xi32>
    %add3A_1545 = arith.constant 1 : i32
    %add3A_1546 = vector.broadcast %add3A_1545 : i32 to vector<16xi32>
    %add3A_1547 = arith.addi %get3A_1544, %add3A_1546 : vector<16xi32>
    %swap3A_1548 = arith.constant 197 : i32
    %swap3A_1549 = arith.index_cast %swap3A_1548 : i32 to index
    %swap3A_1550 = arith.constant 112 : index
    %swap3A_1551 = tpu.vector_load %arg5[%swap3A_1549, %swap3A_1550] {strides = array<i32>} : memref<200x128xi32, #tpu.memory_space<vmem>>, vector<1x16xi32>,
    %swap3A_1552 = vector.shape_cast %swap3A_1551 : vector<1x16xi32> to vector<16xi32>
    %swap3A_1553 = vector.shape_cast %add3A_1547 : vector<16xi32> to vector<1x16xi32>
    tpu.vector_store %arg5[%swap3A_1549, %swap3A_1550], %swap3A_1553 {strides = array<i32>} : memref<200x128xi32, #tpu.memory_space<vmem>>, vector<1x16xi32>,
    %dma_start3A_1554 = arith.constant 197 : i32
    %dma_start3A_1555 = arith.constant 128 : i32
    %dma_start3A_1556 = arith.constant 0 : i32
    %dma_start3A_1557 = tpu.memref_slice %arg8[%dma_start3A_1555, %dma_start3A_1556] : memref<256x128xf32, #tpu.memory_space<vmem>> -> memref<128x128xf32, #tpu.memory_space<vmem>>
    %dma_start3A_1558 = arith.constant 0 : i32
    %dma_start3A_1559 = tpu.memref_slice %arg5[%dma_start3A_1554, %dma_start3A_1558] : memref<200x128xi32, #tpu.memory_space<vmem>> -> memref<1x128xi32, #tpu.memory_space<vmem>>
    %dma_start3A_1560 = tpu.memref_squeeze %dma_start3A_1559 : memref<1x128xi32, #tpu.memory_space<vmem>> -> memref<128xi32, #tpu.memory_space<vmem>>
    %dma_start3A_1561 = arith.constant 0 : i32
    %dma_start3A_1562 = arith.constant 0 : i32
    %dma_start3A_1563 = tpu.memref_slice %arg3[%dma_start3A_1561, %dma_start3A_1562] : memref<100001x128xf32, #tpu.memory_space<hbm>> -> memref<100001x128xf32, #tpu.memory_space<hbm>>
    tpu.enqueue_indirect_dma source(%dma_start3A_1563 : memref<100001x128xf32, #tpu.memory_space<hbm>>) target(%dma_start3A_1557 : memref<128x128xf32, #tpu.memory_space<vmem>>) offsets(%dma_start3A_1560 : memref<128xi32, #tpu.memory_space<vmem>>) semaphore(%arg11 : memref<!tpu.dma_semaphore, #tpu.memory_space<semaphore_mem>>)
    %dma_wait3A_1564 = arith.constant 192 : i32
    %dma_wait3A_1565 = arith.constant 0 : i32
    %dma_wait3A_1566 = arith.constant 0 : i32
    %dma_wait3A_1567 = tpu.memref_slice %arg6[%dma_wait3A_1565, %dma_wait3A_1566] : memref<256x128xf32, #tpu.memory_space<vmem>> -> memref<128x128xf32, #tpu.memory_space<vmem>>
    %dma_wait3A_1568 = arith.constant 0 : i32
    %dma_wait3A_1569 = tpu.memref_slice %arg5[%dma_wait3A_1564, %dma_wait3A_1568] : memref<200x128xi32, #tpu.memory_space<vmem>> -> memref<1x128xi32, #tpu.memory_space<vmem>>
    %dma_wait3A_1570 = tpu.memref_squeeze %dma_wait3A_1569 : memref<1x128xi32, #tpu.memory_space<vmem>> -> memref<128xi32, #tpu.memory_space<vmem>>
    %dma_wait3A_1571 = arith.constant 0 : i32
    %dma_wait3A_1572 = arith.constant 0 : i32
    %dma_wait3A_1573 = tpu.memref_slice %arg3[%dma_wait3A_1571, %dma_wait3A_1572] : memref<100001x128xf32, #tpu.memory_space<hbm>> -> memref<100001x128xf32, #tpu.memory_space<hbm>>
    tpu.wait_indirect_dma semaphore(%arg9 : memref<!tpu.dma_semaphore, #tpu.memory_space<semaphore_mem>>) src(%dma_wait3A_1573 : memref<100001x128xf32, #tpu.memory_space<hbm>>) dst(%dma_wait3A_1567 : memref<128x128xf32, #tpu.memory_space<vmem>>)
    %dma_wait3A_1574 = arith.constant 193 : i32
    %dma_wait3A_1575 = arith.constant 128 : i32
    %dma_wait3A_1576 = arith.constant 0 : i32
    %dma_wait3A_1577 = tpu.memref_slice %arg6[%dma_wait3A_1575, %dma_wait3A_1576] : memref<256x128xf32, #tpu.memory_space<vmem>> -> memref<128x128xf32, #tpu.memory_space<vmem>>
    %dma_wait3A_1578 = arith.constant 0 : i32
    %dma_wait3A_1579 = tpu.memref_slice %arg5[%dma_wait3A_1574, %dma_wait3A_1578] : memref<200x128xi32, #tpu.memory_space<vmem>> -> memref<1x128xi32, #tpu.memory_space<vmem>>
    %dma_wait3A_1580 = tpu.memref_squeeze %dma_wait3A_1579 : memref<1x128xi32, #tpu.memory_space<vmem>> -> memref<128xi32, #tpu.memory_space<vmem>>
    %dma_wait3A_1581 = arith.constant 0 : i32
    %dma_wait3A_1582 = arith.constant 0 : i32
    %dma_wait3A_1583 = tpu.memref_slice %arg3[%dma_wait3A_1581, %dma_wait3A_1582] : memref<100001x128xf32, #tpu.memory_space<hbm>> -> memref<100001x128xf32, #tpu.memory_space<hbm>>
    tpu.wait_indirect_dma semaphore(%arg9 : memref<!tpu.dma_semaphore, #tpu.memory_space<semaphore_mem>>) src(%dma_wait3A_1583 : memref<100001x128xf32, #tpu.memory_space<hbm>>) dst(%dma_wait3A_1577 : memref<128x128xf32, #tpu.memory_space<vmem>>)
    %add3A_1584 = arith.constant 24576 : i32
    %add3A_1585 = arith.addi %mul3A_2, %add3A_1584 : i32
    %dma_start3A_1586 = arith.constant 0 : i32
    %dma_start3A_1587 = tpu.memref_slice %arg4[%add3A_1585, %dma_start3A_1586] : memref<819200x128xf32, #tpu.memory_space<hbm>> -> memref<256x128xf32, #tpu.memory_space<hbm>>
    %dma_start3A_1588 = arith.constant 0 : i32
    %dma_start3A_1589 = tpu.memref_slice %arg4[%add3A_1585, %dma_start3A_1588] : memref<819200x128xf32, #tpu.memory_space<hbm>> -> memref<256x128xf32, #tpu.memory_space<hbm>>
    tpu.enqueue_dma source(%arg6 : memref<256x128xf32, #tpu.memory_space<vmem>>) target(%dma_start3A_1589 : memref<256x128xf32, #tpu.memory_space<hbm>>) target_semaphore(%arg12 : memref<!tpu.dma_semaphore, #tpu.memory_space<semaphore_mem>>)
    %add3A_1590 = arith.constant 24576 : i32
    %add3A_1591 = arith.addi %mul3A_2, %add3A_1590 : i32
    %dma_wait3A_1592 = arith.constant 0 : i32
    %dma_wait3A_1593 = tpu.memref_slice %arg4[%add3A_1591, %dma_wait3A_1592] : memref<819200x128xf32, #tpu.memory_space<hbm>> -> memref<256x128xf32, #tpu.memory_space<hbm>>
    %dma_wait3A_1594 = arith.constant 0 : i32
    %dma_wait3A_1595 = tpu.memref_slice %arg4[%add3A_1591, %dma_wait3A_1594] : memref<819200x128xf32, #tpu.memory_space<hbm>> -> memref<256x128xf32, #tpu.memory_space<hbm>>
    tpu.wait_dma2 semaphore(%arg12 : memref<!tpu.dma_semaphore, #tpu.memory_space<semaphore_mem>>) src(%arg6 : memref<256x128xf32, #tpu.memory_space<vmem>>) dst(%dma_wait3A_1595 : memref<256x128xf32, #tpu.memory_space<hbm>>)
    %get3A_1596 = arith.constant 198 : i32
    %get3A_1597 = arith.index_cast %get3A_1596 : i32 to index
    %get3A_1598 = arith.constant 0 : index
    %get3A_1599 = tpu.vector_load %arg5[%get3A_1597, %get3A_1598] {strides = array<i32>} : memref<200x128xi32, #tpu.memory_space<vmem>>, vector<1x16xi32>,
    %get3A_1600 = vector.shape_cast %get3A_1599 : vector<1x16xi32> to vector<16xi32>
    %add3A_1601 = arith.constant 1 : i32
    %add3A_1602 = vector.broadcast %add3A_1601 : i32 to vector<16xi32>
    %add3A_1603 = arith.addi %get3A_1600, %add3A_1602 : vector<16xi32>
    %swap3A_1604 = arith.constant 198 : i32
    %swap3A_1605 = arith.index_cast %swap3A_1604 : i32 to index
    %swap3A_1606 = arith.constant 0 : index
    %swap3A_1607 = tpu.vector_load %arg5[%swap3A_1605, %swap3A_1606] {strides = array<i32>} : memref<200x128xi32, #tpu.memory_space<vmem>>, vector<1x16xi32>,
    %swap3A_1608 = vector.shape_cast %swap3A_1607 : vector<1x16xi32> to vector<16xi32>
    %swap3A_1609 = vector.shape_cast %add3A_1603 : vector<16xi32> to vector<1x16xi32>
    tpu.vector_store %arg5[%swap3A_1605, %swap3A_1606], %swap3A_1609 {strides = array<i32>} : memref<200x128xi32, #tpu.memory_space<vmem>>, vector<1x16xi32>,
    %get3A_1610 = arith.constant 198 : i32
    %get3A_1611 = arith.index_cast %get3A_1610 : i32 to index
    %get3A_1612 = arith.constant 16 : index
    %get3A_1613 = tpu.vector_load %arg5[%get3A_1611, %get3A_1612] {strides = array<i32>} : memref<200x128xi32, #tpu.memory_space<vmem>>, vector<1x16xi32>,
    %get3A_1614 = vector.shape_cast %get3A_1613 : vector<1x16xi32> to vector<16xi32>
    %add3A_1615 = arith.constant 1 : i32
    %add3A_1616 = vector.broadcast %add3A_1615 : i32 to vector<16xi32>
    %add3A_1617 = arith.addi %get3A_1614, %add3A_1616 : vector<16xi32>
    %swap3A_1618 = arith.constant 198 : i32
    %swap3A_1619 = arith.index_cast %swap3A_1618 : i32 to index
    %swap3A_1620 = arith.constant 16 : index
    %swap3A_1621 = tpu.vector_load %arg5[%swap3A_1619, %swap3A_1620] {strides = array<i32>} : memref<200x128xi32, #tpu.memory_space<vmem>>, vector<1x16xi32>,
    %swap3A_1622 = vector.shape_cast %swap3A_1621 : vector<1x16xi32> to vector<16xi32>
    %swap3A_1623 = vector.shape_cast %add3A_1617 : vector<16xi32> to vector<1x16xi32>
    tpu.vector_store %arg5[%swap3A_1619, %swap3A_1620], %swap3A_1623 {strides = array<i32>} : memref<200x128xi32, #tpu.memory_space<vmem>>, vector<1x16xi32>,
    %get3A_1624 = arith.constant 198 : i32
    %get3A_1625 = arith.index_cast %get3A_1624 : i32 to index
    %get3A_1626 = arith.constant 32 : index
    %get3A_1627 = tpu.vector_load %arg5[%get3A_1625, %get3A_1626] {strides = array<i32>} : memref<200x128xi32, #tpu.memory_space<vmem>>, vector<1x16xi32>,
    %get3A_1628 = vector.shape_cast %get3A_1627 : vector<1x16xi32> to vector<16xi32>
    %add3A_1629 = arith.constant 1 : i32
    %add3A_1630 = vector.broadcast %add3A_1629 : i32 to vector<16xi32>
    %add3A_1631 = arith.addi %get3A_1628, %add3A_1630 : vector<16xi32>
    %swap3A_1632 = arith.constant 198 : i32
    %swap3A_1633 = arith.index_cast %swap3A_1632 : i32 to index
    %swap3A_1634 = arith.constant 32 : index
    %swap3A_1635 = tpu.vector_load %arg5[%swap3A_1633, %swap3A_1634] {strides = array<i32>} : memref<200x128xi32, #tpu.memory_space<vmem>>, vector<1x16xi32>,
    %swap3A_1636 = vector.shape_cast %swap3A_1635 : vector<1x16xi32> to vector<16xi32>
    %swap3A_1637 = vector.shape_cast %add3A_1631 : vector<16xi32> to vector<1x16xi32>
    tpu.vector_store %arg5[%swap3A_1633, %swap3A_1634], %swap3A_1637 {strides = array<i32>} : memref<200x128xi32, #tpu.memory_space<vmem>>, vector<1x16xi32>,
    %get3A_1638 = arith.constant 198 : i32
    %get3A_1639 = arith.index_cast %get3A_1638 : i32 to index
    %get3A_1640 = arith.constant 48 : index
    %get3A_1641 = tpu.vector_load %arg5[%get3A_1639, %get3A_1640] {strides = array<i32>} : memref<200x128xi32, #tpu.memory_space<vmem>>, vector<1x16xi32>,
    %get3A_1642 = vector.shape_cast %get3A_1641 : vector<1x16xi32> to vector<16xi32>
    %add3A_1643 = arith.constant 1 : i32
    %add3A_1644 = vector.broadcast %add3A_1643 : i32 to vector<16xi32>
    %add3A_1645 = arith.addi %get3A_1642, %add3A_1644 : vector<16xi32>
    %swap3A_1646 = arith.constant 198 : i32
    %swap3A_1647 = arith.index_cast %swap3A_1646 : i32 to index
    %swap3A_1648 = arith.constant 48 : index
    %swap3A_1649 = tpu.vector_load %arg5[%swap3A_1647, %swap3A_1648] {strides = array<i32>} : memref<200x128xi32, #tpu.memory_space<vmem>>, vector<1x16xi32>,
    %swap3A_1650 = vector.shape_cast %swap3A_1649 : vector<1x16xi32> to vector<16xi32>
    %swap3A_1651 = vector.shape_cast %add3A_1645 : vector<16xi32> to vector<1x16xi32>
    tpu.vector_store %arg5[%swap3A_1647, %swap3A_1648], %swap3A_1651 {strides = array<i32>} : memref<200x128xi32, #tpu.memory_space<vmem>>, vector<1x16xi32>,
    %get3A_1652 = arith.constant 198 : i32
    %get3A_1653 = arith.index_cast %get3A_1652 : i32 to index
    %get3A_1654 = arith.constant 64 : index
    %get3A_1655 = tpu.vector_load %arg5[%get3A_1653, %get3A_1654] {strides = array<i32>} : memref<200x128xi32, #tpu.memory_space<vmem>>, vector<1x16xi32>,
    %get3A_1656 = vector.shape_cast %get3A_1655 : vector<1x16xi32> to vector<16xi32>
    %add3A_1657 = arith.constant 1 : i32
    %add3A_1658 = vector.broadcast %add3A_1657 : i32 to vector<16xi32>
    %add3A_1659 = arith.addi %get3A_1656, %add3A_1658 : vector<16xi32>
    %swap3A_1660 = arith.constant 198 : i32
    %swap3A_1661 = arith.index_cast %swap3A_1660 : i32 to index
    %swap3A_1662 = arith.constant 64 : index
    %swap3A_1663 = tpu.vector_load %arg5[%swap3A_1661, %swap3A_1662] {strides = array<i32>} : memref<200x128xi32, #tpu.memory_space<vmem>>, vector<1x16xi32>,
    %swap3A_1664 = vector.shape_cast %swap3A_1663 : vector<1x16xi32> to vector<16xi32>
    %swap3A_1665 = vector.shape_cast %add3A_1659 : vector<16xi32> to vector<1x16xi32>
    tpu.vector_store %arg5[%swap3A_1661, %swap3A_1662], %swap3A_1665 {strides = array<i32>} : memref<200x128xi32, #tpu.memory_space<vmem>>, vector<1x16xi32>,
    %get3A_1666 = arith.constant 198 : i32
    %get3A_1667 = arith.index_cast %get3A_1666 : i32 to index
    %get3A_1668 = arith.constant 80 : index
    %get3A_1669 = tpu.vector_load %arg5[%get3A_1667, %get3A_1668] {strides = array<i32>} : memref<200x128xi32, #tpu.memory_space<vmem>>, vector<1x16xi32>,
    %get3A_1670 = vector.shape_cast %get3A_1669 : vector<1x16xi32> to vector<16xi32>
    %add3A_1671 = arith.constant 1 : i32
    %add3A_1672 = vector.broadcast %add3A_1671 : i32 to vector<16xi32>
    %add3A_1673 = arith.addi %get3A_1670, %add3A_1672 : vector<16xi32>
    %swap3A_1674 = arith.constant 198 : i32
    %swap3A_1675 = arith.index_cast %swap3A_1674 : i32 to index
    %swap3A_1676 = arith.constant 80 : index
    %swap3A_1677 = tpu.vector_load %arg5[%swap3A_1675, %swap3A_1676] {strides = array<i32>} : memref<200x128xi32, #tpu.memory_space<vmem>>, vector<1x16xi32>,
    %swap3A_1678 = vector.shape_cast %swap3A_1677 : vector<1x16xi32> to vector<16xi32>
    %swap3A_1679 = vector.shape_cast %add3A_1673 : vector<16xi32> to vector<1x16xi32>
    tpu.vector_store %arg5[%swap3A_1675, %swap3A_1676], %swap3A_1679 {strides = array<i32>} : memref<200x128xi32, #tpu.memory_space<vmem>>, vector<1x16xi32>,
    %get3A_1680 = arith.constant 198 : i32
    %get3A_1681 = arith.index_cast %get3A_1680 : i32 to index
    %get3A_1682 = arith.constant 96 : index
    %get3A_1683 = tpu.vector_load %arg5[%get3A_1681, %get3A_1682] {strides = array<i32>} : memref<200x128xi32, #tpu.memory_space<vmem>>, vector<1x16xi32>,
    %get3A_1684 = vector.shape_cast %get3A_1683 : vector<1x16xi32> to vector<16xi32>
    %add3A_1685 = arith.constant 1 : i32
    %add3A_1686 = vector.broadcast %add3A_1685 : i32 to vector<16xi32>
    %add3A_1687 = arith.addi %get3A_1684, %add3A_1686 : vector<16xi32>
    %swap3A_1688 = arith.constant 198 : i32
    %swap3A_1689 = arith.index_cast %swap3A_1688 : i32 to index
    %swap3A_1690 = arith.constant 96 : index
    %swap3A_1691 = tpu.vector_load %arg5[%swap3A_1689, %swap3A_1690] {strides = array<i32>} : memref<200x128xi32, #tpu.memory_space<vmem>>, vector<1x16xi32>,
    %swap3A_1692 = vector.shape_cast %swap3A_1691 : vector<1x16xi32> to vector<16xi32>
    %swap3A_1693 = vector.shape_cast %add3A_1687 : vector<16xi32> to vector<1x16xi32>
    tpu.vector_store %arg5[%swap3A_1689, %swap3A_1690], %swap3A_1693 {strides = array<i32>} : memref<200x128xi32, #tpu.memory_space<vmem>>, vector<1x16xi32>,
    %get3A_1694 = arith.constant 198 : i32
    %get3A_1695 = arith.index_cast %get3A_1694 : i32 to index
    %get3A_1696 = arith.constant 112 : index
    %get3A_1697 = tpu.vector_load %arg5[%get3A_1695, %get3A_1696] {strides = array<i32>} : memref<200x128xi32, #tpu.memory_space<vmem>>, vector<1x16xi32>,
    %get3A_1698 = vector.shape_cast %get3A_1697 : vector<1x16xi32> to vector<16xi32>
    %add3A_1699 = arith.constant 1 : i32
    %add3A_1700 = vector.broadcast %add3A_1699 : i32 to vector<16xi32>
    %add3A_1701 = arith.addi %get3A_1698, %add3A_1700 : vector<16xi32>
    %swap3A_1702 = arith.constant 198 : i32
    %swap3A_1703 = arith.index_cast %swap3A_1702 : i32 to index
    %swap3A_1704 = arith.constant 112 : index
    %swap3A_1705 = tpu.vector_load %arg5[%swap3A_1703, %swap3A_1704] {strides = array<i32>} : memref<200x128xi32, #tpu.memory_space<vmem>>, vector<1x16xi32>,
    %swap3A_1706 = vector.shape_cast %swap3A_1705 : vector<1x16xi32> to vector<16xi32>
    %swap3A_1707 = vector.shape_cast %add3A_1701 : vector<16xi32> to vector<1x16xi32>
    tpu.vector_store %arg5[%swap3A_1703, %swap3A_1704], %swap3A_1707 {strides = array<i32>} : memref<200x128xi32, #tpu.memory_space<vmem>>, vector<1x16xi32>,
    %dma_start3A_1708 = arith.constant 198 : i32
    %dma_start3A_1709 = arith.constant 0 : i32
    %dma_start3A_1710 = arith.constant 0 : i32
    %dma_start3A_1711 = tpu.memref_slice %arg6[%dma_start3A_1709, %dma_start3A_1710] : memref<256x128xf32, #tpu.memory_space<vmem>> -> memref<128x128xf32, #tpu.memory_space<vmem>>
    %dma_start3A_1712 = arith.constant 0 : i32
    %dma_start3A_1713 = tpu.memref_slice %arg5[%dma_start3A_1708, %dma_start3A_1712] : memref<200x128xi32, #tpu.memory_space<vmem>> -> memref<1x128xi32, #tpu.memory_space<vmem>>
    %dma_start3A_1714 = tpu.memref_squeeze %dma_start3A_1713 : memref<1x128xi32, #tpu.memory_space<vmem>> -> memref<128xi32, #tpu.memory_space<vmem>>
    %dma_start3A_1715 = arith.constant 0 : i32
    %dma_start3A_1716 = arith.constant 0 : i32
    %dma_start3A_1717 = tpu.memref_slice %arg3[%dma_start3A_1715, %dma_start3A_1716] : memref<100001x128xf32, #tpu.memory_space<hbm>> -> memref<100001x128xf32, #tpu.memory_space<hbm>>
    tpu.enqueue_indirect_dma source(%dma_start3A_1717 : memref<100001x128xf32, #tpu.memory_space<hbm>>) target(%dma_start3A_1711 : memref<128x128xf32, #tpu.memory_space<vmem>>) offsets(%dma_start3A_1714 : memref<128xi32, #tpu.memory_space<vmem>>) semaphore(%arg9 : memref<!tpu.dma_semaphore, #tpu.memory_space<semaphore_mem>>)
    %get3A_1718 = arith.constant 199 : i32
    %get3A_1719 = arith.index_cast %get3A_1718 : i32 to index
    %get3A_1720 = arith.constant 0 : index
    %get3A_1721 = tpu.vector_load %arg5[%get3A_1719, %get3A_1720] {strides = array<i32>} : memref<200x128xi32, #tpu.memory_space<vmem>>, vector<1x16xi32>,
    %get3A_1722 = vector.shape_cast %get3A_1721 : vector<1x16xi32> to vector<16xi32>
    %add3A_1723 = arith.constant 1 : i32
    %add3A_1724 = vector.broadcast %add3A_1723 : i32 to vector<16xi32>
    %add3A_1725 = arith.addi %get3A_1722, %add3A_1724 : vector<16xi32>
    %swap3A_1726 = arith.constant 199 : i32
    %swap3A_1727 = arith.index_cast %swap3A_1726 : i32 to index
    %swap3A_1728 = arith.constant 0 : index
    %swap3A_1729 = tpu.vector_load %arg5[%swap3A_1727, %swap3A_1728] {strides = array<i32>} : memref<200x128xi32, #tpu.memory_space<vmem>>, vector<1x16xi32>,
    %swap3A_1730 = vector.shape_cast %swap3A_1729 : vector<1x16xi32> to vector<16xi32>
    %swap3A_1731 = vector.shape_cast %add3A_1725 : vector<16xi32> to vector<1x16xi32>
    tpu.vector_store %arg5[%swap3A_1727, %swap3A_1728], %swap3A_1731 {strides = array<i32>} : memref<200x128xi32, #tpu.memory_space<vmem>>, vector<1x16xi32>,
    %get3A_1732 = arith.constant 199 : i32
    %get3A_1733 = arith.index_cast %get3A_1732 : i32 to index
    %get3A_1734 = arith.constant 16 : index
    %get3A_1735 = tpu.vector_load %arg5[%get3A_1733, %get3A_1734] {strides = array<i32>} : memref<200x128xi32, #tpu.memory_space<vmem>>, vector<1x16xi32>,
    %get3A_1736 = vector.shape_cast %get3A_1735 : vector<1x16xi32> to vector<16xi32>
    %add3A_1737 = arith.constant 1 : i32
    %add3A_1738 = vector.broadcast %add3A_1737 : i32 to vector<16xi32>
    %add3A_1739 = arith.addi %get3A_1736, %add3A_1738 : vector<16xi32>
    %swap3A_1740 = arith.constant 199 : i32
    %swap3A_1741 = arith.index_cast %swap3A_1740 : i32 to index
    %swap3A_1742 = arith.constant 16 : index
    %swap3A_1743 = tpu.vector_load %arg5[%swap3A_1741, %swap3A_1742] {strides = array<i32>} : memref<200x128xi32, #tpu.memory_space<vmem>>, vector<1x16xi32>,
    %swap3A_1744 = vector.shape_cast %swap3A_1743 : vector<1x16xi32> to vector<16xi32>
    %swap3A_1745 = vector.shape_cast %add3A_1739 : vector<16xi32> to vector<1x16xi32>
    tpu.vector_store %arg5[%swap3A_1741, %swap3A_1742], %swap3A_1745 {strides = array<i32>} : memref<200x128xi32, #tpu.memory_space<vmem>>, vector<1x16xi32>,
    %get3A_1746 = arith.constant 199 : i32
    %get3A_1747 = arith.index_cast %get3A_1746 : i32 to index
    %get3A_1748 = arith.constant 32 : index
    %get3A_1749 = tpu.vector_load %arg5[%get3A_1747, %get3A_1748] {strides = array<i32>} : memref<200x128xi32, #tpu.memory_space<vmem>>, vector<1x16xi32>,
    %get3A_1750 = vector.shape_cast %get3A_1749 : vector<1x16xi32> to vector<16xi32>
    %add3A_1751 = arith.constant 1 : i32
    %add3A_1752 = vector.broadcast %add3A_1751 : i32 to vector<16xi32>
    %add3A_1753 = arith.addi %get3A_1750, %add3A_1752 : vector<16xi32>
    %swap3A_1754 = arith.constant 199 : i32
    %swap3A_1755 = arith.index_cast %swap3A_1754 : i32 to index
    %swap3A_1756 = arith.constant 32 : index
    %swap3A_1757 = tpu.vector_load %arg5[%swap3A_1755, %swap3A_1756] {strides = array<i32>} : memref<200x128xi32, #tpu.memory_space<vmem>>, vector<1x16xi32>,
    %swap3A_1758 = vector.shape_cast %swap3A_1757 : vector<1x16xi32> to vector<16xi32>
    %swap3A_1759 = vector.shape_cast %add3A_1753 : vector<16xi32> to vector<1x16xi32>
    tpu.vector_store %arg5[%swap3A_1755, %swap3A_1756], %swap3A_1759 {strides = array<i32>} : memref<200x128xi32, #tpu.memory_space<vmem>>, vector<1x16xi32>,
    %get3A_1760 = arith.constant 199 : i32
    %get3A_1761 = arith.index_cast %get3A_1760 : i32 to index
    %get3A_1762 = arith.constant 48 : index
    %get3A_1763 = tpu.vector_load %arg5[%get3A_1761, %get3A_1762] {strides = array<i32>} : memref<200x128xi32, #tpu.memory_space<vmem>>, vector<1x16xi32>,
    %get3A_1764 = vector.shape_cast %get3A_1763 : vector<1x16xi32> to vector<16xi32>
    %add3A_1765 = arith.constant 1 : i32
    %add3A_1766 = vector.broadcast %add3A_1765 : i32 to vector<16xi32>
    %add3A_1767 = arith.addi %get3A_1764, %add3A_1766 : vector<16xi32>
    %swap3A_1768 = arith.constant 199 : i32
    %swap3A_1769 = arith.index_cast %swap3A_1768 : i32 to index
    %swap3A_1770 = arith.constant 48 : index
    %swap3A_1771 = tpu.vector_load %arg5[%swap3A_1769, %swap3A_1770] {strides = array<i32>} : memref<200x128xi32, #tpu.memory_space<vmem>>, vector<1x16xi32>,
    %swap3A_1772 = vector.shape_cast %swap3A_1771 : vector<1x16xi32> to vector<16xi32>
    %swap3A_1773 = vector.shape_cast %add3A_1767 : vector<16xi32> to vector<1x16xi32>
    tpu.vector_store %arg5[%swap3A_1769, %swap3A_1770], %swap3A_1773 {strides = array<i32>} : memref<200x128xi32, #tpu.memory_space<vmem>>, vector<1x16xi32>,
    %get3A_1774 = arith.constant 199 : i32
    %get3A_1775 = arith.index_cast %get3A_1774 : i32 to index
    %get3A_1776 = arith.constant 64 : index
    %get3A_1777 = tpu.vector_load %arg5[%get3A_1775, %get3A_1776] {strides = array<i32>} : memref<200x128xi32, #tpu.memory_space<vmem>>, vector<1x16xi32>,
    %get3A_1778 = vector.shape_cast %get3A_1777 : vector<1x16xi32> to vector<16xi32>
    %add3A_1779 = arith.constant 1 : i32
    %add3A_1780 = vector.broadcast %add3A_1779 : i32 to vector<16xi32>
    %add3A_1781 = arith.addi %get3A_1778, %add3A_1780 : vector<16xi32>
    %swap3A_1782 = arith.constant 199 : i32
    %swap3A_1783 = arith.index_cast %swap3A_1782 : i32 to index
    %swap3A_1784 = arith.constant 64 : index
    %swap3A_1785 = tpu.vector_load %arg5[%swap3A_1783, %swap3A_1784] {strides = array<i32>} : memref<200x128xi32, #tpu.memory_space<vmem>>, vector<1x16xi32>,
    %swap3A_1786 = vector.shape_cast %swap3A_1785 : vector<1x16xi32> to vector<16xi32>
    %swap3A_1787 = vector.shape_cast %add3A_1781 : vector<16xi32> to vector<1x16xi32>
    tpu.vector_store %arg5[%swap3A_1783, %swap3A_1784], %swap3A_1787 {strides = array<i32>} : memref<200x128xi32, #tpu.memory_space<vmem>>, vector<1x16xi32>,
    %get3A_1788 = arith.constant 199 : i32
    %get3A_1789 = arith.index_cast %get3A_1788 : i32 to index
    %get3A_1790 = arith.constant 80 : index
    %get3A_1791 = tpu.vector_load %arg5[%get3A_1789, %get3A_1790] {strides = array<i32>} : memref<200x128xi32, #tpu.memory_space<vmem>>, vector<1x16xi32>,
    %get3A_1792 = vector.shape_cast %get3A_1791 : vector<1x16xi32> to vector<16xi32>
    %add3A_1793 = arith.constant 1 : i32
    %add3A_1794 = vector.broadcast %add3A_1793 : i32 to vector<16xi32>
    %add3A_1795 = arith.addi %get3A_1792, %add3A_1794 : vector<16xi32>
    %swap3A_1796 = arith.constant 199 : i32
    %swap3A_1797 = arith.index_cast %swap3A_1796 : i32 to index
    %swap3A_1798 = arith.constant 80 : index
    %swap3A_1799 = tpu.vector_load %arg5[%swap3A_1797, %swap3A_1798] {strides = array<i32>} : memref<200x128xi32, #tpu.memory_space<vmem>>, vector<1x16xi32>,
    %swap3A_1800 = vector.shape_cast %swap3A_1799 : vector<1x16xi32> to vector<16xi32>
    %swap3A_1801 = vector.shape_cast %add3A_1795 : vector<16xi32> to vector<1x16xi32>
    tpu.vector_store %arg5[%swap3A_1797, %swap3A_1798], %swap3A_1801 {strides = array<i32>} : memref<200x128xi32, #tpu.memory_space<vmem>>, vector<1x16xi32>,
    %get3A_1802 = arith.constant 199 : i32
    %get3A_1803 = arith.index_cast %get3A_1802 : i32 to index
    %get3A_1804 = arith.constant 96 : index
    %get3A_1805 = tpu.vector_load %arg5[%get3A_1803, %get3A_1804] {strides = array<i32>} : memref<200x128xi32, #tpu.memory_space<vmem>>, vector<1x16xi32>,
    %get3A_1806 = vector.shape_cast %get3A_1805 : vector<1x16xi32> to vector<16xi32>
    %add3A_1807 = arith.constant 1 : i32
    %add3A_1808 = vector.broadcast %add3A_1807 : i32 to vector<16xi32>
    %add3A_1809 = arith.addi %get3A_1806, %add3A_1808 : vector<16xi32>
    %swap3A_1810 = arith.constant 199 : i32
    %swap3A_1811 = arith.index_cast %swap3A_1810 : i32 to index
    %swap3A_1812 = arith.constant 96 : index
    %swap3A_1813 = tpu.vector_load %arg5[%swap3A_1811, %swap3A_1812] {strides = array<i32>} : memref<200x128xi32, #tpu.memory_space<vmem>>, vector<1x16xi32>,
    %swap3A_1814 = vector.shape_cast %swap3A_1813 : vector<1x16xi32> to vector<16xi32>
    %swap3A_1815 = vector.shape_cast %add3A_1809 : vector<16xi32> to vector<1x16xi32>
    tpu.vector_store %arg5[%swap3A_1811, %swap3A_1812], %swap3A_1815 {strides = array<i32>} : memref<200x128xi32, #tpu.memory_space<vmem>>, vector<1x16xi32>,
    %get3A_1816 = arith.constant 199 : i32
    %get3A_1817 = arith.index_cast %get3A_1816 : i32 to index
    %get3A_1818 = arith.constant 112 : index
    %get3A_1819 = tpu.vector_load %arg5[%get3A_1817, %get3A_1818] {strides = array<i32>} : memref<200x128xi32, #tpu.memory_space<vmem>>, vector<1x16xi32>,
    %get3A_1820 = vector.shape_cast %get3A_1819 : vector<1x16xi32> to vector<16xi32>
    %add3A_1821 = arith.constant 1 : i32
    %add3A_1822 = vector.broadcast %add3A_1821 : i32 to vector<16xi32>
    %add3A_1823 = arith.addi %get3A_1820, %add3A_1822 : vector<16xi32>
    %swap3A_1824 = arith.constant 199 : i32
    %swap3A_1825 = arith.index_cast %swap3A_1824 : i32 to index
    %swap3A_1826 = arith.constant 112 : index
    %swap3A_1827 = tpu.vector_load %arg5[%swap3A_1825, %swap3A_1826] {strides = array<i32>} : memref<200x128xi32, #tpu.memory_space<vmem>>, vector<1x16xi32>,
    %swap3A_1828 = vector.shape_cast %swap3A_1827 : vector<1x16xi32> to vector<16xi32>
    %swap3A_1829 = vector.shape_cast %add3A_1823 : vector<16xi32> to vector<1x16xi32>
    tpu.vector_store %arg5[%swap3A_1825, %swap3A_1826], %swap3A_1829 {strides = array<i32>} : memref<200x128xi32, #tpu.memory_space<vmem>>, vector<1x16xi32>,
    %dma_start3A_1830 = arith.constant 199 : i32
    %dma_start3A_1831 = arith.constant 128 : i32
    %dma_start3A_1832 = arith.constant 0 : i32
    %dma_start3A_1833 = tpu.memref_slice %arg6[%dma_start3A_1831, %dma_start3A_1832] : memref<256x128xf32, #tpu.memory_space<vmem>> -> memref<128x128xf32, #tpu.memory_space<vmem>>
    %dma_start3A_1834 = arith.constant 0 : i32
    %dma_start3A_1835 = tpu.memref_slice %arg5[%dma_start3A_1830, %dma_start3A_1834] : memref<200x128xi32, #tpu.memory_space<vmem>> -> memref<1x128xi32, #tpu.memory_space<vmem>>
    %dma_start3A_1836 = tpu.memref_squeeze %dma_start3A_1835 : memref<1x128xi32, #tpu.memory_space<vmem>> -> memref<128xi32, #tpu.memory_space<vmem>>
    %dma_start3A_1837 = arith.constant 0 : i32
    %dma_start3A_1838 = arith.constant 0 : i32
    %dma_start3A_1839 = tpu.memref_slice %arg3[%dma_start3A_1837, %dma_start3A_1838] : memref<100001x128xf32, #tpu.memory_space<hbm>> -> memref<100001x128xf32, #tpu.memory_space<hbm>>
    tpu.enqueue_indirect_dma source(%dma_start3A_1839 : memref<100001x128xf32, #tpu.memory_space<hbm>>) target(%dma_start3A_1833 : memref<128x128xf32, #tpu.memory_space<vmem>>) offsets(%dma_start3A_1836 : memref<128xi32, #tpu.memory_space<vmem>>) semaphore(%arg9 : memref<!tpu.dma_semaphore, #tpu.memory_space<semaphore_mem>>)
    %dma_wait3A_1840 = arith.constant 194 : i32
    %dma_wait3A_1841 = arith.constant 0 : i32
    %dma_wait3A_1842 = arith.constant 0 : i32
    %dma_wait3A_1843 = tpu.memref_slice %arg7[%dma_wait3A_1841, %dma_wait3A_1842] : memref<256x128xf32, #tpu.memory_space<vmem>> -> memref<128x128xf32, #tpu.memory_space<vmem>>
    %dma_wait3A_1844 = arith.constant 0 : i32
    %dma_wait3A_1845 = tpu.memref_slice %arg5[%dma_wait3A_1840, %dma_wait3A_1844] : memref<200x128xi32, #tpu.memory_space<vmem>> -> memref<1x128xi32, #tpu.memory_space<vmem>>
    %dma_wait3A_1846 = tpu.memref_squeeze %dma_wait3A_1845 : memref<1x128xi32, #tpu.memory_space<vmem>> -> memref<128xi32, #tpu.memory_space<vmem>>
    %dma_wait3A_1847 = arith.constant 0 : i32
    %dma_wait3A_1848 = arith.constant 0 : i32
    %dma_wait3A_1849 = tpu.memref_slice %arg3[%dma_wait3A_1847, %dma_wait3A_1848] : memref<100001x128xf32, #tpu.memory_space<hbm>> -> memref<100001x128xf32, #tpu.memory_space<hbm>>
    tpu.wait_indirect_dma semaphore(%arg10 : memref<!tpu.dma_semaphore, #tpu.memory_space<semaphore_mem>>) src(%dma_wait3A_1849 : memref<100001x128xf32, #tpu.memory_space<hbm>>) dst(%dma_wait3A_1843 : memref<128x128xf32, #tpu.memory_space<vmem>>)
    %dma_wait3A_1850 = arith.constant 195 : i32
    %dma_wait3A_1851 = arith.constant 128 : i32
    %dma_wait3A_1852 = arith.constant 0 : i32
    %dma_wait3A_1853 = tpu.memref_slice %arg7[%dma_wait3A_1851, %dma_wait3A_1852] : memref<256x128xf32, #tpu.memory_space<vmem>> -> memref<128x128xf32, #tpu.memory_space<vmem>>
    %dma_wait3A_1854 = arith.constant 0 : i32
    %dma_wait3A_1855 = tpu.memref_slice %arg5[%dma_wait3A_1850, %dma_wait3A_1854] : memref<200x128xi32, #tpu.memory_space<vmem>> -> memref<1x128xi32, #tpu.memory_space<vmem>>
    %dma_wait3A_1856 = tpu.memref_squeeze %dma_wait3A_1855 : memref<1x128xi32, #tpu.memory_space<vmem>> -> memref<128xi32, #tpu.memory_space<vmem>>
    %dma_wait3A_1857 = arith.constant 0 : i32
    %dma_wait3A_1858 = arith.constant 0 : i32
    %dma_wait3A_1859 = tpu.memref_slice %arg3[%dma_wait3A_1857, %dma_wait3A_1858] : memref<100001x128xf32, #tpu.memory_space<hbm>> -> memref<100001x128xf32, #tpu.memory_space<hbm>>
    tpu.wait_indirect_dma semaphore(%arg10 : memref<!tpu.dma_semaphore, #tpu.memory_space<semaphore_mem>>) src(%dma_wait3A_1859 : memref<100001x128xf32, #tpu.memory_space<hbm>>) dst(%dma_wait3A_1853 : memref<128x128xf32, #tpu.memory_space<vmem>>)
    %add3A_1860 = arith.constant 24832 : i32
    %add3A_1861 = arith.addi %mul3A_2, %add3A_1860 : i32
    %dma_start3A_1862 = arith.constant 0 : i32
    %dma_start3A_1863 = tpu.memref_slice %arg4[%add3A_1861, %dma_start3A_1862] : memref<819200x128xf32, #tpu.memory_space<hbm>> -> memref<256x128xf32, #tpu.memory_space<hbm>>
    %dma_start3A_1864 = arith.constant 0 : i32
    %dma_start3A_1865 = tpu.memref_slice %arg4[%add3A_1861, %dma_start3A_1864] : memref<819200x128xf32, #tpu.memory_space<hbm>> -> memref<256x128xf32, #tpu.memory_space<hbm>>
    tpu.enqueue_dma source(%arg7 : memref<256x128xf32, #tpu.memory_space<vmem>>) target(%dma_start3A_1865 : memref<256x128xf32, #tpu.memory_space<hbm>>) target_semaphore(%arg13 : memref<!tpu.dma_semaphore, #tpu.memory_space<semaphore_mem>>)
    %dma_wait3A_1866 = arith.constant 196 : i32
    %dma_wait3A_1867 = arith.constant 0 : i32
    %dma_wait3A_1868 = arith.constant 0 : i32
    %dma_wait3A_1869 = tpu.memref_slice %arg8[%dma_wait3A_1867, %dma_wait3A_1868] : memref<256x128xf32, #tpu.memory_space<vmem>> -> memref<128x128xf32, #tpu.memory_space<vmem>>
    %dma_wait3A_1870 = arith.constant 0 : i32
    %dma_wait3A_1871 = tpu.memref_slice %arg5[%dma_wait3A_1866, %dma_wait3A_1870] : memref<200x128xi32, #tpu.memory_space<vmem>> -> memref<1x128xi32, #tpu.memory_space<vmem>>
    %dma_wait3A_1872 = tpu.memref_squeeze %dma_wait3A_1871 : memref<1x128xi32, #tpu.memory_space<vmem>> -> memref<128xi32, #tpu.memory_space<vmem>>
    %dma_wait3A_1873 = arith.constant 0 : i32
    %dma_wait3A_1874 = arith.constant 0 : i32
    %dma_wait3A_1875 = tpu.memref_slice %arg3[%dma_wait3A_1873, %dma_wait3A_1874] : memref<100001x128xf32, #tpu.memory_space<hbm>> -> memref<100001x128xf32, #tpu.memory_space<hbm>>
    tpu.wait_indirect_dma semaphore(%arg11 : memref<!tpu.dma_semaphore, #tpu.memory_space<semaphore_mem>>) src(%dma_wait3A_1875 : memref<100001x128xf32, #tpu.memory_space<hbm>>) dst(%dma_wait3A_1869 : memref<128x128xf32, #tpu.memory_space<vmem>>)
    %dma_wait3A_1876 = arith.constant 197 : i32
    %dma_wait3A_1877 = arith.constant 128 : i32
    %dma_wait3A_1878 = arith.constant 0 : i32
    %dma_wait3A_1879 = tpu.memref_slice %arg8[%dma_wait3A_1877, %dma_wait3A_1878] : memref<256x128xf32, #tpu.memory_space<vmem>> -> memref<128x128xf32, #tpu.memory_space<vmem>>
    %dma_wait3A_1880 = arith.constant 0 : i32
    %dma_wait3A_1881 = tpu.memref_slice %arg5[%dma_wait3A_1876, %dma_wait3A_1880] : memref<200x128xi32, #tpu.memory_space<vmem>> -> memref<1x128xi32, #tpu.memory_space<vmem>>
    %dma_wait3A_1882 = tpu.memref_squeeze %dma_wait3A_1881 : memref<1x128xi32, #tpu.memory_space<vmem>> -> memref<128xi32, #tpu.memory_space<vmem>>
    %dma_wait3A_1883 = arith.constant 0 : i32
    %dma_wait3A_1884 = arith.constant 0 : i32
    %dma_wait3A_1885 = tpu.memref_slice %arg3[%dma_wait3A_1883, %dma_wait3A_1884] : memref<100001x128xf32, #tpu.memory_space<hbm>> -> memref<100001x128xf32, #tpu.memory_space<hbm>>
    tpu.wait_indirect_dma semaphore(%arg11 : memref<!tpu.dma_semaphore, #tpu.memory_space<semaphore_mem>>) src(%dma_wait3A_1885 : memref<100001x128xf32, #tpu.memory_space<hbm>>) dst(%dma_wait3A_1879 : memref<128x128xf32, #tpu.memory_space<vmem>>)
    %add3A_1886 = arith.constant 25088 : i32
    %add3A_1887 = arith.addi %mul3A_2, %add3A_1886 : i32
    %dma_start3A_1888 = arith.constant 0 : i32
    %dma_start3A_1889 = tpu.memref_slice %arg4[%add3A_1887, %dma_start3A_1888] : memref<819200x128xf32, #tpu.memory_space<hbm>> -> memref<256x128xf32, #tpu.memory_space<hbm>>
    %dma_start3A_1890 = arith.constant 0 : i32
    %dma_start3A_1891 = tpu.memref_slice %arg4[%add3A_1887, %dma_start3A_1890] : memref<819200x128xf32, #tpu.memory_space<hbm>> -> memref<256x128xf32, #tpu.memory_space<hbm>>
    tpu.enqueue_dma source(%arg8 : memref<256x128xf32, #tpu.memory_space<vmem>>) target(%dma_start3A_1891 : memref<256x128xf32, #tpu.memory_space<hbm>>) target_semaphore(%arg14 : memref<!tpu.dma_semaphore, #tpu.memory_space<semaphore_mem>>)
    %dma_wait3A_1892 = arith.constant 198 : i32
    %dma_wait3A_1893 = arith.constant 0 : i32
    %dma_wait3A_1894 = arith.constant 0 : i32
    %dma_wait3A_1895 = tpu.memref_slice %arg6[%dma_wait3A_1893, %dma_wait3A_1894] : memref<256x128xf32, #tpu.memory_space<vmem>> -> memref<128x128xf32, #tpu.memory_space<vmem>>
    %dma_wait3A_1896 = arith.constant 0 : i32
    %dma_wait3A_1897 = tpu.memref_slice %arg5[%dma_wait3A_1892, %dma_wait3A_1896] : memref<200x128xi32, #tpu.memory_space<vmem>> -> memref<1x128xi32, #tpu.memory_space<vmem>>
    %dma_wait3A_1898 = tpu.memref_squeeze %dma_wait3A_1897 : memref<1x128xi32, #tpu.memory_space<vmem>> -> memref<128xi32, #tpu.memory_space<vmem>>
    %dma_wait3A_1899 = arith.constant 0 : i32
    %dma_wait3A_1900 = arith.constant 0 : i32
    %dma_wait3A_1901 = tpu.memref_slice %arg3[%dma_wait3A_1899, %dma_wait3A_1900] : memref<100001x128xf32, #tpu.memory_space<hbm>> -> memref<100001x128xf32, #tpu.memory_space<hbm>>
    tpu.wait_indirect_dma semaphore(%arg9 : memref<!tpu.dma_semaphore, #tpu.memory_space<semaphore_mem>>) src(%dma_wait3A_1901 : memref<100001x128xf32, #tpu.memory_space<hbm>>) dst(%dma_wait3A_1895 : memref<128x128xf32, #tpu.memory_space<vmem>>)
    %dma_wait3A_1902 = arith.constant 199 : i32
    %dma_wait3A_1903 = arith.constant 128 : i32
    %dma_wait3A_1904 = arith.constant 0 : i32
    %dma_wait3A_1905 = tpu.memref_slice %arg6[%dma_wait3A_1903, %dma_wait3A_1904] : memref<256x128xf32, #tpu.memory_space<vmem>> -> memref<128x128xf32, #tpu.memory_space<vmem>>
    %dma_wait3A_1906 = arith.constant 0 : i32
    %dma_wait3A_1907 = tpu.memref_slice %arg5[%dma_wait3A_1902, %dma_wait3A_1906] : memref<200x128xi32, #tpu.memory_space<vmem>> -> memref<1x128xi32, #tpu.memory_space<vmem>>
    %dma_wait3A_1908 = tpu.memref_squeeze %dma_wait3A_1907 : memref<1x128xi32, #tpu.memory_space<vmem>> -> memref<128xi32, #tpu.memory_space<vmem>>
    %dma_wait3A_1909 = arith.constant 0 : i32
    %dma_wait3A_1910 = arith.constant 0 : i32
    %dma_wait3A_1911 = tpu.memref_slice %arg3[%dma_wait3A_1909, %dma_wait3A_1910] : memref<100001x128xf32, #tpu.memory_space<hbm>> -> memref<100001x128xf32, #tpu.memory_space<hbm>>
    tpu.wait_indirect_dma semaphore(%arg9 : memref<!tpu.dma_semaphore, #tpu.memory_space<semaphore_mem>>) src(%dma_wait3A_1911 : memref<100001x128xf32, #tpu.memory_space<hbm>>) dst(%dma_wait3A_1905 : memref<128x128xf32, #tpu.memory_space<vmem>>)
    %add3A_1912 = arith.constant 25344 : i32
    %add3A_1913 = arith.addi %mul3A_2, %add3A_1912 : i32
    %dma_start3A_1914 = arith.constant 0 : i32
    %dma_start3A_1915 = tpu.memref_slice %arg4[%add3A_1913, %dma_start3A_1914] : memref<819200x128xf32, #tpu.memory_space<hbm>> -> memref<256x128xf32, #tpu.memory_space<hbm>>
    %dma_start3A_1916 = arith.constant 0 : i32
    %dma_start3A_1917 = tpu.memref_slice %arg4[%add3A_1913, %dma_start3A_1916] : memref<819200x128xf32, #tpu.memory_space<hbm>> -> memref<256x128xf32, #tpu.memory_space<hbm>>
    tpu.enqueue_dma source(%arg6 : memref<256x128xf32, #tpu.memory_space<vmem>>) target(%dma_start3A_1917 : memref<256x128xf32, #tpu.memory_space<hbm>>) target_semaphore(%arg12 : memref<!tpu.dma_semaphore, #tpu.memory_space<semaphore_mem>>)
    %add3A_1918 = arith.constant 24832 : i32
    %add3A_1919 = arith.addi %mul3A_2, %add3A_1918 : i32
    %dma_wait3A_1920 = arith.constant 0 : i32
    %dma_wait3A_1921 = tpu.memref_slice %arg4[%add3A_1919, %dma_wait3A_1920] : memref<819200x128xf32, #tpu.memory_space<hbm>> -> memref<256x128xf32, #tpu.memory_space<hbm>>
    %dma_wait3A_1922 = arith.constant 0 : i32
    %dma_wait3A_1923 = tpu.memref_slice %arg4[%add3A_1919, %dma_wait3A_1922] : memref<819200x128xf32, #tpu.memory_space<hbm>> -> memref<256x128xf32, #tpu.memory_space<hbm>>
    tpu.wait_dma2 semaphore(%arg13 : memref<!tpu.dma_semaphore, #tpu.memory_space<semaphore_mem>>) src(%arg7 : memref<256x128xf32, #tpu.memory_space<vmem>>) dst(%dma_wait3A_1923 : memref<256x128xf32, #tpu.memory_space<hbm>>)
    %add3A_1924 = arith.constant 25088 : i32
    %add3A_1925 = arith.addi %mul3A_2, %add3A_1924 : i32
    %dma_wait3A_1926 = arith.constant 0 : i32
    %dma_wait3A_1927 = tpu.memref_slice %arg4[%add3A_1925, %dma_wait3A_1926] : memref<819200x128xf32, #tpu.memory_space<hbm>> -> memref<256x128xf32, #tpu.memory_space<hbm>>
    %dma_wait3A_1928 = arith.constant 0 : i32
    %dma_wait3A_1929 = tpu.memref_slice %arg4[%add3A_1925, %dma_wait3A_1928] : memref<819200x128xf32, #tpu.memory_space<hbm>> -> memref<256x128xf32, #tpu.memory_space<hbm>>
    tpu.wait_dma2 semaphore(%arg14 : memref<!tpu.dma_semaphore, #tpu.memory_space<semaphore_mem>>) src(%arg8 : memref<256x128xf32, #tpu.memory_space<vmem>>) dst(%dma_wait3A_1929 : memref<256x128xf32, #tpu.memory_space<hbm>>)
    %add3A_1930 = arith.constant 25344 : i32
    %add3A_1931 = arith.addi %mul3A_2, %add3A_1930 : i32
    %dma_wait3A_1932 = arith.constant 0 : i32
    %dma_wait3A_1933 = tpu.memref_slice %arg4[%add3A_1931, %dma_wait3A_1932] : memref<819200x128xf32, #tpu.memory_space<hbm>> -> memref<256x128xf32, #tpu.memory_space<hbm>>
    %dma_wait3A_1934 = arith.constant 0 : i32
    %dma_wait3A_1935 = tpu.memref_slice %arg4[%add3A_1931, %dma_wait3A_1934] : memref<819200x128xf32, #tpu.memory_space<hbm>> -> memref<256x128xf32, #tpu.memory_space<hbm>>
    tpu.wait_dma2 semaphore(%arg12 : memref<!tpu.dma_semaphore, #tpu.memory_space<semaphore_mem>>) src(%arg6 : memref<256x128xf32, #tpu.memory_space<vmem>>) dst(%dma_wait3A_1935 : memref<256x128xf32, #tpu.memory_space<hbm>>)
    return
  }
}

module attributes {stable_mosaic.version = 14 : i64} {
  func.func @_project_body(%arg0: i32, %arg1: memref<14336x128xf32, #tpu.memory_space<vmem>>, %arg2: memref<128x128xf32, #tpu.memory_space<vmem>>, %arg3: memref<1x128xf32, #tpu.memory_space<vmem>>, %arg4: memref<14336x128xf32, #tpu.memory_space<vmem>>) attributes {dimension_semantics = [#tpu.dimension_semantics<arbitrary>], iteration_bounds = array<i64: 7>, scalar_prefetch = 0 : i64, scratch_operands = 0 : i64, tpu.core_type = #tpu.core_type<tc>, window_params = [{transform_indices = @transform_0, window_bounds = array<i64: 14336, 128>}, {pipeline_mode = #tpu.pipeline_mode<synchronous>, transform_indices = @transform_1, window_bounds = array<i64: 128, 128>}, {pipeline_mode = #tpu.pipeline_mode<synchronous>, transform_indices = @transform_2, window_bounds = array<i64: 1, 128>}, {transform_indices = @transform_3, window_bounds = array<i64: 14336, 128>}]} {
    %get3A = arith.constant 0 : index
    %get3A_0 = arith.constant 0 : index
    %get3A_1 = vector.load %arg1[%get3A, %get3A_0] : memref<14336x128xf32, #tpu.memory_space<vmem>>, vector<14336x128xf32>
    %get3A_2 = arith.constant 0 : index
    %get3A_3 = arith.constant 0 : index
    %get3A_4 = vector.load %arg2[%get3A_2, %get3A_3] : memref<128x128xf32, #tpu.memory_space<vmem>>, vector<128x128xf32>
    %dot_general3A = arith.constant dense<0.000000e+00> : vector<14336x128xf32>
    %dot_general3A_5 = tpu.matmul %get3A_1, %get3A_4, %dot_general3A {dimension_numbers = #tpu.dot_dimension_numbers<[1], [1], [0], [0], [0, 0, 1, 0], [], []>, transpose_lhs_hint = false} : vector<14336x128xf32>, vector<128x128xf32>, vector<14336x128xf32> -> vector<14336x128xf32>
    %get3A_6 = arith.constant 0 : index
    %get3A_7 = arith.constant 0 : index
    %get3A_8 = vector.load %arg3[%get3A_6, %get3A_7] : memref<1x128xf32, #tpu.memory_space<vmem>>, vector<1x128xf32>
    %add3A = vector.broadcast %get3A_8 : vector<1x128xf32> to vector<14336x128xf32>
    %add3A_9 = arith.addf %dot_general3A_5, %add3A : vector<14336x128xf32>
    %mul3A = arith.mulf %add3A_9, %add3A_9 : vector<14336x128xf32>
    %reduce_sum3A = arith.constant dense<0.000000e+00> : vector<14336xf32>
    %reduce_sum3A_10 = vector.multi_reduction <add>, %mul3A, %reduce_sum3A [1] : vector<14336x128xf32> to vector<14336xf32>
    %broadcast_in_dim3A = vector.shape_cast %reduce_sum3A_10 : vector<14336xf32> to vector<14336x1xf32>
    %max3A = arith.constant 1.000000e-24 : f32
    %max3A_11 = vector.broadcast %max3A : f32 to vector<14336x1xf32>
    %max3A_12 = arith.maximumf %broadcast_in_dim3A, %max3A_11 : vector<14336x1xf32>
    %rsqrt3A = math.rsqrt %max3A_12 : vector<14336x1xf32>
    %mul3A_13 = vector.broadcast %rsqrt3A : vector<14336x1xf32> to vector<14336x128xf32>
    %mul3A_14 = arith.mulf %add3A_9, %mul3A_13 : vector<14336x128xf32>
    %swap3A = arith.constant 0 : index
    %swap3A_15 = arith.constant 0 : index
    %swap3A_16 = vector.load %arg4[%swap3A, %swap3A_15] : memref<14336x128xf32, #tpu.memory_space<vmem>>, vector<14336x128xf32>
    tpu.vector_store %arg4[%swap3A, %swap3A_15], %mul3A_14 {strides = array<i32>} : memref<14336x128xf32, #tpu.memory_space<vmem>>, vector<14336x128xf32>,
    return
  }
  func.func @transform_0(%arg0: i32) -> (i32, i32) {
    %c0_i32 = arith.constant 0 : i32
    %c0_i32_0 = arith.constant 0 : i32
    return %arg0, %c0_i32 : i32, i32
  }
  func.func @transform_1(%arg0: i32) -> (i32, i32) {
    %c0_i32 = arith.constant 0 : i32
    %c0_i32_0 = arith.constant 0 : i32
    %c0_i32_1 = arith.constant 0 : i32
    return %c0_i32, %c0_i32_0 : i32, i32
  }
  func.func @transform_2(%arg0: i32) -> (i32, i32) {
    %c0_i32 = arith.constant 0 : i32
    %c0_i32_0 = arith.constant 0 : i32
    %c0_i32_1 = arith.constant 0 : i32
    return %c0_i32, %c0_i32_0 : i32, i32
  }
  func.func @transform_3(%arg0: i32) -> (i32, i32) {
    %c0_i32 = arith.constant 0 : i32
    %c0_i32_0 = arith.constant 0 : i32
    return %arg0, %c0_i32 : i32, i32
  }
}

</mosaic_0001>

<sc_bundles>
// kernel: kernel.4.cloned.1.call-start
scs
__scs_entry_jumppad:
0x0: {  	(pc) =	sbr.rel $0x88, $3  }
0x1: {  	(tag) =	ssettag $0x0;
	lr =	simm.s32 $0x1  }
0x2: {  	[smem:$0x3F9D] =	sst lr;
	_ =	strace $0xD0000000  }
0x3: {  	_ = 	snop  }
0x4: {  	_ = 	snop  }
0x5: {  	_ = 	snop  }
0x6: {  	_ = 	snop  }
0x7: {  	_ = 	snop  }
__scs_overlays_trampoline_lowered:
0x8: {  	[smem:$0x3FAC] =	sst s0  }
0x9: {  	[smem:$0x3FAD] =	sst s1  }
0xa: {  	[smem:$0x3FAE] =	sst s2  }
0xb: {  	[smem:$0x3FAF] =	sst s3  }
0xc: {  	[smem:$0x3FB0] =	sst s4  }
0xd: {  	[smem:$0x3FB1] =	sst s5  }
0xe: {  	[smem:$0x3FB2] =	sst s6  }
0xf: {  	[smem:$0x3FB3] =	sst s7  }
0x10: {  	[smem:$0x3FB4] =	sst s8  }
0x11: {  	[smem:$0x3FB5] =	sst s9;
	s0 =	simm.s32 @!p0 $0x0  }
0x12: {  	s1 =	sld [smem:$0x3F9B];
	s0 =	simm.s32 @p0 $0x1  }
0x13: {  	[smem:$0x3FB6] =	sst s0;
	s0 =	simm.s32 @!p1 $0x0  }
0x14: {  	s2 =	sld [smem:$0x3F9A];
	s0 =	simm.s32 @p1 $0x1  }
0x15: {  	[smem:$0x3FB7] =	sst s0;
	s0 =	simm.s32 @!p2 $0x0  }
0x16: {  	s3 =	sld [smem:$0x3FDB];
	s0 =	simm.s32 @p2 $0x1  }
0x17: {  	s4 =	simm.s32 $0x1BF5;
	[smem:$0x3FB9] =	sst s0  }
0x18: {  	s0 =	sld [smem:$0x3F9C];
	_ =	swait.ge [sflag:s4], $0x0  }
0x19: {  	s7 =	sld [smem:$0x3F9D]  }
0x1a: {  	s8 =	sadd.s32 $0xFFFFE003, lr  }
0x1b: {  	s9 =	sadd.s32 $0xFFFFFEF7, lr;
	s5 =	simm.s32 $0xFFFFFFFF;
	p2 =	slt.u32 s8, $0xFFFFF086  }
0x1c: {  	p1 =	slt.u32 s9, $0xF7A;
	s5 =	simm.s32 @!p2 $0x0  }
0x1d: {  	s5 =	simm.s32 @p1 $0x1;
	p0 =	seq.s32 s7, s2  }
0x1e: {  	s7 =	smul.u32 @!p0 $0xF7A, s2;
	p2 =	seq.s32 @!p0 s5, $0x0  }
0x1f: {  	s9 =	smul.u32 $0xF7A, s1;
	s8 =	simm.s32 @!p0 $0x1BF5;
	p2 =	por !p2, p0  }
0x20: {  	[sflag:s8] =	ssyncset.s32 @!p0 $0xFFFFF086;
	s6 =	sadd.s32 @!p0 s3, s7;
	s7 =	simm.s32 @!p0 $0x108  }
0x21: {  	s3 =	sadd.s32 s3, s9;
	s6 =	sadd.s32 @!p0 $0x88, s6;
	s7 =	simm.s32 @p2 $0x1082  }
0x22: {  	[simem:s7], [sflag:s8] =	dma.local @!p0 [hbm:s6], $0xF7A  }
0x23: {  	s9 =	sor.u32 $0xD0000000, s2;
	s6 =	simm.s32 $0x108;
	_ =	swait.ge @!p0 [sflag:s8], $0x0  }
0x24: {  	s3 =	sadd.s32 $0x88, s3;
	s6 =	simm.s32 @!p1 $0x1082;
	[sflag:s4] =	ssyncset.s32 $0xFFFFF086  }
0x25: {  	[simem:s6], [sflag:s4] =	dma.local [hbm:s3], $0xF7A  }
0x26: {  	[smem:$0x3F9D] =	sst s1;
	(tag) =	ssettag s2;
	_ =	strace s9  }
0x27: {  	s1 =	sld [smem:$0x3FAD]  }
0x28: {  	s2 =	sld [smem:$0x3FAE]  }
0x29: {  	s4 =	sld [smem:$0x3FB0]  }
0x2a: {  	p0 =	seq.s32 s5, $0x0;
	s5 =	sld [smem:$0x3FB1]  }
0x2b: {  	s6 =	sld [smem:$0x3FB2]  }
0x2c: {  	s7 =	sld [smem:$0x3FB3]  }
0x2d: {  	s3 =	simm.s32 $0x108;
	s8 =	sld [smem:$0x3FB4]  }
0x2e: {  	s3 =	simm.s32 @!p0 $0x1082;
	s9 =	sld [smem:$0x3FB5]  }
0x2f: {  	lr =	sadd.s32 s0, s3;
	s0 =	sld [smem:$0x3FAC]  }
0x30: {  	s3 =	sld [smem:$0x3FAF]  }
0x31: {  	[smem:$0x3FB8] =	sst s10  }
0x32: {  	s10 =	sld [smem:$0x3FB6];
	_ =	sdelay $0x3  }
0x33: {  	p0 =	seq.s32 s10, $0x1;
	s10 =	sld [smem:$0x3FB8];
	_ =	sdelay $0x3  }
0x34: {  	[smem:$0x3FB8] =	sst s10  }
0x35: {  	s10 =	sld [smem:$0x3FB7];
	_ =	sdelay $0x3  }
0x36: {  	p1 =	seq.s32 s10, $0x1;
	s10 =	sld [smem:$0x3FB8];
	_ =	sdelay $0x3  }
0x37: {  	[smem:$0x3FB8] =	sst s10  }
0x38: {  	s10 =	sld [smem:$0x3FB9]  }
0x39: {  	_ = 	snop;
	(pc) =	sbr.ind lr, $3  }
0x3a: {  	_ = 	snop  }
0x3b: {  	_ = 	snop  }
0x3c: {  	p2 =	seq.s32 s10, $0x1;
	s10 =	sld [smem:$0x3FB8]  }
0x3d: {  	_ =	shalt  }
0x3e: {  	_ =	shalt  }
0x3f: {  	_ =	shalt  }
0x40: {  	_ =	shalt  }
0x41: {  	_ =	shalt  }
0x42: {  	_ =	shalt  }
0x43: {  	_ =	shalt  }
0x44: {  	_ =	shalt  }
0x45: {  	_ =	shalt  }
0x46: {  	_ =	shalt  }
0x47: {  	_ =	shalt  }
0x48: {  	_ =	shalt  }
0x49: {  	_ =	shalt  }
0x4a: {  	_ =	shalt  }
0x4b: {  	_ =	shalt  }
0x4c: {  	_ =	shalt  }
0x4d: {  	_ =	shalt  }
0x4e: {  	_ =	shalt  }
0x4f: {  	_ =	shalt  }
0x50: {  	_ =	shalt  }
0x51: {  	_ =	shalt  }
0x52: {  	_ =	shalt  }
0x53: {  	_ =	shalt  }
0x54: {  	_ =	shalt  }
0x55: {  	_ =	shalt  }
0x56: {  	_ =	shalt  }
0x57: {  	_ =	shalt  }
0x58: {  	_ =	shalt  }
0x59: {  	_ =	shalt  }
0x5a: {  	_ =	shalt  }
0x5b: {  	_ =	shalt  }
0x5c: {  	_ =	shalt  }
0x5d: {  	_ =	shalt  }
0x5e: {  	_ =	shalt  }
0x5f: {  	_ =	shalt  }
0x60: {  	_ =	shalt  }
0x61: {  	_ =	shalt  }
0x62: {  	_ =	shalt  }
0x63: {  	_ =	shalt  }
0x64: {  	_ =	shalt  }
0x65: {  	_ =	shalt  }
0x66: {  	_ =	shalt  }
0x67: {  	_ =	shalt  }
0x68: {  	_ =	shalt  }
0x69: {  	_ =	shalt  }
0x6a: {  	_ =	shalt  }
0x6b: {  	_ =	shalt  }
0x6c: {  	_ =	shalt  }
0x6d: {  	_ =	shalt  }
0x6e: {  	_ =	shalt  }
0x6f: {  	_ =	shalt  }
0x70: {  	_ =	shalt  }
0x71: {  	_ =	shalt  }
0x72: {  	_ =	shalt  }
0x73: {  	_ =	shalt  }
0x74: {  	_ =	shalt  }
0x75: {  	_ =	shalt  }
0x76: {  	_ =	shalt  }
0x77: {  	_ =	shalt  }
0x78: {  	_ =	shalt  }
0x79: {  	_ =	shalt  }
0x7a: {  	_ =	shalt  }
0x7b: {  	_ =	shalt  }
0x7c: {  	_ =	shalt  }
0x7d: {  	_ =	shalt  }
0x7e: {  	_ =	shalt  }
0x7f: {  	_ =	shalt  }
0x80: {  	_ =	shalt  }
0x81: {  	_ =	shalt  }
0x82: {  	_ =	shalt  }
0x83: {  	_ =	shalt  }
0x84: {  	_ =	shalt  }
0x85: {  	_ =	shalt  }
0x86: {  	_ =	shalt  }
0x87: {  	_ =	shalt  }
.Lfunc_end0:
.L_simem_size_0:
called_computation_lowered:
.L_overlay_start_0:
0x88: {  	s2 =	sld [smem:$0x3FD9]  }
0x89: {  	s3 =	sld [smem:$0x3FFE];
	_ =	sdelay $0x1  }
0x8a: {  	s1 =	srdreg.scid  }
0x8b: {  	s0 =	sand.u32 $0x1, s1  }
0x8c: {  	s17 =	sshll.u32 s0, $0xA;
	s2 =	sadd.s32 s3, s2  }
0x8d: {  	s2 =	sadd.s32 s2, s17  }
0x8e: {  	[smem:$0x3FC4] =	sst s2  }
0x8f: {  	_ = 	snop  }
0x90: {  	s2 =	sld [smem:$0x3FD0];
	(tm) =	ssettm $0x1  }
0x91: {  	s18 =	sld [smem:$0x3FFB];
	_ =	sdelay $0x3  }
0x92: {  	_ =	strace s18  }
0x93: {  	s3 =	sld [smem:$0x3FFC];
	_ =	sdelay $0x3  }
0x94: {  	_ =	strace s3  }
0x95: {  	s3 =	sld [smem:$0x3FFD];
	_ =	sdelay $0x3  }
0x96: {  	_ =	strace s3  }
0x97: {  	_ =	strace $0x8FFFFFFF  }
0x98: {  	s19 =	sld [smem:$0x3FDB];
	_ =	sdelay $0x1  }
0x99: {  	s4 =	simm.s32 $_scs_section_size  }
0x9a: {  	s5 =	simm.s32 $_size__tile_overlayer_lowered;
	s6 =	simm.s32 $_tile_overlayer_lowered  }
0x9b: {  	s22 =	simm.s32 $0x1BFF;
	s21 =	sshll.u32 s6, $0x1;
	s3 =	sadd.s32 s4, s19  }
0x9c: {  	s7 =	simm.s32 $0x0;
	s20 =	sshll.u32 s5, $0x1;
	s5 =	sadd.s32 s21, s3  }
0x9d: {  	[timem:s7], [sflag:s22] =	dma.local [hbm:s5], s20  }
0x9e: {  	_ =	swait.ge [sflag:s22], s20  }
0x9f: {  	s4 =	ssub.s32 $0x0, s20;
	[sflag:s22] =	ssyncset.done $0x0  }
0xa0: {  	[sflag:s22] =	ssyncadd.s32 s4;
	_ =	sdelay $0x1  }
0xa1: {  	s23 =	simm.s32 $0x1B8B  }
0xa2: {  	_ =	swait.ge [sflag:s23], $0x1  }
0xa3: {  	[sflag:s23] =	ssyncset.done $0x0  }
0xa4: {  	s25 =	simm.s32 $0x1B8E;
	s24 =	sld [smem:$0x3FFE];
	[sflag:s23] =	ssyncadd.s32 $0xFFFFFFFF  }
0xa5: {  	s26 =	simm.s32 $execute0_lowered;
	[smem:$0x3FD2] =	sst s25  }
0xa6: {  	s5 =	sshll.u32 s26, $0x1;
	_ =	strace $0x80000046;
	[dreg:$0x1] =	wrdreg $0xFFFFFFFF  }
0xa7: {  	s28 =	simm.s32 $_size_execute0_lowered;
	s3 =	sadd.s32 s3, s5;
	[dreg:$0x0] =	wrdreg $0x0  }
0xa8: {  	s5 =	sshll.u32 s28, $0x1;
	[dreg:$0x2] =	wrdreg s3  }
0xa9: {  	[dreg:$0x3] =	wrdreg s5  }
0xaa: {  	[dreg:$0x4] =	wrdreg $0xC0  }
0xab: {  	_ =	task [dreg:s7], $0x5FFFF  }
0xac: {  	[dreg:$0x1] =	wrdreg $0xFFFFFFFF  }
0xad: {  	[dreg:$0x0] =	wrdreg $0x60  }
0xae: {  	[dreg:$0x2] =	wrdreg s24  }
0xaf: {  	[dreg:$0x3] =	wrdreg s2  }
0xb0: {  	[dreg:$0x4] =	wrdreg $0x9  }
0xb1: {  	_ =	task.clear_ibuf [dreg:s7], $0x5FFFF;
	_ =	strace $0x90000046  }
0xb2: {  	s29 =	simm.s32 $0x9;
	_ =	strace $0x80000048  }
0xb3: {  	_ =	swait.ge [sflag:s29], $0x1  }
0xb4: {  	[sflag:s29] =	ssyncadd.s32 $0xFFFFFFFF  }
0xb5: {  	_ =	strace $0x90000048  }
0xb6: {  	_ =	sfence  }
0xb7: {  	s30 =	sld [smem:$0x0];
	_ =	sdelay $0x2  }
0xb8: {  	s31 =	sshll.u32 s1, $0xD;
	s1 =	sshrl.u32 s1, $0x2  }
0xb9: {  	s3 =	sand.u32 $0x4000, s31;
	s1 =	sadd.s32 s1, s30  }
0xba: {  	s0 =	sor.u32 s3, s0;
	s1 =	sshll.u32 s1, $0x11  }
0xbb: {  	s0 =	sor.u32 s1, s0  }
0xbc: {  	s0 =	sadd.s32 $0x8F2B, s0  }
0xbd: {  	[sflag:s0] =	ssyncadd.remote.s32 $0x1  }
0xbe: {  	_ =	sfence.sel $0xFFFF  }
0xbf: {  	[dreg:$0x0] =	wrdreg $0xFFFFFFFF;
	(pc) =	sbr.abs _section_cstart, $3  }
0xc0: {  	[dreg:$0x1] =	wrdreg $0xFFFFFFFF  }
0xc1: {  	_ =	task.clear_ibuf [dreg:s7], $0x2FFFF;
	_ =	strace $0x9FFFFFFF  }
0xc2: {  	(tm) =	ssettm $0x7FFFFFFF  }
0xc3: {  	_ =	shalt  }
tec
execute0_lowered:
.L_overlay_start_1:
0x0: {  	(tag) =	ssettag $0x1  }
0x1: {  	s0 =	rddreg [dreg:$0x0];
	s1 =	srdreg.scid  }
0x2: {  	s13 =	stileid.u32;
	s4 =	rddreg [dreg:$0x1]  }
0x3: {  	s2 =	simm.s32 $0x0;
	s15 =	simm.s32 $0x7;
	s16 =	simm.s32 $0x80  }
0x4: {  	s17 =	simm.s32 $0x6400;
	s18 =	simm.s32 $0xA400;
	s10 =	smul.u32 $0x640000, s13  }
0x5: {  	s1 =	sand.u32 $0x1, s1;
	s3 =	sshll.u32 s13, $0x1;
	s13 =	smul.u32 $0xC8000, s13  }
0x6: {  	s20 =	simm.s32 $0xE400;
	s22 =	simm.s32 $0x12400;
	s12 =	smul.u32 $0x320000, s1  }
0x7: {  	s3 =	sor.u32 s1, s3;
	s6 =	ssub.s32 $0x2, s1;
	s1 =	smul.u32 $0x64000, s1  }
0x8: {  	s28 =	simm.s32 $0x1;
	s29 =	simm.s32 $0x4;
	s5 =	smul.u32 $0x6400, s3  }
0x9: {  	s30 =	simm.s32 $0x0;
	[smem:$0x7FF] =	sst s2;
	s7 =	smul.u32 $0x64000, s3  }
0xa: {  	_ =	strace $0x80000047;
	s8 =	sshrl.u32 s6, $0x1;
	s9 =	smul.u32 $0x320000, s3  }
0xb: {  	s3 =	sadd.s32 $0x19800, s0;
	s13 =	sadd.s32 s13, s4;
	s23 =	ssub.s32 s6, s8  }
0xc: {  	s12 =	sadd.s32 s12, s10;
	s1 =	sadd.s32 s1, s13;
	s5 =	sshrl.u32 s5, $0x3  }
0xd: {  	s24 =	sshrl.u32 s9, $0x3;
	s12 =	sadd.s32 $0x28000, s12;
	s19 =	sadd.s32 $0x4000, s1  }
0xe: {  	s1 =	simm.s32 $0x2;
	s5 =	sadd.s32 s5, s0;
	s11 =	sadd.s32 s4, s24  }
0xf: {  	s26 =	sshrl.u32 s12, $0x3;
	s12 =	smax.u32 s23, $0x1;
	s24 =	simm.s32 $0x16400  }
0x10: {  	s0 =	simm.s32 $0x5;
	s23 =	simm.s32 $0x3;
	s5 =	sadd.s32 $0x800, s5  }
0x11: {  	s8 =	sadd.s32 $0x60000, s11;
	s9 =	sadd.s32 $0x61000, s11;
	s10 =	sadd.s32 $0x62000, s11  }
0x12: {  	s11 =	sadd.s32 $0x63000, s11;
	[dreg:$0x3] =	wrdreg s5;
	s5 =	sadd.s32 s4, s7  }
0x13: {  	s31 =	sadd.s32 s26, s4;
	s26 =	simm.s32 $0x1A400;
	s25 =	sadd.s32 $0x1000, s5  }
0x14: {  	s7 =	sadd.s32 $0x2000, s5;
	[dreg:$0x4] =	wrdreg s25;
	s25 =	simm.s32 $0x6  }
.LBB2_1:
0x15: {  	s4 =	rddreg [dreg:$0x3]  }
0x16: {  	[tilespmem:s2], [sflag:$0x7] =	stream.linear.gather [hbm4b:s4+s2], $0x6400, $0x38;
	[tilespmem:$0x1E400] =	vst v63  }
0x17: {  	_ =	swait.ge [sflag:s15], $0x6400  }
0x18: {  	[sflag:s15] =	ssyncset.done $0x0  }
0x19: {  	[sflag:s15] =	ssyncadd.s32 $0xFFFF9C00  }
0x1a: {  	v0 =	vld [tilespmem:$0x0]  }
0x1b: {  	v1 =	vld [tilespmem:$0x10]  }
0x1c: {  	v2 =	vld [tilespmem:$0x20]  }
0x1d: {  	v3 =	vld [tilespmem:$0x30]  }
0x1e: {  	v4 =	vld [tilespmem:$0x40]  }
0x1f: {  	v5 =	vld [tilespmem:$0x50];
	v0 =	vadd.s32 $0x1, v0  }
0x20: {  	v35 =	vld [tilespmem:$0x60];
	v34 =	vadd.s32 $0x1, v1;
	[tilespmem:$0x0] =	vst v0  }
0x21: {  	v37 =	vld [tilespmem:$0x70];
	v36 =	vadd.s32 $0x1, v2;
	[tilespmem:$0x10] =	vst v34  }
0x22: {  	v38 =	vadd.s32 $0x1, v3;
	[tilespmem:$0x20] =	vst v36  }
0x23: {  	v39 =	vadd.s32 $0x1, v4;
	[tilespmem:$0x30] =	vst v38  }
0x24: {  	v40 =	vadd.s32 $0x1, v5;
	[tilespmem:$0x40] =	vst v39  }
0x25: {  	v41 =	vadd.s32 $0x1, v35;
	[tilespmem:$0x50] =	vst v40  }
0x26: {  	v42 =	vadd.s32 $0x1, v37;
	[tilespmem:$0x60] =	vst v41  }
0x27: {  	[tilespmem:$0x70] =	vst v42  }
0x28: {  	[tilespmem:s17], [sflag:$0x1] =	stream.indirect.gather [hbm4b:s3+s16], $0x80, s2, s16, $0xb8;
	[tilespmem:$0x1E400] =	vst v63  }
0x29: {  	v43 =	vld [tilespmem:$0x80]  }
0x2a: {  	v44 =	vld [tilespmem:$0x90]  }
0x2b: {  	v45 =	vld [tilespmem:$0xA0]  }
0x2c: {  	v46 =	vld [tilespmem:$0xB0]  }
0x2d: {  	v47 =	vld [tilespmem:$0xC0]  }
0x2e: {  	v48 =	vld [tilespmem:$0xD0];
	v0 =	vadd.s32 $0x1, v43  }
0x2f: {  	v50 =	vld [tilespmem:$0xE0];
	v49 =	vadd.s32 $0x1, v44;
	[tilespmem:$0x80] =	vst v0  }
0x30: {  	v52 =	vld [tilespmem:$0xF0];
	v51 =	vadd.s32 $0x1, v45;
	[tilespmem:$0x90] =	vst v49  }
0x31: {  	v53 =	vadd.s32 $0x1, v46;
	[tilespmem:$0xA0] =	vst v51  }
0x32: {  	v54 =	vadd.s32 $0x1, v47;
	[tilespmem:$0xB0] =	vst v53  }
0x33: {  	v55 =	vadd.s32 $0x1, v48;
	[tilespmem:$0xC0] =	vst v54  }
0x34: {  	v56 =	vadd.s32 $0x1, v50;
	[tilespmem:$0xD0] =	vst v55  }
0x35: {  	v57 =	vadd.s32 $0x1, v52;
	[tilespmem:$0xE0] =	vst v56  }
0x36: {  	[tilespmem:$0xF0] =	vst v57  }
0x37: {  	[tilespmem:s18], [sflag:$0x1] =	stream.indirect.gather [hbm4b:s3+s16], $0x80, s16, s16, $0xb8;
	[tilespmem:$0x1E400] =	vst v63  }
0x38: {  	v58 =	vld [tilespmem:$0x100]  }
0x39: {  	v59 =	vld [tilespmem:$0x110]  }
0x3a: {  	v60 =	vld [tilespmem:$0x120]  }
0x3b: {  	v61 =	vld [tilespmem:$0x130]  }
0x3c: {  	v62 =	vld [tilespmem:$0x140]  }
0x3d: {  	v63 =	vld [tilespmem:$0x150];
	v0 =	vadd.s32 $0x1, v58  }
0x3e: {  	v7 =	vld [tilespmem:$0x160];
	v6 =	vadd.s32 $0x1, v59;
	[tilespmem:$0x100] =	vst v0  }
0x3f: {  	v9 =	vld [tilespmem:$0x170];
	v8 =	vadd.s32 $0x1, v60;
	[tilespmem:$0x110] =	vst v6  }
0x40: {  	v10 =	vadd.s32 $0x1, v61;
	[tilespmem:$0x120] =	vst v8  }
0x41: {  	v11 =	vadd.s32 $0x1, v62;
	[tilespmem:$0x130] =	vst v10  }
0x42: {  	v12 =	vadd.s32 $0x1, v63;
	[tilespmem:$0x140] =	vst v11  }
0x43: {  	v13 =	vadd.s32 $0x1, v7;
	[tilespmem:$0x150] =	vst v12  }
0x44: {  	v14 =	vadd.s32 $0x1, v9;
	[tilespmem:$0x160] =	vst v13  }
0x45: {  	s21 =	simm.s32 $0x100;
	[tilespmem:$0x170] =	vst v14  }
0x46: {  	[tilespmem:s20], [sflag:$0x2] =	stream.indirect.gather [hbm4b:s3+s16], $0x80, s21, s16, $0xb8;
	[tilespmem:$0x1E400] =	vst v63  }
0x47: {  	v15 =	vld [tilespmem:$0x180]  }
0x48: {  	v16 =	vld [tilespmem:$0x190]  }
0x49: {  	v17 =	vld [tilespmem:$0x1A0]  }
0x4a: {  	v18 =	vld [tilespmem:$0x1B0]  }
0x4b: {  	v19 =	vld [tilespmem:$0x1C0]  }
0x4c: {  	v20 =	vld [tilespmem:$0x1D0];
	v0 =	vadd.s32 $0x1, v15  }
0x4d: {  	v22 =	vld [tilespmem:$0x1E0];
	v21 =	vadd.s32 $0x1, v16;
	[tilespmem:$0x180] =	vst v0  }
0x4e: {  	v24 =	vld [tilespmem:$0x1F0];
	v23 =	vadd.s32 $0x1, v17;
	[tilespmem:$0x190] =	vst v21  }
0x4f: {  	v25 =	vadd.s32 $0x1, v18;
	[tilespmem:$0x1A0] =	vst v23  }
0x50: {  	v26 =	vadd.s32 $0x1, v19;
	[tilespmem:$0x1B0] =	vst v25  }
0x51: {  	v27 =	vadd.s32 $0x1, v20;
	[tilespmem:$0x1C0] =	vst v26  }
0x52: {  	v28 =	vadd.s32 $0x1, v22;
	[tilespmem:$0x1D0] =	vst v27  }
0x53: {  	v29 =	vadd.s32 $0x1, v24;
	[tilespmem:$0x1E0] =	vst v28  }
0x54: {  	s6 =	simm.s32 $0x180;
	[tilespmem:$0x1F0] =	vst v29  }
0x55: {  	[tilespmem:s22], [sflag:$0x2] =	stream.indirect.gather [hbm4b:s3+s16], $0x80, s6, s16, $0xb8;
	[tilespmem:$0x1E400] =	vst v63  }
0x56: {  	v30 =	vld [tilespmem:$0x200]  }
0x57: {  	v31 =	vld [tilespmem:$0x210]  }
0x58: {  	v32 =	vld [tilespmem:$0x220]  }
0x59: {  	v33 =	vld [tilespmem:$0x230]  }
0x5a: {  	v34 =	vld [tilespmem:$0x240]  }
0x5b: {  	v35 =	vld [tilespmem:$0x250];
	v0 =	vadd.s32 $0x1, v30  }
0x5c: {  	v37 =	vld [tilespmem:$0x260];
	v36 =	vadd.s32 $0x1, v31;
	[tilespmem:$0x200] =	vst v0  }
0x5d: {  	v39 =	vld [tilespmem:$0x270];
	v38 =	vadd.s32 $0x1, v32;
	[tilespmem:$0x210] =	vst v36  }
0x5e: {  	v40 =	vadd.s32 $0x1, v33;
	[tilespmem:$0x220] =	vst v38  }
0x5f: {  	v41 =	vadd.s32 $0x1, v34;
	[tilespmem:$0x230] =	vst v40  }
0x60: {  	v42 =	vadd.s32 $0x1, v35;
	[tilespmem:$0x240] =	vst v41  }
0x61: {  	v43 =	vadd.s32 $0x1, v37;
	[tilespmem:$0x250] =	vst v42  }
0x62: {  	v44 =	vadd.s32 $0x1, v39;
	[tilespmem:$0x260] =	vst v43  }
0x63: {  	s13 =	simm.s32 $0x200;
	[tilespmem:$0x270] =	vst v44  }
0x64: {  	[tilespmem:s24], [sflag:$0x3] =	stream.indirect.gather [hbm4b:s3+s16], $0x80, s13, s16, $0xb8;
	[tilespmem:$0x1E400] =	vst v63  }
0x65: {  	v45 =	vld [tilespmem:$0x280]  }
0x66: {  	v46 =	vld [tilespmem:$0x290]  }
0x67: {  	v47 =	vld [tilespmem:$0x2A0]  }
0x68: {  	v48 =	vld [tilespmem:$0x2B0]  }
0x69: {  	v49 =	vld [tilespmem:$0x2C0]  }
0x6a: {  	v50 =	vld [tilespmem:$0x2D0];
	v0 =	vadd.s32 $0x1, v45  }
0x6b: {  	v52 =	vld [tilespmem:$0x2E0];
	v51 =	vadd.s32 $0x1, v46;
	[tilespmem:$0x280] =	vst v0  }
0x6c: {  	v54 =	vld [tilespmem:$0x2F0];
	v53 =	vadd.s32 $0x1, v47;
	[tilespmem:$0x290] =	vst v51  }
0x6d: {  	v55 =	vadd.s32 $0x1, v48;
	[tilespmem:$0x2A0] =	vst v53  }
0x6e: {  	v56 =	vadd.s32 $0x1, v49;
	[tilespmem:$0x2B0] =	vst v55  }
0x6f: {  	v57 =	vadd.s32 $0x1, v50;
	[tilespmem:$0x2C0] =	vst v56  }
0x70: {  	v58 =	vadd.s32 $0x1, v52;
	[tilespmem:$0x2D0] =	vst v57  }
0x71: {  	v59 =	vadd.s32 $0x1, v54;
	[tilespmem:$0x2E0] =	vst v58  }
0x72: {  	s14 =	simm.s32 $0x280;
	[tilespmem:$0x2F0] =	vst v59  }
0x73: {  	[tilespmem:s26], [sflag:$0x3] =	stream.indirect.gather [hbm4b:s3+s16], $0x80, s14, s16, $0xb8;
	[tilespmem:$0x1E400] =	vst v63  }
0x74: {  	_ =	swait.ge [sflag:s28], $0x4000  }
0x75: {  	[sflag:s28] =	ssyncset.done $0x0  }
0x76: {  	[sflag:s28] =	ssyncadd.s32 $0xFFFFC000  }
0x77: {  	_ =	swait.ge [sflag:s28], $0x4000  }
0x78: {  	[sflag:s28] =	ssyncset.done $0x0  }
0x79: {  	[sflag:s28] =	ssyncadd.s32 $0xFFFFC000  }
0x7a: {  	[hbm4b:s5+s2] =	stream.linear.scatter [tilespmem:s17], [sflag:$0x4], $0x8000, $0x38;
	[tilespmem:$0x1E400] =	vst v63  }
0x7b: {  	_ =	swait.ge [sflag:s29], $0x8000  }
0x7c: {  	[sflag:s29] =	ssyncset.done $0x0  }
0x7d: {  	[sflag:s29] =	ssyncadd.s32 $0xFFFF8000  }
0x7e: {  	v60 =	vld [tilespmem:$0x300]  }
0x7f: {  	v61 =	vld [tilespmem:$0x310]  }
0x80: {  	v62 =	vld [tilespmem:$0x320]  }
0x81: {  	v63 =	vld [tilespmem:$0x330]  }
0x82: {  	v8 =	vld [tilespmem:$0x340]  }
0x83: {  	v9 =	vld [tilespmem:$0x350];
	v0 =	vadd.s32 $0x1, v60  }
0x84: {  	v11 =	vld [tilespmem:$0x360];
	v10 =	vadd.s32 $0x1, v61;
	[tilespmem:$0x300] =	vst v0  }
0x85: {  	v13 =	vld [tilespmem:$0x370];
	v12 =	vadd.s32 $0x1, v62;
	[tilespmem:$0x310] =	vst v10  }
0x86: {  	v14 =	vadd.s32 $0x1, v63;
	[tilespmem:$0x320] =	vst v12  }
0x87: {  	v15 =	vadd.s32 $0x1, v8;
	[tilespmem:$0x330] =	vst v14  }
0x88: {  	v16 =	vadd.s32 $0x1, v9;
	[tilespmem:$0x340] =	vst v15  }
0x89: {  	v17 =	vadd.s32 $0x1, v11;
	[tilespmem:$0x350] =	vst v16  }
0x8a: {  	v18 =	vadd.s32 $0x1, v13;
	[tilespmem:$0x360] =	vst v17  }
0x8b: {  	s21 =	simm.s32 $0x300;
	[tilespmem:$0x370] =	vst v18  }
0x8c: {  	[tilespmem:s17], [sflag:$0x1] =	stream.indirect.gather [hbm4b:s3+s16], $0x80, s21, s16, $0xb8;
	[tilespmem:$0x1E400] =	vst v63  }
0x8d: {  	v19 =	vld [tilespmem:$0x380]  }
0x8e: {  	v20 =	vld [tilespmem:$0x390]  }
0x8f: {  	v21 =	vld [tilespmem:$0x3A0]  }
0x90: {  	v22 =	vld [tilespmem:$0x3B0]  }
0x91: {  	v23 =	vld [tilespmem:$0x3C0]  }
0x92: {  	v24 =	vld [tilespmem:$0x3D0];
	v0 =	vadd.s32 $0x1, v19  }
0x93: {  	v26 =	vld [tilespmem:$0x3E0];
	v25 =	vadd.s32 $0x1, v20;
	[tilespmem:$0x380] =	vst v0  }
0x94: {  	v28 =	vld [tilespmem:$0x3F0];
	v27 =	vadd.s32 $0x1, v21;
	[tilespmem:$0x390] =	vst v25  }
0x95: {  	v29 =	vadd.s32 $0x1, v22;
	[tilespmem:$0x3A0] =	vst v27  }
0x96: {  	v30 =	vadd.s32 $0x1, v23;
	[tilespmem:$0x3B0] =	vst v29  }
0x97: {  	v31 =	vadd.s32 $0x1, v24;
	[tilespmem:$0x3C0] =	vst v30  }
0x98: {  	v32 =	vadd.s32 $0x1, v26;
	[tilespmem:$0x3D0] =	vst v31  }
0x99: {  	v33 =	vadd.s32 $0x1, v28;
	[tilespmem:$0x3E0] =	vst v32  }
0x9a: {  	s6 =	simm.s32 $0x380;
	[tilespmem:$0x3F0] =	vst v33  }
0x9b: {  	[tilespmem:s18], [sflag:$0x1] =	stream.indirect.gather [hbm4b:s3+s16], $0x80, s6, s16, $0xb8;
	[tilespmem:$0x1E400] =	vst v63  }
0x9c: {  	_ =	swait.ge [sflag:s1], $0x4000  }
0x9d: {  	[sflag:s1] =	ssyncset.done $0x0  }
0x9e: {  	[sflag:s1] =	ssyncadd.s32 $0xFFFFC000  }
0x9f: {  	_ =	swait.ge [sflag:s1], $0x4000  }
0xa0: {  	[sflag:s1] =	ssyncset.done $0x0  }
0xa1: {  	s13 =	rddreg [dreg:$0x4];
	[sflag:s1] =	ssyncadd.s32 $0xFFFFC000  }
0xa2: {  	[hbm4b:s13+s2] =	stream.linear.scatter [tilespmem:s20], [sflag:$0x5], $0x8000, $0x38;
	[tilespmem:$0x1E400] =	vst v63  }
0xa3: {  	_ =	swait.ge [sflag:s0], $0x8000  }
0xa4: {  	[sflag:s0] =	ssyncset.done $0x0  }
0xa5: {  	[sflag:s0] =	ssyncadd.s32 $0xFFFF8000  }
0xa6: {  	v34 =	vld [tilespmem:$0x400]  }
0xa7: {  	v35 =	vld [tilespmem:$0x410]  }
0xa8: {  	v36 =	vld [tilespmem:$0x420]  }
0xa9: {  	v37 =	vld [tilespmem:$0x430]  }
0xaa: {  	v38 =	vld [tilespmem:$0x440]  }
0xab: {  	v39 =	vld [tilespmem:$0x450];
	v0 =	vadd.s32 $0x1, v34  }
0xac: {  	v41 =	vld [tilespmem:$0x460];
	v40 =	vadd.s32 $0x1, v35;
	[tilespmem:$0x400] =	vst v0  }
0xad: {  	v43 =	vld [tilespmem:$0x470];
	v42 =	vadd.s32 $0x1, v36;
	[tilespmem:$0x410] =	vst v40  }
0xae: {  	v44 =	vadd.s32 $0x1, v37;
	[tilespmem:$0x420] =	vst v42  }
0xaf: {  	v45 =	vadd.s32 $0x1, v38;
	[tilespmem:$0x430] =	vst v44  }
0xb0: {  	v46 =	vadd.s32 $0x1, v39;
	[tilespmem:$0x440] =	vst v45  }
0xb1: {  	v47 =	vadd.s32 $0x1, v41;
	[tilespmem:$0x450] =	vst v46  }
0xb2: {  	v48 =	vadd.s32 $0x1, v43;
	[tilespmem:$0x460] =	vst v47  }
0xb3: {  	s14 =	simm.s32 $0x400;
	[tilespmem:$0x470] =	vst v48  }
0xb4: {  	[tilespmem:s20], [sflag:$0x2] =	stream.indirect.gather [hbm4b:s3+s16], $0x80, s14, s16, $0xb8;
	[tilespmem:$0x1E400] =	vst v63  }
0xb5: {  	v49 =	vld [tilespmem:$0x480]  }
0xb6: {  	v50 =	vld [tilespmem:$0x490]  }
0xb7: {  	v51 =	vld [tilespmem:$0x4A0]  }
0xb8: {  	v52 =	vld [tilespmem:$0x4B0]  }
0xb9: {  	v53 =	vld [tilespmem:$0x4C0]  }
0xba: {  	v54 =	vld [tilespmem:$0x4D0];
	v0 =	vadd.s32 $0x1, v49  }
0xbb: {  	v56 =	vld [tilespmem:$0x4E0];
	v55 =	vadd.s32 $0x1, v50;
	[tilespmem:$0x480] =	vst v0  }
0xbc: {  	v58 =	vld [tilespmem:$0x4F0];
	v57 =	vadd.s32 $0x1, v51;
	[tilespmem:$0x490] =	vst v55  }
0xbd: {  	v59 =	vadd.s32 $0x1, v52;
	[tilespmem:$0x4A0] =	vst v57  }
0xbe: {  	v60 =	vadd.s32 $0x1, v53;
	[tilespmem:$0x4B0] =	vst v59  }
0xbf: {  	v61 =	vadd.s32 $0x1, v54;
	[tilespmem:$0x4C0] =	vst v60  }
0xc0: {  	v62 =	vadd.s32 $0x1, v56;
	[tilespmem:$0x4D0] =	vst v61  }
0xc1: {  	v63 =	vadd.s32 $0x1, v58;
	[tilespmem:$0x4E0] =	vst v62  }
0xc2: {  	s21 =	simm.s32 $0x480;
	[tilespmem:$0x4F0] =	vst v63  }
0xc3: {  	[tilespmem:s22], [sflag:$0x2] =	stream.indirect.gather [hbm4b:s3+s16], $0x80, s21, s16, $0xb8;
	[tilespmem:$0x1E400] =	vst v63  }
0xc4: {  	_ =	swait.ge [sflag:s23], $0x4000  }
0xc5: {  	[sflag:s23] =	ssyncset.done $0x0  }
0xc6: {  	[sflag:s23] =	ssyncadd.s32 $0xFFFFC000  }
0xc7: {  	_ =	swait.ge [sflag:s23], $0x4000  }
0xc8: {  	s13 =	smov.u32 s19;
	[sflag:s23] =	ssyncset.done $0x0  }
0xc9: {  	s14 =	smov.u32 s31;
	s21 =	simm.s32 $0x0;
	[sflag:s23] =	ssyncadd.s32 $0xFFFFC000  }
0xca: {  	[hbm4b:s7+s2] =	stream.linear.scatter [tilespmem:s24], [sflag:$0x6], $0x8000, $0x38;
	[tilespmem:$0x1E400] =	vst v63  }
.LBB2_2:
0xcb: {  	_ =	swait.ge [sflag:s25], $0x8000  }
0xcc: {  	[sflag:s25] =	ssyncset.done $0x0  }
0xcd: {  	s4 =	sshra.s32 s21, $0x2;
	[sflag:s25] =	ssyncadd.s32 $0xFFFF8000  }
0xce: {  	v0 =	vld [tilespmem:s4+$0x500]  }
0xcf: {  	v1 =	vld [tilespmem:s4+$0x510]  }
0xd0: {  	v2 =	vld [tilespmem:s4+$0x520]  }
0xd1: {  	v3 =	vld [tilespmem:s4+$0x530]  }
0xd2: {  	v4 =	vld [tilespmem:s4+$0x540]  }
0xd3: {  	v5 =	vld [tilespmem:s4+$0x550];
	v0 =	vadd.s32 $0x1, v0  }
0xd4: {  	v37 =	vld [tilespmem:s4+$0x560];
	v36 =	vadd.s32 $0x1, v1;
	[tilespmem:s4+$0x500] =	vst v0  }
0xd5: {  	v39 =	vld [tilespmem:s4+$0x570];
	v38 =	vadd.s32 $0x1, v2;
	[tilespmem:s4+$0x510] =	vst v36  }
0xd6: {  	v40 =	vadd.s32 $0x1, v3;
	[tilespmem:s4+$0x520] =	vst v38  }
0xd7: {  	v41 =	vadd.s32 $0x1, v4;
	[tilespmem:s4+$0x530] =	vst v40  }
0xd8: {  	v42 =	vadd.s32 $0x1, v5;
	[tilespmem:s4+$0x540] =	vst v41  }
0xd9: {  	v43 =	vadd.s32 $0x1, v37;
	[tilespmem:s4+$0x550] =	vst v42  }
0xda: {  	v44 =	vadd.s32 $0x1, v39;
	[tilespmem:s4+$0x560] =	vst v43  }
0xdb: {  	s6 =	sadd.s32 $0x500, s4;
	[tilespmem:s4+$0x570] =	vst v44  }
0xdc: {  	[tilespmem:s24], [sflag:$0x3] =	stream.indirect.gather [hbm4b:s3+s16], $0x80, s6, s16, $0xb8;
	[tilespmem:$0x1E400] =	vst v63  }
0xdd: {  	v45 =	vld [tilespmem:s4+$0x580]  }
0xde: {  	v46 =	vld [tilespmem:s4+$0x590]  }
0xdf: {  	v47 =	vld [tilespmem:s4+$0x5A0]  }
0xe0: {  	v48 =	vld [tilespmem:s4+$0x5B0]  }
0xe1: {  	v49 =	vld [tilespmem:s4+$0x5C0]  }
0xe2: {  	v50 =	vld [tilespmem:s4+$0x5D0];
	v0 =	vadd.s32 $0x1, v45  }
0xe3: {  	v52 =	vld [tilespmem:s4+$0x5E0];
	v51 =	vadd.s32 $0x1, v46;
	[tilespmem:s4+$0x580] =	vst v0  }
0xe4: {  	v54 =	vld [tilespmem:s4+$0x5F0];
	v53 =	vadd.s32 $0x1, v47;
	[tilespmem:s4+$0x590] =	vst v51  }
0xe5: {  	v55 =	vadd.s32 $0x1, v48;
	[tilespmem:s4+$0x5A0] =	vst v53  }
0xe6: {  	v56 =	vadd.s32 $0x1, v49;
	[tilespmem:s4+$0x5B0] =	vst v55  }
0xe7: {  	v57 =	vadd.s32 $0x1, v50;
	[tilespmem:s4+$0x5C0] =	vst v56  }
0xe8: {  	v58 =	vadd.s32 $0x1, v52;
	[tilespmem:s4+$0x5D0] =	vst v57  }
0xe9: {  	v59 =	vadd.s32 $0x1, v54;
	[tilespmem:s4+$0x5E0] =	vst v58  }
0xea: {  	s6 =	sadd.s32 $0x580, s4;
	[tilespmem:s4+$0x5F0] =	vst v59  }
0xeb: {  	[tilespmem:s26], [sflag:$0x3] =	stream.indirect.gather [hbm4b:s3+s16], $0x80, s6, s16, $0xb8;
	[tilespmem:$0x1E400] =	vst v63  }
0xec: {  	_ =	swait.ge [sflag:s28], $0x4000  }
0xed: {  	[sflag:s28] =	ssyncset.done $0x0  }
0xee: {  	[sflag:s28] =	ssyncadd.s32 $0xFFFFC000  }
0xef: {  	_ =	swait.ge [sflag:s28], $0x4000  }
0xf0: {  	[sflag:s28] =	ssyncset.done $0x0  }
0xf1: {  	s6 =	sadd.s32 $0xFFFFF000, s13;
	[sflag:s28] =	ssyncadd.s32 $0xFFFFC000  }
0xf2: {  	[hbm4b:s6+s2] =	stream.linear.scatter [tilespmem:s17], [sflag:$0x4], $0x8000, $0x38;
	[tilespmem:$0x1E400] =	vst v63  }
0xf3: {  	_ =	swait.ge [sflag:s29], $0x8000  }
0xf4: {  	[sflag:s29] =	ssyncset.done $0x0  }
0xf5: {  	[sflag:s29] =	ssyncadd.s32 $0xFFFF8000  }
0xf6: {  	v60 =	vld [tilespmem:s4+$0x600]  }
0xf7: {  	v61 =	vld [tilespmem:s4+$0x610]  }
0xf8: {  	v62 =	vld [tilespmem:s4+$0x620]  }
0xf9: {  	v63 =	vld [tilespmem:s4+$0x630]  }
0xfa: {  	v8 =	vld [tilespmem:s4+$0x640]  }
0xfb: {  	v9 =	vld [tilespmem:s4+$0x650];
	v0 =	vadd.s32 $0x1, v60  }
0xfc: {  	v11 =	vld [tilespmem:s4+$0x660];
	v10 =	vadd.s32 $0x1, v61;
	[tilespmem:s4+$0x600] =	vst v0  }
0xfd: {  	v13 =	vld [tilespmem:s4+$0x670];
	v12 =	vadd.s32 $0x1, v62;
	[tilespmem:s4+$0x610] =	vst v10  }
0xfe: {  	v14 =	vadd.s32 $0x1, v63;
	[tilespmem:s4+$0x620] =	vst v12  }
0xff: {  	v15 =	vadd.s32 $0x1, v8;
	[tilespmem:s4+$0x630] =	vst v14  }
0x100: {  	v16 =	vadd.s32 $0x1, v9;
	[tilespmem:s4+$0x640] =	vst v15  }
0x101: {  	v17 =	vadd.s32 $0x1, v11;
	[tilespmem:s4+$0x650] =	vst v16  }
0x102: {  	v18 =	vadd.s32 $0x1, v13;
	[tilespmem:s4+$0x660] =	vst v17  }
0x103: {  	s6 =	sadd.s32 $0x600, s4;
	[tilespmem:s4+$0x670] =	vst v18  }
0x104: {  	[tilespmem:s17], [sflag:$0x1] =	stream.indirect.gather [hbm4b:s3+s16], $0x80, s6, s16, $0xb8;
	[tilespmem:$0x1E400] =	vst v63  }
0x105: {  	v19 =	vld [tilespmem:s4+$0x680]  }
0x106: {  	v20 =	vld [tilespmem:s4+$0x690]  }
0x107: {  	v21 =	vld [tilespmem:s4+$0x6A0]  }
0x108: {  	v22 =	vld [tilespmem:s4+$0x6B0]  }
0x109: {  	v23 =	vld [tilespmem:s4+$0x6C0]  }
0x10a: {  	v24 =	vld [tilespmem:s4+$0x6D0];
	v0 =	vadd.s32 $0x1, v19  }
0x10b: {  	v26 =	vld [tilespmem:s4+$0x6E0];
	v25 =	vadd.s32 $0x1, v20;
	[tilespmem:s4+$0x680] =	vst v0  }
0x10c: {  	v28 =	vld [tilespmem:s4+$0x6F0];
	v27 =	vadd.s32 $0x1, v21;
	[tilespmem:s4+$0x690] =	vst v25  }
0x10d: {  	v29 =	vadd.s32 $0x1, v22;
	[tilespmem:s4+$0x6A0] =	vst v27  }
0x10e: {  	v30 =	vadd.s32 $0x1, v23;
	[tilespmem:s4+$0x6B0] =	vst v29  }
0x10f: {  	v31 =	vadd.s32 $0x1, v24;
	[tilespmem:s4+$0x6C0] =	vst v30  }
0x110: {  	v32 =	vadd.s32 $0x1, v26;
	[tilespmem:s4+$0x6D0] =	vst v31  }
0x111: {  	v33 =	vadd.s32 $0x1, v28;
	[tilespmem:s4+$0x6E0] =	vst v32  }
0x112: {  	s6 =	sadd.s32 $0x680, s4;
	[tilespmem:s4+$0x6F0] =	vst v33  }
0x113: {  	[tilespmem:s18], [sflag:$0x1] =	stream.indirect.gather [hbm4b:s3+s16], $0x80, s6, s16, $0xb8;
	[tilespmem:$0x1E400] =	vst v63  }
0x114: {  	_ =	swait.ge [sflag:s1], $0x4000  }
0x115: {  	[sflag:s1] =	ssyncset.done $0x0  }
0x116: {  	[sflag:s1] =	ssyncadd.s32 $0xFFFFC000  }
0x117: {  	_ =	swait.ge [sflag:s1], $0x4000  }
0x118: {  	[sflag:s1] =	ssyncset.done $0x0  }
0x119: {  	[sflag:s1] =	ssyncadd.s32 $0xFFFFC000  }
0x11a: {  	[hbm4b:s13+s2] =	stream.linear.scatter [tilespmem:s20], [sflag:$0x5], $0x8000, $0x38;
	[tilespmem:$0x1E400] =	vst v63  }
0x11b: {  	_ =	swait.ge [sflag:s0], $0x8000  }
0x11c: {  	[sflag:s0] =	ssyncset.done $0x0  }
0x11d: {  	[sflag:s0] =	ssyncadd.s32 $0xFFFF8000  }
0x11e: {  	v34 =	vld [tilespmem:s4+$0x700]  }
0x11f: {  	v35 =	vld [tilespmem:s4+$0x710]  }
0x120: {  	v36 =	vld [tilespmem:s4+$0x720]  }
0x121: {  	v37 =	vld [tilespmem:s4+$0x730]  }
0x122: {  	v38 =	vld [tilespmem:s4+$0x740]  }
0x123: {  	v39 =	vld [tilespmem:s4+$0x750];
	v0 =	vadd.s32 $0x1, v34  }
0x124: {  	v41 =	vld [tilespmem:s4+$0x760];
	v40 =	vadd.s32 $0x1, v35;
	[tilespmem:s4+$0x700] =	vst v0  }
0x125: {  	v43 =	vld [tilespmem:s4+$0x770];
	v42 =	vadd.s32 $0x1, v36;
	[tilespmem:s4+$0x710] =	vst v40  }
0x126: {  	v44 =	vadd.s32 $0x1, v37;
	[tilespmem:s4+$0x720] =	vst v42  }
0x127: {  	v45 =	vadd.s32 $0x1, v38;
	[tilespmem:s4+$0x730] =	vst v44  }
0x128: {  	v46 =	vadd.s32 $0x1, v39;
	[tilespmem:s4+$0x740] =	vst v45  }
0x129: {  	v47 =	vadd.s32 $0x1, v41;
	[tilespmem:s4+$0x750] =	vst v46  }
0x12a: {  	v48 =	vadd.s32 $0x1, v43;
	[tilespmem:s4+$0x760] =	vst v47  }
0x12b: {  	s6 =	sadd.s32 $0x700, s4;
	[tilespmem:s4+$0x770] =	vst v48  }
0x12c: {  	[tilespmem:s20], [sflag:$0x2] =	stream.indirect.gather [hbm4b:s3+s16], $0x80, s6, s16, $0xb8;
	[tilespmem:$0x1E400] =	vst v63  }
0x12d: {  	v49 =	vld [tilespmem:s4+$0x780]  }
0x12e: {  	v50 =	vld [tilespmem:s4+$0x790]  }
0x12f: {  	v51 =	vld [tilespmem:s4+$0x7A0]  }
0x130: {  	v52 =	vld [tilespmem:s4+$0x7B0]  }
0x131: {  	v53 =	vld [tilespmem:s4+$0x7C0]  }
0x132: {  	v54 =	vld [tilespmem:s4+$0x7D0];
	v0 =	vadd.s32 $0x1, v49  }
0x133: {  	v56 =	vld [tilespmem:s4+$0x7E0];
	v55 =	vadd.s32 $0x1, v50;
	[tilespmem:s4+$0x780] =	vst v0  }
0x134: {  	v58 =	vld [tilespmem:s4+$0x7F0];
	v57 =	vadd.s32 $0x1, v51;
	[tilespmem:s4+$0x790] =	vst v55  }
0x135: {  	v59 =	vadd.s32 $0x1, v52;
	[tilespmem:s4+$0x7A0] =	vst v57  }
0x136: {  	v60 =	vadd.s32 $0x1, v53;
	[tilespmem:s4+$0x7B0] =	vst v59  }
0x137: {  	v61 =	vadd.s32 $0x1, v54;
	[tilespmem:s4+$0x7C0] =	vst v60  }
0x138: {  	v62 =	vadd.s32 $0x1, v56;
	[tilespmem:s4+$0x7D0] =	vst v61  }
0x139: {  	v63 =	vadd.s32 $0x1, v58;
	[tilespmem:s4+$0x7E0] =	vst v62  }
0x13a: {  	s6 =	sadd.s32 $0x780, s4;
	[tilespmem:s4+$0x7F0] =	vst v63  }
0x13b: {  	[tilespmem:s22], [sflag:$0x2] =	stream.indirect.gather [hbm4b:s3+s16], $0x80, s6, s16, $0xb8;
	[tilespmem:$0x1E400] =	vst v63  }
0x13c: {  	_ =	swait.ge [sflag:s23], $0x4000  }
0x13d: {  	[sflag:s23] =	ssyncset.done $0x0  }
0x13e: {  	p0 =	sne.s32 s21, $0x16800;
	[sflag:s23] =	ssyncadd.s32 $0xFFFFC000  }
.Ltmp0:
0x13f: {  	_ =	swait.ge [sflag:s23], $0x4000;
	(pc) =	sbr.rel @p0 .LBB2_2-.Ltmp0, $4  }
0x140: {  	[sflag:s23] =	ssyncset.done $0x0  }
0x141: {  	[sflag:s23] =	ssyncadd.s32 $0xFFFFC000  }
0x142: {  	[hbm4b:s14+s2] =	stream.linear.scatter [tilespmem:s24], [sflag:$0x6], $0x8000, $0x38;
	[tilespmem:$0x1E400] =	vst v63  }
0x143: {  	s21 =	sadd.s32 $0xC00, s21;
	s13 =	sadd.s32 $0x3000, s13;
	s14 =	sadd.s32 $0x3000, s14  }
0x144: {  	_ =	swait.ge [sflag:s25], $0x8000  }
0x145: {  	[sflag:s25] =	ssyncset.done $0x0  }
0x146: {  	[sflag:s25] =	ssyncadd.s32 $0xFFFF8000  }
0x147: {  	v0 =	vld [tilespmem:$0x6200]  }
0x148: {  	v1 =	vld [tilespmem:$0x6210]  }
0x149: {  	v2 =	vld [tilespmem:$0x6220]  }
0x14a: {  	v3 =	vld [tilespmem:$0x6230]  }
0x14b: {  	v4 =	vld [tilespmem:$0x6240]  }
0x14c: {  	v5 =	vld [tilespmem:$0x6250];
	v0 =	vadd.s32 $0x1, v0  }
0x14d: {  	v11 =	vld [tilespmem:$0x6260];
	v10 =	vadd.s32 $0x1, v1;
	[tilespmem:$0x6200] =	vst v0  }
0x14e: {  	v13 =	vld [tilespmem:$0x6270];
	v12 =	vadd.s32 $0x1, v2;
	[tilespmem:$0x6210] =	vst v10  }
0x14f: {  	v14 =	vadd.s32 $0x1, v3;
	[tilespmem:$0x6220] =	vst v12  }
0x150: {  	v15 =	vadd.s32 $0x1, v4;
	[tilespmem:$0x6230] =	vst v14  }
0x151: {  	v16 =	vadd.s32 $0x1, v5;
	[tilespmem:$0x6240] =	vst v15  }
0x152: {  	v17 =	vadd.s32 $0x1, v11;
	[tilespmem:$0x6250] =	vst v16  }
0x153: {  	v18 =	vadd.s32 $0x1, v13;
	[tilespmem:$0x6260] =	vst v17  }
0x154: {  	s4 =	simm.s32 $0x6200;
	[tilespmem:$0x6270] =	vst v18  }
0x155: {  	[tilespmem:s24], [sflag:$0x3] =	stream.indirect.gather [hbm4b:s3+s16], $0x80, s4, s16, $0xb8;
	[tilespmem:$0x1E400] =	vst v63  }
0x156: {  	v19 =	vld [tilespmem:$0x6280]  }
0x157: {  	v20 =	vld [tilespmem:$0x6290]  }
0x158: {  	v21 =	vld [tilespmem:$0x62A0]  }
0x159: {  	v22 =	vld [tilespmem:$0x62B0]  }
0x15a: {  	v23 =	vld [tilespmem:$0x62C0]  }
0x15b: {  	v24 =	vld [tilespmem:$0x62D0];
	v0 =	vadd.s32 $0x1, v19  }
0x15c: {  	v26 =	vld [tilespmem:$0x62E0];
	v25 =	vadd.s32 $0x1, v20;
	[tilespmem:$0x6280] =	vst v0  }
0x15d: {  	v28 =	vld [tilespmem:$0x62F0];
	v27 =	vadd.s32 $0x1, v21;
	[tilespmem:$0x6290] =	vst v25  }
0x15e: {  	v29 =	vadd.s32 $0x1, v22;
	[tilespmem:$0x62A0] =	vst v27  }
0x15f: {  	v30 =	vadd.s32 $0x1, v23;
	[tilespmem:$0x62B0] =	vst v29  }
0x160: {  	v31 =	vadd.s32 $0x1, v24;
	[tilespmem:$0x62C0] =	vst v30  }
0x161: {  	v32 =	vadd.s32 $0x1, v26;
	[tilespmem:$0x62D0] =	vst v31  }
0x162: {  	v33 =	vadd.s32 $0x1, v28;
	[tilespmem:$0x62E0] =	vst v32  }
0x163: {  	s13 =	simm.s32 $0x6280;
	[tilespmem:$0x62F0] =	vst v33  }
0x164: {  	[tilespmem:s26], [sflag:$0x3] =	stream.indirect.gather [hbm4b:s3+s16], $0x80, s13, s16, $0xb8;
	[tilespmem:$0x1E400] =	vst v63  }
0x165: {  	_ =	swait.ge [sflag:s28], $0x4000  }
0x166: {  	[sflag:s28] =	ssyncset.done $0x0  }
0x167: {  	[sflag:s28] =	ssyncadd.s32 $0xFFFFC000  }
0x168: {  	_ =	swait.ge [sflag:s28], $0x4000  }
0x169: {  	[sflag:s28] =	ssyncset.done $0x0  }
0x16a: {  	[sflag:s28] =	ssyncadd.s32 $0xFFFFC000  }
0x16b: {  	[hbm4b:s8+s2] =	stream.linear.scatter [tilespmem:s17], [sflag:$0x4], $0x8000, $0x38;
	[tilespmem:$0x1E400] =	vst v63  }
0x16c: {  	_ =	swait.ge [sflag:s29], $0x8000  }
0x16d: {  	[sflag:s29] =	ssyncset.done $0x0  }
0x16e: {  	[sflag:s29] =	ssyncadd.s32 $0xFFFF8000  }
0x16f: {  	v34 =	vld [tilespmem:$0x6300]  }
0x170: {  	v35 =	vld [tilespmem:$0x6310]  }
0x171: {  	v36 =	vld [tilespmem:$0x6320]  }
0x172: {  	v37 =	vld [tilespmem:$0x6330]  }
0x173: {  	v38 =	vld [tilespmem:$0x6340]  }
0x174: {  	v39 =	vld [tilespmem:$0x6350];
	v0 =	vadd.s32 $0x1, v34  }
0x175: {  	v41 =	vld [tilespmem:$0x6360];
	v40 =	vadd.s32 $0x1, v35;
	[tilespmem:$0x6300] =	vst v0  }
0x176: {  	v43 =	vld [tilespmem:$0x6370];
	v42 =	vadd.s32 $0x1, v36;
	[tilespmem:$0x6310] =	vst v40  }
0x177: {  	v44 =	vadd.s32 $0x1, v37;
	[tilespmem:$0x6320] =	vst v42  }
0x178: {  	v45 =	vadd.s32 $0x1, v38;
	[tilespmem:$0x6330] =	vst v44  }
0x179: {  	v46 =	vadd.s32 $0x1, v39;
	[tilespmem:$0x6340] =	vst v45  }
0x17a: {  	v47 =	vadd.s32 $0x1, v41;
	[tilespmem:$0x6350] =	vst v46  }
0x17b: {  	v48 =	vadd.s32 $0x1, v43;
	[tilespmem:$0x6360] =	vst v47  }
0x17c: {  	s14 =	simm.s32 $0x6300;
	[tilespmem:$0x6370] =	vst v48  }
0x17d: {  	[tilespmem:s17], [sflag:$0x1] =	stream.indirect.gather [hbm4b:s3+s16], $0x80, s14, s16, $0xb8;
	[tilespmem:$0x1E400] =	vst v63  }
0x17e: {  	v49 =	vld [tilespmem:$0x6380]  }
0x17f: {  	v50 =	vld [tilespmem:$0x6390]  }
0x180: {  	v51 =	vld [tilespmem:$0x63A0]  }
0x181: {  	v52 =	vld [tilespmem:$0x63B0]  }
0x182: {  	v53 =	vld [tilespmem:$0x63C0]  }
0x183: {  	v54 =	vld [tilespmem:$0x63D0];
	v0 =	vadd.s32 $0x1, v49  }
0x184: {  	v56 =	vld [tilespmem:$0x63E0];
	v55 =	vadd.s32 $0x1, v50;
	[tilespmem:$0x6380] =	vst v0  }
0x185: {  	v58 =	vld [tilespmem:$0x63F0];
	v57 =	vadd.s32 $0x1, v51;
	[tilespmem:$0x6390] =	vst v55  }
0x186: {  	v59 =	vadd.s32 $0x1, v52;
	[tilespmem:$0x63A0] =	vst v57  }
0x187: {  	v60 =	vadd.s32 $0x1, v53;
	[tilespmem:$0x63B0] =	vst v59  }
0x188: {  	v61 =	vadd.s32 $0x1, v54;
	[tilespmem:$0x63C0] =	vst v60  }
0x189: {  	v62 =	vadd.s32 $0x1, v56;
	[tilespmem:$0x63D0] =	vst v61  }
0x18a: {  	v63 =	vadd.s32 $0x1, v58;
	[tilespmem:$0x63E0] =	vst v62  }
0x18b: {  	s21 =	simm.s32 $0x6380;
	[tilespmem:$0x63F0] =	vst v63  }
0x18c: {  	[tilespmem:s18], [sflag:$0x1] =	stream.indirect.gather [hbm4b:s3+s16], $0x80, s21, s16, $0xb8;
	[tilespmem:$0x1E400] =	vst v63  }
0x18d: {  	_ =	swait.ge [sflag:s1], $0x4000  }
0x18e: {  	[sflag:s1] =	ssyncset.done $0x0  }
0x18f: {  	[sflag:s1] =	ssyncadd.s32 $0xFFFFC000  }
0x190: {  	_ =	swait.ge [sflag:s1], $0x4000  }
0x191: {  	[sflag:s1] =	ssyncset.done $0x0  }
0x192: {  	[sflag:s1] =	ssyncadd.s32 $0xFFFFC000  }
0x193: {  	[hbm4b:s9+s2] =	stream.linear.scatter [tilespmem:s20], [sflag:$0x5], $0x8000, $0x38;
	[tilespmem:$0x1E400] =	vst v63  }
0x194: {  	_ =	swait.ge [sflag:s23], $0x4000  }
0x195: {  	[sflag:s23] =	ssyncset.done $0x0  }
0x196: {  	[sflag:s23] =	ssyncadd.s32 $0xFFFFC000  }
0x197: {  	_ =	swait.ge [sflag:s23], $0x4000  }
0x198: {  	[sflag:s23] =	ssyncset.done $0x0  }
0x199: {  	[sflag:s23] =	ssyncadd.s32 $0xFFFFC000  }
0x19a: {  	[hbm4b:s10+s2] =	stream.linear.scatter [tilespmem:s24], [sflag:$0x6], $0x8000, $0x38;
	[tilespmem:$0x1E400] =	vst v63  }
0x19b: {  	_ =	swait.ge [sflag:s28], $0x4000  }
0x19c: {  	[sflag:s28] =	ssyncset.done $0x0  }
0x19d: {  	[sflag:s28] =	ssyncadd.s32 $0xFFFFC000  }
0x19e: {  	_ =	swait.ge [sflag:s28], $0x4000  }
0x19f: {  	[sflag:s28] =	ssyncset.done $0x0  }
0x1a0: {  	[sflag:s28] =	ssyncadd.s32 $0xFFFFC000  }
0x1a1: {  	[hbm4b:s11+s2] =	stream.linear.scatter [tilespmem:s17], [sflag:$0x4], $0x8000, $0x38;
	[tilespmem:$0x1E400] =	vst v63  }
0x1a2: {  	_ =	swait.ge [sflag:s0], $0x8000  }
0x1a3: {  	[sflag:s0] =	ssyncset.done $0x0  }
0x1a4: {  	s30 =	sadd.s32 $0x1, s30;
	[sflag:s0] =	ssyncadd.s32 $0xFFFF8000  }
0x1a5: {  	p0 =	sne.s32 s30, s12;
	_ =	swait.ge [sflag:s25], $0x8000  }
.Ltmp1:
0x1a6: {  	[sflag:s25] =	ssyncset.done $0x0;
	(pc) =	sbr.rel @p0 .LBB2_1-.Ltmp1, $4  }
0x1a7: {  	[sflag:s25] =	ssyncadd.s32 $0xFFFF8000  }
0x1a8: {  	_ =	swait.ge [sflag:s29], $0x8000  }
0x1a9: {  	[sflag:s29] =	ssyncset.done $0x0  }
0x1aa: {  	[sflag:s29] =	ssyncadd.s32 $0xFFFF8000  }
0x1ab: {  	_ =	sfence.sel $0x180000  }
0x1ac: {  	[bflag:$0x0] =	sbarrier.arrive $0xFFFF  }
0x1ad: {  	_ =	strace $0x90000047  }
0x1ae: {  	s0 =	stileid.u32;
	[bflag:$0x2] =	sbarrier.arrive $0xFFFF  }
0x1af: {  	p0 =	sne.s32 s0, $0x0;
	s0 =	rddreg [dreg:$0x2]  }
0x1b0: {  	s0 =	sadd.s32 @!p0 $0x100000, s0  }
0x1b1: {  	[sflag:s0] =	ssyncadd.tile.s32 @!p0 $0x1;
	_ =	shalt  }
.Lfunc_end2:
_tile_overlayer_lowered:
.L_overlay_start_2:
0x1b2: {  	(tag) =	ssettag $0x2  }
0x1b3: {  	s0 =	rddreg [dreg:$0x0];
	s2 =	stileid.u32  }
0x1b4: {  	s1 =	rddreg [dreg:$0x1];
	p0 =	sne.s32 s2, $0x0  }
0x1b5: {  	s3 =	rddreg [dreg:$0x2];
	[bflag:$0x3] =	sbarrier.arrive $0xFFFF;
	s2 =	simm.s32 @!p0 $0x1C07  }
0x1b6: {  	[timem:s3], [sflag:s2] =	dma.local @!p0 [hbm:s0], s1  }
0x1b7: {  	s0 =	simm.s32 @!p0 $0x7  }
0x1b8: {  	_ =	swait.ge @!p0 [sflag:s0], s1  }
0x1b9: {  	s1 =	ssub.s32 @!p0 $0x0, s1;
	[sflag:s0] =	ssyncset.done @!p0 $0x0  }
0x1ba: {  	[sflag:s0] =	ssyncadd.s32 @!p0 s1  }
0x1bb: {  	[bflag:$0x3] =	sbarrier.arrive $0xFFFF  }
0x1bc: {  	_ =	shalt  }

</sc_bundles>
